<compile_context>
chip_gen: v7x
topology: tpu7x:2x2x1
jax: 0.10.2.dev20260603
libtpu: 0.0.44.dev20260713+nightly
codegen_flags: <defaults>
</compile_context>

<pallas_src>
import math

import jax
import jax.numpy as jnp
from jax.experimental import pallas as pl

N = 50000
E = 800000
SEQ = 8
WLEN = 10
CFILT = 3
CL = SEQ * (WLEN + CFILT - 1) + CFILT - 1
CPOS = SEQ * (WLEN + CFILT - 1)
WVOCAB = 30000
WDIM = 128
CVOCAB = 100
CDIM = 32
CFEAT = 32
HID = 32
LSTM_IN = WDIM + CFEAT
RATIO = 0.5


def _nf_body(we_ref, chars_ref, cemb_ref, convw_ref, convb_ref,
             wfih_ref, wfhh_ref, bf_ref, wbih_ref, wbhh_ref, bb_ref,
             out_ref):
    T = we_ref.shape[0]
    R = T * CL
    cemb = cemb_ref[...]
    u = jnp.concatenate(
        [jnp.dot(cemb, convw_ref[:, :, t].T, preferred_element_type=jnp.float32)
         for t in range(CFILT)], axis=1)
    chars_flat = chars_ref[...]
    oh = (chars_flat ==
          jax.lax.broadcasted_iota(jnp.int32, (R, CVOCAB), 1)).astype(jnp.float32)
    a = jnp.dot(oh, u, preferred_element_type=jnp.float32)
    cb = (a[0:R - 2, 0:CFEAT] + a[1:R - 1, CFEAT:2 * CFEAT]
          + a[2:R, 2 * CFEAT:3 * CFEAT])
    cb = jnp.concatenate([cb, jnp.zeros((2, CFEAT), jnp.float32)], axis=0)
    cb = cb.reshape(T, CL, CFEAT)[:, 0:CPOS, :].reshape(T * SEQ, WLEN + CFILT - 1, CFEAT)
    cf = jnp.max(cb, axis=1) + convb_ref[...][None, :]
    cf3 = jnp.tanh(cf).reshape(T, SEQ, CFEAT)

    we3 = we_ref[...]
    masks = [(jax.lax.broadcasted_iota(jnp.int32, (1, SEQ, 1), 1) == t
              ).astype(jnp.float32) for t in range(SEQ)]
    xts = [jnp.concatenate([jnp.sum(we3 * masks[t], axis=1),
                            jnp.sum(cf3 * masks[t], axis=1)], axis=1)
           for t in range(SEQ)]
    wfih = wfih_ref[...]; wfhh = wfhh_ref[...]; bf = bf_ref[...]
    wbih = wbih_ref[...]; wbhh = wbhh_ref[...]; bb = bb_ref[...]

    def run_dir(w_ih, w_hh, b, reverse):
        h = jnp.zeros((T, HID), jnp.float32)
        c = jnp.zeros((T, HID), jnp.float32)
        order = range(SEQ - 1, -1, -1) if reverse else range(SEQ)
        for t in order:
            xt = xts[t]
            g = (jnp.dot(xt, w_ih.T, preferred_element_type=jnp.float32)
                 + jnp.dot(h, w_hh.T, preferred_element_type=jnp.float32) + b[None, :])
            gi = jax.nn.sigmoid(g[:, 0:HID])
            gf = jax.nn.sigmoid(g[:, HID:2 * HID])
            gg = jnp.tanh(g[:, 2 * HID:3 * HID])
            go = jax.nn.sigmoid(g[:, 3 * HID:4 * HID])
            c = gf * c + gi * gg
            h = go * jnp.tanh(c)
        return h

    hf = run_dir(wfih, wfhh, bf, False)
    hb = run_dir(wbih, wbhh, bb, True)
    out_ref[...] = jnp.concatenate([hf, hb], axis=1)


def _node_features(we_flat, chars, char_emb, conv_w, conv_b,
                   wf_ih, wf_hh, bf, wb_ih, wb_hh, bb, tile=80, interpret=False):
    n = we_flat.shape[0]
    we_flat = we_flat.reshape(n, SEQ, WDIM)
    full = lambda shape: pl.BlockSpec(shape, lambda i: tuple(0 for _ in shape))
    return pl.pallas_call(
        _nf_body,
        grid=(n // tile,),
        in_specs=[
            pl.BlockSpec((tile, SEQ, WDIM), lambda i: (i, 0, 0)),
            pl.BlockSpec((tile * CL, 1), lambda i: (i, 0)),
            full(char_emb.shape), full(conv_w.shape), full(conv_b.shape),
            full(wf_ih.shape), full(wf_hh.shape), full(bf.shape),
            full(wb_ih.shape), full(wb_hh.shape), full(bb.shape),
        ],
        out_specs=pl.BlockSpec((tile, 2 * HID), lambda i: (i, 0)),
        out_shape=jax.ShapeDtypeStruct((n, 2 * HID), jnp.float32),
        interpret=interpret,
    )(we_flat, chars.reshape(n * CL, 1), char_emb, conv_w, conv_b,
      wf_ih, wf_hh, bf, wb_ih, wb_hh, bb)


def _topk_body(score_ref, idx3_ref, map_ref, tfac_ref, nidx_ref, *, k, n):
    rows, lanes = score_ref.shape
    score = score_ref[...]
    f = (jax.lax.broadcasted_iota(jnp.int32, (rows, lanes), 0) * lanes
         + jax.lax.broadcasted_iota(jnp.int32, (rows, lanes), 1))
    i1 = idx3_ref[0]
    i2 = idx3_ref[1]
    i3 = idx3_ref[2]
    big = (f == i1) | (f == i2) | (f == i3)
    score = jnp.where(big, jnp.float32(1e9), score)
    score = jnp.where(f >= n, jnp.float32(-jnp.inf), score)
    szero = jnp.where(score == jnp.float32(0.0), jnp.float32(0.0), score)
    b = jax.lax.bitcast_convert_type(szero, jnp.int32)
    v = jnp.where(b < 0,
                  jnp.bitwise_xor(jnp.bitwise_not(b), jnp.int32(-2**31)), b)
    cnt0 = jnp.sum((v >= 0).astype(jnp.float32))
    t = jnp.where(cnt0 >= k, jnp.int32(0), jnp.int32(-2**31))
    for bit in range(30, -1, -1):
        cand = t + jnp.int32(1 << bit)
        cnt = jnp.sum((v >= cand).astype(jnp.float32))
        t = jnp.where(cnt >= k, cand, t)
    gt = v > t
    eq = v == t
    m_eq = jnp.float32(k) - jnp.sum(gt.astype(jnp.float32))
    ltri_r = (jax.lax.broadcasted_iota(jnp.int32, (rows, rows), 0)
              > jax.lax.broadcasted_iota(jnp.int32, (rows, rows), 1)).astype(jnp.float32)
    ltri_l = (jax.lax.broadcasted_iota(jnp.int32, (lanes, lanes), 0)
              < jax.lax.broadcasted_iota(jnp.int32, (lanes, lanes), 1)).astype(jnp.float32)

    def eprefix(m):
        mf = m.astype(jnp.float32)
        in_row = jnp.dot(mf, ltri_l, preferred_element_type=jnp.float32)
        rs = jnp.sum(mf, axis=1, keepdims=True)
        offs = jnp.dot(ltri_r, rs, preferred_element_type=jnp.float32)
        return in_row + offs

    eqr = eprefix(eq)
    sel = gt | (eq & (eqr < m_eq))
    mapping = eprefix(sel).astype(jnp.int32)
    mapping = jnp.where(sel, mapping, jnp.int32(-1))
    map_ref[...] = mapping
    tfac_ref[...] = jnp.where(sel, score, jnp.float32(-jnp.inf))
    lane1 = jax.lax.broadcasted_iota(jnp.int32, (1, lanes), 1)
    v1 = jnp.sum(jnp.where(f == i1, mapping, 0))
    v2 = jnp.sum(jnp.where(f == i2, mapping, 0))
    v3 = jnp.sum(jnp.where(f == i3, mapping, 0))
    nidx_ref[...] = jnp.where(lane1 == 0, v1,
                              jnp.where(lane1 == 1, v2,
                                        jnp.where(lane1 == 2, v3, 0)))


def _topk_select(score, idx3, k, interpret=False):
    import functools
    from jax.experimental.pallas import tpu as pltpu
    n = score.shape[0]
    lanes = 128
    rows = (n + lanes - 1) // lanes
    np_ = rows * lanes
    score2 = jnp.pad(score, (0, np_ - n)).reshape(rows, lanes)
    mapping, tfac, nidx = pl.pallas_call(
        functools.partial(_topk_body, k=k, n=n),
        in_specs=[pl.BlockSpec((rows, lanes), lambda: (0, 0)),
                  pl.BlockSpec(memory_space=pltpu.SMEM)],
        out_specs=[pl.BlockSpec((rows, lanes), lambda: (0, 0)),
                   pl.BlockSpec((rows, lanes), lambda: (0, 0)),
                   pl.BlockSpec((1, lanes), lambda: (0, 0))],
        out_shape=[jax.ShapeDtypeStruct((rows, lanes), jnp.int32),
                   jax.ShapeDtypeStruct((rows, lanes), jnp.float32),
                   jax.ShapeDtypeStruct((1, lanes), jnp.int32)],
        interpret=interpret,
    )(score2, idx3)
    sc_sel = tfac.reshape(np_)[:n]
    tfac_x = jnp.where(sc_sel > jnp.float32(-jnp.inf), jnp.tanh(sc_sel), 0.0)
    return mapping.reshape(np_)[:n], tfac_x, nidx[0, :3]


def _gcn(x, src, dst, ew, W, b):
    xw = x @ W
    n = x.shape[0]
    deg = jnp.zeros((n,), x.dtype) + 2.0
    dinv = jax.lax.rsqrt(deg)
    agg = xw
    agg = agg + xw * (dinv * dinv)[:, None]
    return agg + b


def _kgpool(x, src, dst, ew, n1, n2, sidx, w, b):
    n = x.shape[0]
    k = int(math.ceil(RATIO * n))
    score = _gcn(x, src, dst, ew, w, b)[:, 0]
    idx3 = jnp.stack([n1[0], n2[0], sidx[0]]).astype(jnp.int32)
    mapping, tfac, nidx = _topk_select(score, idx3, k)
    sel_idx = jnp.nonzero(mapping >= 0, size=k, fill_value=0)[0]
    xk = x[sel_idx] * tfac[sel_idx][:, None]
    vs = mapping[src]
    vd = mapping[dst]
    valid = (vs >= 0) & (vd >= 0) & (ew > 0)
    nsrc = jnp.where(valid, vs, 0)
    ndst = jnp.where(valid, vd, 0)
    new_ew = valid.astype(x.dtype)
    return xk, nsrc, ndst, new_ew, nidx[0:1], nidx[1:2], nidx[2:3]


def kernel(words, chars, edge_index, batch, entity_indices, sent_indices,
           word_emb, char_emb, conv_w, conv_b,
           wf_ih, wf_hh, bf_ih, bf_hh, wb_ih, wb_hh, bb_ih, bb_hh,
           gcn1_w, gcn1_b, gcn2_w, gcn2_b, gcn3_w, gcn3_b,
           pool1_w, pool1_b, pool2_w, pool2_b, pool3_w, pool3_b):
    n1 = entity_indices[:, 0]
    n2 = entity_indices[:, 1]
    sidx = jnp.reshape(sent_indices, (-1,))

    we_flat = word_emb[words].reshape(N, SEQ * WDIM)
    x = _node_features(we_flat, chars, char_emb, conv_w, conv_b,
                       wf_ih, wf_hh, bf_ih + bf_hh,
                       wb_ih, wb_hh, bb_ih + bb_hh)

    src = edge_index[0]
    dst = edge_index[1]
    ew = jnp.ones((E,), x.dtype)
    outs = []
    for gw, gb, pw, pb in ((gcn1_w, gcn1_b, pool1_w, pool1_b),
                           (gcn2_w, gcn2_b, pool2_w, pool2_b),
                           (gcn3_w, gcn3_b, pool3_w, pool3_b)):
        x = jax.nn.relu(_gcn(x, src, dst, ew, gw, gb))
        x, src, dst, ew, n1, n2, sidx = _kgpool(x, src, dst, ew, n1, n2, sidx, pw, pb)
        xb = jnp.concatenate([jnp.max(x, axis=0, keepdims=True),
                              jnp.mean(x, axis=0, keepdims=True)], axis=1)
        outs.append((xb, x[n1], x[n2], x[sidx]))
    e1_cat = jnp.concatenate([o[1] for o in outs], axis=1)
    e2_cat = jnp.concatenate([o[2] for o in outs], axis=1)
    s_cat = jnp.concatenate([o[3] for o in outs], axis=1)
    xsum = outs[0][0] + outs[1][0] + outs[2][0]
    return jnp.concatenate([e1_cat, e2_cat, s_cat, xsum], axis=1)

# --- scband reference (transcript-rebuilt; emitter-appended) ---
"""Pipeline reference for scband-net-17197049053679 (READ-ONLY COPY).

The authoritative reference and input builder live on the scoring server;
editing this copy changes nothing except your own understanding.
"""

import jax, jax.numpy as jnp
import numpy as np
import math

N = 50000
E = 800000
SEQ = 8
WLEN = 10
CFILT = 3
CL = SEQ * (WLEN + CFILT - 1) + CFILT - 1  # 98
WVOCAB = 30000
WDIM = 128
CVOCAB = 100
CDIM = 32
CFEAT = 32
HID = 32
NF = 2 * HID
NHID = 64
RATIO = 0.5
LSTM_IN = WDIM + CFEAT


def lstm_dir(x, w_ih, w_hh, b_ih, b_hh):
    nb = x.shape[0]
    h0 = jnp.zeros((nb, HID), x.dtype)
    c0 = jnp.zeros((nb, HID), x.dtype)

    def step(carry, xt):
        h, c = carry
        g = xt @ w_ih.T + b_ih + h @ w_hh.T + b_hh
        i, f, gg, o = jnp.split(g, 4, axis=-1)
        i = jax.nn.sigmoid(i)
        f = jax.nn.sigmoid(f)
        gg = jnp.tanh(gg)
        o = jax.nn.sigmoid(o)
        c = f * c + i * gg
        h = o * jnp.tanh(c)
        return (h, c), None

    (hT, cT), _ = jax.lax.scan(step, (h0, c0), jnp.swapaxes(x, 0, 1))
    return hT


def gcn(x, src, dst, ew, W, b):
    xw = x @ W
    n = x.shape[0]
    deg = jnp.zeros((n,), x.dtype).at[dst].add(ew) + 1.0
    dinv = jax.lax.rsqrt(deg)
    coef = ew * dinv[src] * dinv[dst]
    agg = jnp.zeros_like(xw).at[dst].add(coef[:, None] * xw[src])
    agg = agg + xw * (dinv * dinv)[:, None]
    return agg + b


def gmp(x, batch):
    return jax.ops.segment_max(x, batch, num_segments=1)


def gap(x, batch):
    s = jax.ops.segment_sum(x, batch, num_segments=1)
    c = jax.ops.segment_sum(jnp.ones((x.shape[0], 1), x.dtype), batch, num_segments=1)
    return s / c


def kgpool(x, src, dst, ew, batch, n1, n2, sidx, w, b):
    n = x.shape[0]
    k = int(math.ceil(RATIO * n))
    score = gcn(x, src, dst, ew, w, b)[:, 0]
    big = jnp.asarray(1e9, x.dtype)
    score = score.at[n1].set(big).at[n2].set(big).at[sidx].set(big)
    _, perm = jax.lax.top_k(score, k)
    xk = x[perm] * jnp.tanh(score[perm])[:, None]
    mapping = jnp.full((n,), -1, dtype=jnp.int32).at[perm].set(jnp.arange(k, dtype=jnp.int32))
    vs = mapping[src]
    vd = mapping[dst]
    valid = (vs >= 0) & (vd >= 0) & (ew > 0)
    nsrc = jnp.where(valid, vs, 0)
    ndst = jnp.where(valid, vd, 0)
    new_ew = valid.astype(x.dtype)
    return xk, nsrc, ndst, new_ew, batch[perm], mapping[n1], mapping[n2], mapping[sidx]


def setup_inputs(seed: int = 0):
    key = jax.random.key(seed)
    ks = jax.random.split(key, 40)
    s = 0.05
    inp = {}
    inp['words'] = jax.random.randint(ks[0], (N, SEQ), 0, WVOCAB, dtype=jnp.int32)
    inp['chars'] = jax.random.randint(ks[1], (N, CL), 0, CVOCAB, dtype=jnp.int32)
    inp['edge_index'] = jax.random.randint(ks[2], (2, E), 0, N, dtype=jnp.int32)
    inp['batch'] = jnp.zeros((N,), dtype=jnp.int32)
    inp['entity_indices'] = jax.random.randint(ks[3], (1, 2), 0, N, dtype=jnp.int32)
    inp['sent_indices'] = jax.random.randint(ks[4], (1, 1), 0, N, dtype=jnp.int32)
    inp['word_emb'] = jax.random.normal(ks[5], (WVOCAB, WDIM), jnp.float32) * s
    inp['char_emb'] = jax.random.normal(ks[6], (CVOCAB, CDIM), jnp.float32) * s
    inp['conv_w'] = jax.random.normal(ks[7], (CFEAT, CDIM, CFILT), jnp.float32) * s
    inp['conv_b'] = jnp.zeros((CFEAT,), jnp.float32)
    inp['wf_ih'] = jax.random.normal(ks[8], (4 * HID, LSTM_IN), jnp.float32) * s
    inp['wf_hh'] = jax.random.normal(ks[9], (4 * HID, HID), jnp.float32) * s
    inp['bf_ih'] = jnp.zeros((4 * HID,), jnp.float32)
    inp['bf_hh'] = jnp.zeros((4 * HID,), jnp.float32)
    inp['wb_ih'] = jax.random.normal(ks[10], (4 * HID, LSTM_IN), jnp.float32) * s
    inp['wb_hh'] = jax.random.normal(ks[11], (4 * HID, HID), jnp.float32) * s
    inp['bb_ih'] = jnp.zeros((4 * HID,), jnp.float32)
    inp['bb_hh'] = jnp.zeros((4 * HID,), jnp.float32)
    inp['gcn1_w'] = jax.random.normal(ks[12], (NF, NHID), jnp.float32) * s
    inp['gcn1_b'] = jnp.zeros((NHID,), jnp.float32)
    inp['gcn2_w'] = jax.random.normal(ks[13], (NHID, NHID), jnp.float32) * s
    inp['gcn2_b'] = jnp.zeros((NHID,), jnp.float32)
    inp['gcn3_w'] = jax.random.normal(ks[14], (NHID, NHID), jnp.float32) * s
    inp['gcn3_b'] = jnp.zeros((NHID,), jnp.float32)
    inp['pool1_w'] = jax.random.normal(ks[15], (NHID, 1), jnp.float32) * s
    inp['pool1_b'] = jnp.zeros((1,), jnp.float32)
    inp['pool2_w'] = jax.random.normal(ks[16], (NHID, 1), jnp.float32) * s
    inp['pool2_b'] = jnp.zeros((1,), jnp.float32)
    inp['pool3_w'] = jax.random.normal(ks[17], (NHID, 1), jnp.float32) * s
    inp['pool3_b'] = jnp.zeros((1,), jnp.float32)
    return inp


def reference(words, chars, edge_index, batch, entity_indices, sent_indices,
              word_emb, char_emb, conv_w, conv_b,
              wf_ih, wf_hh, bf_ih, bf_hh, wb_ih, wb_hh, bb_ih, bb_hh,
              gcn1_w, gcn1_b, gcn2_w, gcn2_b, gcn3_w, gcn3_b,
              pool1_w, pool1_b, pool2_w, pool2_b, pool3_w, pool3_b):
    n1 = entity_indices[:, 0]
    n2 = entity_indices[:, 1]
    sidx = jnp.reshape(sent_indices, (-1,))
    # NodeFeature: word emb + char CNN + biLSTM final hidden
    we = word_emb[words]                              # [N, SEQ, WDIM]
    ce = char_emb[chars]                              # [N, CL, CDIM]
    ce = jnp.transpose(ce, (0, 2, 1))                 # [N, CDIM, CL]
    cf = jax.lax.conv_general_dilated(ce, conv_w, (1,), 'VALID',
                                      dimension_numbers=('NCH', 'OIH', 'NCH'))
    cf = cf + conv_b[None, :, None]                   # [N, CFEAT, 96]
    cf = cf.reshape(N, CFEAT, SEQ, WLEN + CFILT - 1).max(axis=-1)
    cf = jnp.tanh(cf)                                 # [N, CFEAT, SEQ]
    cf = jnp.transpose(cf, (0, 2, 1))                 # [N, SEQ, CFEAT]
    wi = jnp.concatenate([we, cf], axis=-1)           # [N, SEQ, LSTM_IN]
    hf = lstm_dir(wi, wf_ih, wf_hh, bf_ih, bf_hh)
    hb = lstm_dir(wi[:, ::-1, :], wb_ih, wb_hh, bb_ih, bb_hh)
    x = jnp.concatenate([hf, hb], axis=-1)            # [N, 64]
    src = edge_index[0]
    dst = edge_index[1]
    ew = jnp.ones((E,), x.dtype)
    # block 1
    x = jax.nn.relu(gcn(x, src, dst, ew, gcn1_w, gcn1_b))
    x, src, dst, ew, batch, n1, n2, sidx = kgpool(x, src, dst, ew, batch, n1, n2, sidx, pool1_w, pool1_b)
    x1 = jnp.concatenate([gmp(x, batch), gap(x, batch)], axis=1)
    e1_x1 = x[n1]; e2_x1 = x[n2]; s_x1 = x[sidx]
    # block 2
    x = jax.nn.relu(gcn(x, src, dst, ew, gcn2_w, gcn2_b))
    x, src, dst, ew, batch, n1, n2, sidx = kgpool(x, src, dst, ew, batch, n1, n2, sidx, pool2_w, pool2_b)
    x2 = jnp.concatenate([gmp(x, batch), gap(x, batch)], axis=1)
    e1_x2 = x[n1]; e2_x2 = x[n2]; s_x2 = x[sidx]
    # block 3
    x = jax.nn.relu(gcn(x, src, dst, ew, gcn3_w, gcn3_b))
    x, src, dst, ew, batch, n1, n2, sidx = kgpool(x, src, dst, ew, batch, n1, n2, sidx, pool3_w, pool3_b)
    x3 = jnp.concatenate([gmp(x, batch), gap(x, batch)], axis=1)
    e1_x3 = x[n1]; e2_x3 = x[n2]; s_x3 = x[sidx]
    e1_cat = jnp.concatenate([e1_x1, e1_x2, e1_x3], axis=1)
    e2_cat = jnp.concatenate([e2_x1, e2_x2, e2_x3], axis=1)
    s_cat = jnp.concatenate([s_x1, s_x2, s_x3], axis=1)
    xsum = x1 + x2 + x3
    out = jnp.concatenate([e1_cat, e2_cat, s_cat, xsum], axis=1)
    return out

if __name__ == "__main__":
    import jax
    _d = setup_inputs()
    print(jax.jit(kernel)(*tuple(_d.values())))

</pallas_src>

<mosaic_0001>
module attributes {stable_mosaic.version = 14 : i64} {
  func.func @_nf_body(%arg0: i32, %arg1: memref<80x8x128xf32, #tpu.memory_space<vmem>>, %arg2: memref<7840x1xi32, #tpu.memory_space<vmem>>, %arg3: memref<100x32xf32, #tpu.memory_space<vmem>>, %arg4: memref<32x32x3xf32, #tpu.memory_space<vmem>>, %arg5: memref<32xf32, #tpu.memory_space<vmem>>, %arg6: memref<128x160xf32, #tpu.memory_space<vmem>>, %arg7: memref<128x32xf32, #tpu.memory_space<vmem>>, %arg8: memref<128xf32, #tpu.memory_space<vmem>>, %arg9: memref<128x160xf32, #tpu.memory_space<vmem>>, %arg10: memref<128x32xf32, #tpu.memory_space<vmem>>, %arg11: memref<128xf32, #tpu.memory_space<vmem>>, %arg12: memref<80x64xf32, #tpu.memory_space<vmem>>) attributes {dimension_semantics = [#tpu.dimension_semantics<arbitrary>], iteration_bounds = array<i64: 625>, scalar_prefetch = 0 : i64, scratch_operands = 0 : i64, tpu.core_type = #tpu.core_type<tc>, window_params = [{transform_indices = @transform_0, window_bounds = array<i64: 80, 8, 128>}, {transform_indices = @transform_1, window_bounds = array<i64: 7840, 1>}, {pipeline_mode = #tpu.pipeline_mode<synchronous>, transform_indices = @transform_2, window_bounds = array<i64: 100, 32>}, {pipeline_mode = #tpu.pipeline_mode<synchronous>, transform_indices = @transform_3, window_bounds = array<i64: 32, 32, 3>}, {pipeline_mode = #tpu.pipeline_mode<synchronous>, transform_indices = @transform_4, window_bounds = array<i64: 32>}, {pipeline_mode = #tpu.pipeline_mode<synchronous>, transform_indices = @transform_5, window_bounds = array<i64: 128, 160>}, {pipeline_mode = #tpu.pipeline_mode<synchronous>, transform_indices = @transform_6, window_bounds = array<i64: 128, 32>}, {pipeline_mode = #tpu.pipeline_mode<synchronous>, transform_indices = @transform_7, window_bounds = array<i64: 128>}, {pipeline_mode = #tpu.pipeline_mode<synchronous>, transform_indices = @transform_8, window_bounds = array<i64: 128, 160>}, {pipeline_mode = #tpu.pipeline_mode<synchronous>, transform_indices = @transform_9, window_bounds = array<i64: 128, 32>}, {pipeline_mode = #tpu.pipeline_mode<synchronous>, transform_indices = @transform_10, window_bounds = array<i64: 128>}, {transform_indices = @transform_11, window_bounds = array<i64: 80, 64>}]} {
    %get3A = arith.constant 0 : index
    %get3A_0 = arith.constant 0 : index
    %get3A_1 = vector.load %arg3[%get3A, %get3A_0] : memref<100x32xf32, #tpu.memory_space<vmem>>, vector<100x32xf32>
    %get3A_2 = arith.constant 0 : index
    %get3A_3 = arith.constant 0 : index
    %get3A_4 = arith.constant 0 : index
    %get3A_5 = vector.load %arg4[%get3A_2, %get3A_3, %get3A_4] : memref<32x32x3xf32, #tpu.memory_space<vmem>>, vector<32x32x1xf32>
    %get3A_6 = vector.shape_cast %get3A_5 : vector<32x32x1xf32> to vector<32x32xf32>
    %transpose3A = tpu.transpose %get3A_6, [1, 0] : vector<32x32xf32> -> vector<32x32xf32>
    %dot_general3A = arith.constant dense<0.000000e+00> : vector<100x32xf32>
    %dot_general3A_7 = tpu.matmul %get3A_1, %transpose3A, %dot_general3A {dimension_numbers = #tpu.dot_dimension_numbers<[1], [0], [0], [1], [0, 0, 1, 1], [], []>, transpose_lhs_hint = false} : vector<100x32xf32>, vector<32x32xf32>, vector<100x32xf32> -> vector<100x32xf32>
    %get3A_8 = arith.constant 0 : index
    %get3A_9 = arith.constant 0 : index
    %get3A_10 = arith.constant 1 : index
    %get3A_11 = vector.load %arg4[%get3A_8, %get3A_9, %get3A_10] : memref<32x32x3xf32, #tpu.memory_space<vmem>>, vector<32x32x1xf32>
    %get3A_12 = vector.shape_cast %get3A_11 : vector<32x32x1xf32> to vector<32x32xf32>
    %transpose3A_13 = tpu.transpose %get3A_12, [1, 0] : vector<32x32xf32> -> vector<32x32xf32>
    %dot_general3A_14 = arith.constant dense<0.000000e+00> : vector<100x32xf32>
    %dot_general3A_15 = tpu.matmul %get3A_1, %transpose3A_13, %dot_general3A_14 {dimension_numbers = #tpu.dot_dimension_numbers<[1], [0], [0], [1], [0, 0, 1, 1], [], []>, transpose_lhs_hint = false} : vector<100x32xf32>, vector<32x32xf32>, vector<100x32xf32> -> vector<100x32xf32>
    %get3A_16 = arith.constant 0 : index
    %get3A_17 = arith.constant 0 : index
    %get3A_18 = arith.constant 2 : index
    %get3A_19 = vector.load %arg4[%get3A_16, %get3A_17, %get3A_18] : memref<32x32x3xf32, #tpu.memory_space<vmem>>, vector<32x32x1xf32>
    %get3A_20 = vector.shape_cast %get3A_19 : vector<32x32x1xf32> to vector<32x32xf32>
    %transpose3A_21 = tpu.transpose %get3A_20, [1, 0] : vector<32x32xf32> -> vector<32x32xf32>
    %dot_general3A_22 = arith.constant dense<0.000000e+00> : vector<100x32xf32>
    %dot_general3A_23 = tpu.matmul %get3A_1, %transpose3A_21, %dot_general3A_22 {dimension_numbers = #tpu.dot_dimension_numbers<[1], [0], [0], [1], [0, 0, 1, 1], [], []>, transpose_lhs_hint = false} : vector<100x32xf32>, vector<32x32xf32>, vector<100x32xf32> -> vector<100x32xf32>
    %concatenate3A = tpu.concatenate %dot_general3A_7, %dot_general3A_15, %dot_general3A_23 in 1 : vector<100x32xf32>, vector<100x32xf32>, vector<100x32xf32> -> vector<100x96xf32>
    %get3A_24 = arith.constant 0 : index
    %get3A_25 = arith.constant 0 : index
    %get3A_26 = vector.load %arg2[%get3A_24, %get3A_25] : memref<7840x1xi32, #tpu.memory_space<vmem>>, vector<7840x1xi32>
    %iota3A = tpu.iota {dimensions = array<i32: 1>} : vector<7840x100xi32>
    %eq3A = vector.broadcast %get3A_26 : vector<7840x1xi32> to vector<7840x100xi32>
    %eq3A_27 = arith.cmpi eq, %eq3A, %iota3A : vector<7840x100xi32>
    %convert_element_type3A = arith.extui %eq3A_27 : vector<7840x100xi1> to vector<7840x100xi32>
    %convert_element_type3A_28 = arith.sitofp %convert_element_type3A : vector<7840x100xi32> to vector<7840x100xf32>
    %dot_general3A_29 = arith.constant dense<0.000000e+00> : vector<7840x96xf32>
    %dot_general3A_30 = tpu.matmul %convert_element_type3A_28, %concatenate3A, %dot_general3A_29 {dimension_numbers = #tpu.dot_dimension_numbers<[1], [0], [0], [1], [0, 0, 1, 1], [], []>, transpose_lhs_hint = false} : vector<7840x100xf32>, vector<100x96xf32>, vector<7840x96xf32> -> vector<7840x96xf32>
    %slice3A = vector.extract_strided_slice %dot_general3A_30 {offsets = [0, 0], sizes = [7838, 32], strides = [1, 1]} : vector<7840x96xf32> to vector<7838x32xf32>
    %slice3A_31 = vector.extract_strided_slice %dot_general3A_30 {offsets = [1, 32], sizes = [7838, 32], strides = [1, 1]} : vector<7840x96xf32> to vector<7838x32xf32>
    %add3A = arith.addf %slice3A, %slice3A_31 : vector<7838x32xf32>
    %slice3A_32 = vector.extract_strided_slice %dot_general3A_30 {offsets = [2, 64], sizes = [7838, 32], strides = [1, 1]} : vector<7840x96xf32> to vector<7838x32xf32>
    %add3A_33 = arith.addf %add3A, %slice3A_32 : vector<7838x32xf32>
    %broadcast_in_dim3A = arith.constant 0.000000e+00 : f32
    %broadcast_in_dim3A_34 = vector.broadcast %broadcast_in_dim3A : f32 to vector<2x32xf32>
    %concatenate3A_35 = tpu.concatenate %add3A_33, %broadcast_in_dim3A_34 in 0 : vector<7838x32xf32>, vector<2x32xf32> -> vector<7840x32xf32>
    %reshape3A = vector.shape_cast %concatenate3A_35 : vector<7840x32xf32> to vector<80x98x32xf32>
    %slice3A_36 = vector.extract_strided_slice %reshape3A {offsets = [0, 0, 0], sizes = [80, 96, 32], strides = [1, 1, 1]} : vector<80x98x32xf32> to vector<80x96x32xf32>
    %reshape3A_37 = vector.shape_cast %slice3A_36 : vector<80x96x32xf32> to vector<640x12x32xf32>
    %reduce_max3A = arith.constant dense<0xFF800000> : vector<640x32xf32>
    %reduce_max3A_38 = vector.multi_reduction <maximumf>, %reshape3A_37, %reduce_max3A [1] : vector<640x12x32xf32> to vector<640x32xf32>
    %get3A_39 = arith.constant 0 : index
    %get3A_40 = vector.load %arg5[%get3A_39] : memref<32xf32, #tpu.memory_space<vmem>>, vector<32xf32>
    %broadcast_in_dim3A_41 = vector.shape_cast %get3A_40 : vector<32xf32> to vector<1x32xf32>
    %add3A_42 = vector.broadcast %broadcast_in_dim3A_41 : vector<1x32xf32> to vector<640x32xf32>
    %add3A_43 = arith.addf %reduce_max3A_38, %add3A_42 : vector<640x32xf32>
    %tanh3A = math.tanh %add3A_43 : vector<640x32xf32>
    %reshape3A_44 = vector.shape_cast %tanh3A : vector<640x32xf32> to vector<80x8x32xf32>
    %get3A_45 = arith.constant 0 : index
    %get3A_46 = arith.constant 0 : index
    %get3A_47 = arith.constant 0 : index
    %get3A_48 = vector.load %arg1[%get3A_45, %get3A_46, %get3A_47] : memref<80x8x128xf32, #tpu.memory_space<vmem>>, vector<80x8x128xf32>
    %iota3A_49 = tpu.iota {dimensions = array<i32: 1>} : vector<1x8x1xi32>
    %eq3A_50 = arith.constant 0 : i32
    %eq3A_51 = vector.broadcast %eq3A_50 : i32 to vector<1x8x1xi32>
    %eq3A_52 = arith.cmpi eq, %iota3A_49, %eq3A_51 : vector<1x8x1xi32>
    %convert_element_type3A_53 = arith.extui %eq3A_52 : vector<1x8x1xi1> to vector<1x8x1xi32>
    %convert_element_type3A_54 = arith.sitofp %convert_element_type3A_53 : vector<1x8x1xi32> to vector<1x8x1xf32>
    %iota3A_55 = tpu.iota {dimensions = array<i32: 1>} : vector<1x8x1xi32>
    %eq3A_56 = arith.constant 1 : i32
    %eq3A_57 = vector.broadcast %eq3A_56 : i32 to vector<1x8x1xi32>
    %eq3A_58 = arith.cmpi eq, %iota3A_55, %eq3A_57 : vector<1x8x1xi32>
    %convert_element_type3A_59 = arith.extui %eq3A_58 : vector<1x8x1xi1> to vector<1x8x1xi32>
    %convert_element_type3A_60 = arith.sitofp %convert_element_type3A_59 : vector<1x8x1xi32> to vector<1x8x1xf32>
    %iota3A_61 = tpu.iota {dimensions = array<i32: 1>} : vector<1x8x1xi32>
    %eq3A_62 = arith.constant 2 : i32
    %eq3A_63 = vector.broadcast %eq3A_62 : i32 to vector<1x8x1xi32>
    %eq3A_64 = arith.cmpi eq, %iota3A_61, %eq3A_63 : vector<1x8x1xi32>
    %convert_element_type3A_65 = arith.extui %eq3A_64 : vector<1x8x1xi1> to vector<1x8x1xi32>
    %convert_element_type3A_66 = arith.sitofp %convert_element_type3A_65 : vector<1x8x1xi32> to vector<1x8x1xf32>
    %iota3A_67 = tpu.iota {dimensions = array<i32: 1>} : vector<1x8x1xi32>
    %eq3A_68 = arith.constant 3 : i32
    %eq3A_69 = vector.broadcast %eq3A_68 : i32 to vector<1x8x1xi32>
    %eq3A_70 = arith.cmpi eq, %iota3A_67, %eq3A_69 : vector<1x8x1xi32>
    %convert_element_type3A_71 = arith.extui %eq3A_70 : vector<1x8x1xi1> to vector<1x8x1xi32>
    %convert_element_type3A_72 = arith.sitofp %convert_element_type3A_71 : vector<1x8x1xi32> to vector<1x8x1xf32>
    %iota3A_73 = tpu.iota {dimensions = array<i32: 1>} : vector<1x8x1xi32>
    %eq3A_74 = arith.constant 4 : i32
    %eq3A_75 = vector.broadcast %eq3A_74 : i32 to vector<1x8x1xi32>
    %eq3A_76 = arith.cmpi eq, %iota3A_73, %eq3A_75 : vector<1x8x1xi32>
    %convert_element_type3A_77 = arith.extui %eq3A_76 : vector<1x8x1xi1> to vector<1x8x1xi32>
    %convert_element_type3A_78 = arith.sitofp %convert_element_type3A_77 : vector<1x8x1xi32> to vector<1x8x1xf32>
    %iota3A_79 = tpu.iota {dimensions = array<i32: 1>} : vector<1x8x1xi32>
    %eq3A_80 = arith.constant 5 : i32
    %eq3A_81 = vector.broadcast %eq3A_80 : i32 to vector<1x8x1xi32>
    %eq3A_82 = arith.cmpi eq, %iota3A_79, %eq3A_81 : vector<1x8x1xi32>
    %convert_element_type3A_83 = arith.extui %eq3A_82 : vector<1x8x1xi1> to vector<1x8x1xi32>
    %convert_element_type3A_84 = arith.sitofp %convert_element_type3A_83 : vector<1x8x1xi32> to vector<1x8x1xf32>
    %iota3A_85 = tpu.iota {dimensions = array<i32: 1>} : vector<1x8x1xi32>
    %eq3A_86 = arith.constant 6 : i32
    %eq3A_87 = vector.broadcast %eq3A_86 : i32 to vector<1x8x1xi32>
    %eq3A_88 = arith.cmpi eq, %iota3A_85, %eq3A_87 : vector<1x8x1xi32>
    %convert_element_type3A_89 = arith.extui %eq3A_88 : vector<1x8x1xi1> to vector<1x8x1xi32>
    %convert_element_type3A_90 = arith.sitofp %convert_element_type3A_89 : vector<1x8x1xi32> to vector<1x8x1xf32>
    %iota3A_91 = tpu.iota {dimensions = array<i32: 1>} : vector<1x8x1xi32>
    %eq3A_92 = arith.constant 7 : i32
    %eq3A_93 = vector.broadcast %eq3A_92 : i32 to vector<1x8x1xi32>
    %eq3A_94 = arith.cmpi eq, %iota3A_91, %eq3A_93 : vector<1x8x1xi32>
    %convert_element_type3A_95 = arith.extui %eq3A_94 : vector<1x8x1xi1> to vector<1x8x1xi32>
    %convert_element_type3A_96 = arith.sitofp %convert_element_type3A_95 : vector<1x8x1xi32> to vector<1x8x1xf32>
    %mul3A = vector.broadcast %convert_element_type3A_54 : vector<1x8x1xf32> to vector<80x8x128xf32>
    %mul3A_97 = arith.mulf %get3A_48, %mul3A : vector<80x8x128xf32>
    %reduce_sum3A = arith.constant dense<0.000000e+00> : vector<80x128xf32>
    %reduce_sum3A_98 = vector.multi_reduction <add>, %mul3A_97, %reduce_sum3A [1] : vector<80x8x128xf32> to vector<80x128xf32>
    %mul3A_99 = vector.broadcast %convert_element_type3A_54 : vector<1x8x1xf32> to vector<80x8x32xf32>
    %mul3A_100 = arith.mulf %reshape3A_44, %mul3A_99 : vector<80x8x32xf32>
    %reduce_sum3A_101 = arith.constant dense<0.000000e+00> : vector<80x32xf32>
    %reduce_sum3A_102 = vector.multi_reduction <add>, %mul3A_100, %reduce_sum3A_101 [1] : vector<80x8x32xf32> to vector<80x32xf32>
    %concatenate3A_103 = tpu.concatenate %reduce_sum3A_98, %reduce_sum3A_102 in 1 : vector<80x128xf32>, vector<80x32xf32> -> vector<80x160xf32>
    %mul3A_104 = vector.broadcast %convert_element_type3A_60 : vector<1x8x1xf32> to vector<80x8x128xf32>
    %mul3A_105 = arith.mulf %get3A_48, %mul3A_104 : vector<80x8x128xf32>
    %reduce_sum3A_106 = arith.constant dense<0.000000e+00> : vector<80x128xf32>
    %reduce_sum3A_107 = vector.multi_reduction <add>, %mul3A_105, %reduce_sum3A_106 [1] : vector<80x8x128xf32> to vector<80x128xf32>
    %mul3A_108 = vector.broadcast %convert_element_type3A_60 : vector<1x8x1xf32> to vector<80x8x32xf32>
    %mul3A_109 = arith.mulf %reshape3A_44, %mul3A_108 : vector<80x8x32xf32>
    %reduce_sum3A_110 = arith.constant dense<0.000000e+00> : vector<80x32xf32>
    %reduce_sum3A_111 = vector.multi_reduction <add>, %mul3A_109, %reduce_sum3A_110 [1] : vector<80x8x32xf32> to vector<80x32xf32>
    %concatenate3A_112 = tpu.concatenate %reduce_sum3A_107, %reduce_sum3A_111 in 1 : vector<80x128xf32>, vector<80x32xf32> -> vector<80x160xf32>
    %mul3A_113 = vector.broadcast %convert_element_type3A_66 : vector<1x8x1xf32> to vector<80x8x128xf32>
    %mul3A_114 = arith.mulf %get3A_48, %mul3A_113 : vector<80x8x128xf32>
    %reduce_sum3A_115 = arith.constant dense<0.000000e+00> : vector<80x128xf32>
    %reduce_sum3A_116 = vector.multi_reduction <add>, %mul3A_114, %reduce_sum3A_115 [1] : vector<80x8x128xf32> to vector<80x128xf32>
    %mul3A_117 = vector.broadcast %convert_element_type3A_66 : vector<1x8x1xf32> to vector<80x8x32xf32>
    %mul3A_118 = arith.mulf %reshape3A_44, %mul3A_117 : vector<80x8x32xf32>
    %reduce_sum3A_119 = arith.constant dense<0.000000e+00> : vector<80x32xf32>
    %reduce_sum3A_120 = vector.multi_reduction <add>, %mul3A_118, %reduce_sum3A_119 [1] : vector<80x8x32xf32> to vector<80x32xf32>
    %concatenate3A_121 = tpu.concatenate %reduce_sum3A_116, %reduce_sum3A_120 in 1 : vector<80x128xf32>, vector<80x32xf32> -> vector<80x160xf32>
    %mul3A_122 = vector.broadcast %convert_element_type3A_72 : vector<1x8x1xf32> to vector<80x8x128xf32>
    %mul3A_123 = arith.mulf %get3A_48, %mul3A_122 : vector<80x8x128xf32>
    %reduce_sum3A_124 = arith.constant dense<0.000000e+00> : vector<80x128xf32>
    %reduce_sum3A_125 = vector.multi_reduction <add>, %mul3A_123, %reduce_sum3A_124 [1] : vector<80x8x128xf32> to vector<80x128xf32>
    %mul3A_126 = vector.broadcast %convert_element_type3A_72 : vector<1x8x1xf32> to vector<80x8x32xf32>
    %mul3A_127 = arith.mulf %reshape3A_44, %mul3A_126 : vector<80x8x32xf32>
    %reduce_sum3A_128 = arith.constant dense<0.000000e+00> : vector<80x32xf32>
    %reduce_sum3A_129 = vector.multi_reduction <add>, %mul3A_127, %reduce_sum3A_128 [1] : vector<80x8x32xf32> to vector<80x32xf32>
    %concatenate3A_130 = tpu.concatenate %reduce_sum3A_125, %reduce_sum3A_129 in 1 : vector<80x128xf32>, vector<80x32xf32> -> vector<80x160xf32>
    %mul3A_131 = vector.broadcast %convert_element_type3A_78 : vector<1x8x1xf32> to vector<80x8x128xf32>
    %mul3A_132 = arith.mulf %get3A_48, %mul3A_131 : vector<80x8x128xf32>
    %reduce_sum3A_133 = arith.constant dense<0.000000e+00> : vector<80x128xf32>
    %reduce_sum3A_134 = vector.multi_reduction <add>, %mul3A_132, %reduce_sum3A_133 [1] : vector<80x8x128xf32> to vector<80x128xf32>
    %mul3A_135 = vector.broadcast %convert_element_type3A_78 : vector<1x8x1xf32> to vector<80x8x32xf32>
    %mul3A_136 = arith.mulf %reshape3A_44, %mul3A_135 : vector<80x8x32xf32>
    %reduce_sum3A_137 = arith.constant dense<0.000000e+00> : vector<80x32xf32>
    %reduce_sum3A_138 = vector.multi_reduction <add>, %mul3A_136, %reduce_sum3A_137 [1] : vector<80x8x32xf32> to vector<80x32xf32>
    %concatenate3A_139 = tpu.concatenate %reduce_sum3A_134, %reduce_sum3A_138 in 1 : vector<80x128xf32>, vector<80x32xf32> -> vector<80x160xf32>
    %mul3A_140 = vector.broadcast %convert_element_type3A_84 : vector<1x8x1xf32> to vector<80x8x128xf32>
    %mul3A_141 = arith.mulf %get3A_48, %mul3A_140 : vector<80x8x128xf32>
    %reduce_sum3A_142 = arith.constant dense<0.000000e+00> : vector<80x128xf32>
    %reduce_sum3A_143 = vector.multi_reduction <add>, %mul3A_141, %reduce_sum3A_142 [1] : vector<80x8x128xf32> to vector<80x128xf32>
    %mul3A_144 = vector.broadcast %convert_element_type3A_84 : vector<1x8x1xf32> to vector<80x8x32xf32>
    %mul3A_145 = arith.mulf %reshape3A_44, %mul3A_144 : vector<80x8x32xf32>
    %reduce_sum3A_146 = arith.constant dense<0.000000e+00> : vector<80x32xf32>
    %reduce_sum3A_147 = vector.multi_reduction <add>, %mul3A_145, %reduce_sum3A_146 [1] : vector<80x8x32xf32> to vector<80x32xf32>
    %concatenate3A_148 = tpu.concatenate %reduce_sum3A_143, %reduce_sum3A_147 in 1 : vector<80x128xf32>, vector<80x32xf32> -> vector<80x160xf32>
    %mul3A_149 = vector.broadcast %convert_element_type3A_90 : vector<1x8x1xf32> to vector<80x8x128xf32>
    %mul3A_150 = arith.mulf %get3A_48, %mul3A_149 : vector<80x8x128xf32>
    %reduce_sum3A_151 = arith.constant dense<0.000000e+00> : vector<80x128xf32>
    %reduce_sum3A_152 = vector.multi_reduction <add>, %mul3A_150, %reduce_sum3A_151 [1] : vector<80x8x128xf32> to vector<80x128xf32>
    %mul3A_153 = vector.broadcast %convert_element_type3A_90 : vector<1x8x1xf32> to vector<80x8x32xf32>
    %mul3A_154 = arith.mulf %reshape3A_44, %mul3A_153 : vector<80x8x32xf32>
    %reduce_sum3A_155 = arith.constant dense<0.000000e+00> : vector<80x32xf32>
    %reduce_sum3A_156 = vector.multi_reduction <add>, %mul3A_154, %reduce_sum3A_155 [1] : vector<80x8x32xf32> to vector<80x32xf32>
    %concatenate3A_157 = tpu.concatenate %reduce_sum3A_152, %reduce_sum3A_156 in 1 : vector<80x128xf32>, vector<80x32xf32> -> vector<80x160xf32>
    %mul3A_158 = vector.broadcast %convert_element_type3A_96 : vector<1x8x1xf32> to vector<80x8x128xf32>
    %mul3A_159 = arith.mulf %get3A_48, %mul3A_158 : vector<80x8x128xf32>
    %reduce_sum3A_160 = arith.constant dense<0.000000e+00> : vector<80x128xf32>
    %reduce_sum3A_161 = vector.multi_reduction <add>, %mul3A_159, %reduce_sum3A_160 [1] : vector<80x8x128xf32> to vector<80x128xf32>
    %mul3A_162 = vector.broadcast %convert_element_type3A_96 : vector<1x8x1xf32> to vector<80x8x32xf32>
    %mul3A_163 = arith.mulf %reshape3A_44, %mul3A_162 : vector<80x8x32xf32>
    %reduce_sum3A_164 = arith.constant dense<0.000000e+00> : vector<80x32xf32>
    %reduce_sum3A_165 = vector.multi_reduction <add>, %mul3A_163, %reduce_sum3A_164 [1] : vector<80x8x32xf32> to vector<80x32xf32>
    %concatenate3A_166 = tpu.concatenate %reduce_sum3A_161, %reduce_sum3A_165 in 1 : vector<80x128xf32>, vector<80x32xf32> -> vector<80x160xf32>
    %get3A_167 = arith.constant 0 : index
    %get3A_168 = arith.constant 0 : index
    %get3A_169 = vector.load %arg6[%get3A_167, %get3A_168] : memref<128x160xf32, #tpu.memory_space<vmem>>, vector<128x160xf32>
    %get3A_170 = arith.constant 0 : index
    %get3A_171 = arith.constant 0 : index
    %get3A_172 = vector.load %arg7[%get3A_170, %get3A_171] : memref<128x32xf32, #tpu.memory_space<vmem>>, vector<128x32xf32>
    %get3A_173 = arith.constant 0 : index
    %get3A_174 = vector.load %arg8[%get3A_173] : memref<128xf32, #tpu.memory_space<vmem>>, vector<128xf32>
    %get3A_175 = arith.constant 0 : index
    %get3A_176 = arith.constant 0 : index
    %get3A_177 = vector.load %arg9[%get3A_175, %get3A_176] : memref<128x160xf32, #tpu.memory_space<vmem>>, vector<128x160xf32>
    %get3A_178 = arith.constant 0 : index
    %get3A_179 = arith.constant 0 : index
    %get3A_180 = vector.load %arg10[%get3A_178, %get3A_179] : memref<128x32xf32, #tpu.memory_space<vmem>>, vector<128x32xf32>
    %get3A_181 = arith.constant 0 : index
    %get3A_182 = vector.load %arg11[%get3A_181] : memref<128xf32, #tpu.memory_space<vmem>>, vector<128xf32>
    %broadcast_in_dim3A_183 = arith.constant 0.000000e+00 : f32
    %broadcast_in_dim3A_184 = vector.broadcast %broadcast_in_dim3A_183 : f32 to vector<80x32xf32>
    %broadcast_in_dim3A_185 = arith.constant 0.000000e+00 : f32
    %broadcast_in_dim3A_186 = vector.broadcast %broadcast_in_dim3A_185 : f32 to vector<80x32xf32>
    %transpose3A_187 = tpu.transpose %get3A_169, [1, 0] : vector<128x160xf32> -> vector<160x128xf32>
    %dot_general3A_188 = arith.constant dense<0.000000e+00> : vector<80x128xf32>
    %dot_general3A_189 = tpu.matmul %concatenate3A_103, %transpose3A_187, %dot_general3A_188 {dimension_numbers = #tpu.dot_dimension_numbers<[1], [0], [0], [1], [0, 0, 1, 1], [], []>, transpose_lhs_hint = false} : vector<80x160xf32>, vector<160x128xf32>, vector<80x128xf32> -> vector<80x128xf32>
    %transpose3A_190 = tpu.transpose %get3A_172, [1, 0] : vector<128x32xf32> -> vector<32x128xf32>
    %dot_general3A_191 = arith.constant dense<0.000000e+00> : vector<80x128xf32>
    %dot_general3A_192 = tpu.matmul %broadcast_in_dim3A_184, %transpose3A_190, %dot_general3A_191 {dimension_numbers = #tpu.dot_dimension_numbers<[1], [0], [0], [1], [0, 0, 1, 1], [], []>, transpose_lhs_hint = false} : vector<80x32xf32>, vector<32x128xf32>, vector<80x128xf32> -> vector<80x128xf32>
    %add3A_193 = arith.addf %dot_general3A_189, %dot_general3A_192 : vector<80x128xf32>
    %broadcast_in_dim3A_194 = vector.shape_cast %get3A_174 : vector<128xf32> to vector<1x128xf32>
    %add3A_195 = vector.broadcast %broadcast_in_dim3A_194 : vector<1x128xf32> to vector<80x128xf32>
    %add3A_196 = arith.addf %add3A_193, %add3A_195 : vector<80x128xf32>
    %slice3A_197 = vector.extract_strided_slice %add3A_196 {offsets = [0, 0], sizes = [80, 32], strides = [1, 1]} : vector<80x128xf32> to vector<80x32xf32>
    %logistic3A = arith.negf %slice3A_197 : vector<80x32xf32>
    %logistic3A_198 = math.exp %logistic3A : vector<80x32xf32>
    %logistic3A_199 = arith.constant 1.000000e+00 : f32
    %logistic3A_200 = vector.broadcast %logistic3A_199 : f32 to vector<80x32xf32>
    %logistic3A_201 = arith.addf %logistic3A_200, %logistic3A_198 : vector<80x32xf32>
    %logistic3A_202 = arith.divf %logistic3A_200, %logistic3A_201 : vector<80x32xf32>
    %slice3A_203 = vector.extract_strided_slice %add3A_196 {offsets = [0, 32], sizes = [80, 32], strides = [1, 1]} : vector<80x128xf32> to vector<80x32xf32>
    %logistic3A_204 = arith.negf %slice3A_203 : vector<80x32xf32>
    %logistic3A_205 = math.exp %logistic3A_204 : vector<80x32xf32>
    %logistic3A_206 = arith.constant 1.000000e+00 : f32
    %logistic3A_207 = vector.broadcast %logistic3A_206 : f32 to vector<80x32xf32>
    %logistic3A_208 = arith.addf %logistic3A_207, %logistic3A_205 : vector<80x32xf32>
    %logistic3A_209 = arith.divf %logistic3A_207, %logistic3A_208 : vector<80x32xf32>
    %slice3A_210 = vector.extract_strided_slice %add3A_196 {offsets = [0, 64], sizes = [80, 32], strides = [1, 1]} : vector<80x128xf32> to vector<80x32xf32>
    %tanh3A_211 = math.tanh %slice3A_210 : vector<80x32xf32>
    %slice3A_212 = vector.extract_strided_slice %add3A_196 {offsets = [0, 96], sizes = [80, 32], strides = [1, 1]} : vector<80x128xf32> to vector<80x32xf32>
    %logistic3A_213 = arith.negf %slice3A_212 : vector<80x32xf32>
    %logistic3A_214 = math.exp %logistic3A_213 : vector<80x32xf32>
    %logistic3A_215 = arith.constant 1.000000e+00 : f32
    %logistic3A_216 = vector.broadcast %logistic3A_215 : f32 to vector<80x32xf32>
    %logistic3A_217 = arith.addf %logistic3A_216, %logistic3A_214 : vector<80x32xf32>
    %logistic3A_218 = arith.divf %logistic3A_216, %logistic3A_217 : vector<80x32xf32>
    %mul3A_219 = arith.mulf %logistic3A_209, %broadcast_in_dim3A_186 : vector<80x32xf32>
    %mul3A_220 = arith.mulf %logistic3A_202, %tanh3A_211 : vector<80x32xf32>
    %add3A_221 = arith.addf %mul3A_219, %mul3A_220 : vector<80x32xf32>
    %tanh3A_222 = math.tanh %add3A_221 : vector<80x32xf32>
    %mul3A_223 = arith.mulf %logistic3A_218, %tanh3A_222 : vector<80x32xf32>
    %transpose3A_224 = tpu.transpose %get3A_169, [1, 0] : vector<128x160xf32> -> vector<160x128xf32>
    %dot_general3A_225 = arith.constant dense<0.000000e+00> : vector<80x128xf32>
    %dot_general3A_226 = tpu.matmul %concatenate3A_112, %transpose3A_224, %dot_general3A_225 {dimension_numbers = #tpu.dot_dimension_numbers<[1], [0], [0], [1], [0, 0, 1, 1], [], []>, transpose_lhs_hint = false} : vector<80x160xf32>, vector<160x128xf32>, vector<80x128xf32> -> vector<80x128xf32>
    %transpose3A_227 = tpu.transpose %get3A_172, [1, 0] : vector<128x32xf32> -> vector<32x128xf32>
    %dot_general3A_228 = arith.constant dense<0.000000e+00> : vector<80x128xf32>
    %dot_general3A_229 = tpu.matmul %mul3A_223, %transpose3A_227, %dot_general3A_228 {dimension_numbers = #tpu.dot_dimension_numbers<[1], [0], [0], [1], [0, 0, 1, 1], [], []>, transpose_lhs_hint = false} : vector<80x32xf32>, vector<32x128xf32>, vector<80x128xf32> -> vector<80x128xf32>
    %add3A_230 = arith.addf %dot_general3A_226, %dot_general3A_229 : vector<80x128xf32>
    %broadcast_in_dim3A_231 = vector.shape_cast %get3A_174 : vector<128xf32> to vector<1x128xf32>
    %add3A_232 = vector.broadcast %broadcast_in_dim3A_231 : vector<1x128xf32> to vector<80x128xf32>
    %add3A_233 = arith.addf %add3A_230, %add3A_232 : vector<80x128xf32>
    %slice3A_234 = vector.extract_strided_slice %add3A_233 {offsets = [0, 0], sizes = [80, 32], strides = [1, 1]} : vector<80x128xf32> to vector<80x32xf32>
    %logistic3A_235 = arith.negf %slice3A_234 : vector<80x32xf32>
    %logistic3A_236 = math.exp %logistic3A_235 : vector<80x32xf32>
    %logistic3A_237 = arith.constant 1.000000e+00 : f32
    %logistic3A_238 = vector.broadcast %logistic3A_237 : f32 to vector<80x32xf32>
    %logistic3A_239 = arith.addf %logistic3A_238, %logistic3A_236 : vector<80x32xf32>
    %logistic3A_240 = arith.divf %logistic3A_238, %logistic3A_239 : vector<80x32xf32>
    %slice3A_241 = vector.extract_strided_slice %add3A_233 {offsets = [0, 32], sizes = [80, 32], strides = [1, 1]} : vector<80x128xf32> to vector<80x32xf32>
    %logistic3A_242 = arith.negf %slice3A_241 : vector<80x32xf32>
    %logistic3A_243 = math.exp %logistic3A_242 : vector<80x32xf32>
    %logistic3A_244 = arith.constant 1.000000e+00 : f32
    %logistic3A_245 = vector.broadcast %logistic3A_244 : f32 to vector<80x32xf32>
    %logistic3A_246 = arith.addf %logistic3A_245, %logistic3A_243 : vector<80x32xf32>
    %logistic3A_247 = arith.divf %logistic3A_245, %logistic3A_246 : vector<80x32xf32>
    %slice3A_248 = vector.extract_strided_slice %add3A_233 {offsets = [0, 64], sizes = [80, 32], strides = [1, 1]} : vector<80x128xf32> to vector<80x32xf32>
    %tanh3A_249 = math.tanh %slice3A_248 : vector<80x32xf32>
    %slice3A_250 = vector.extract_strided_slice %add3A_233 {offsets = [0, 96], sizes = [80, 32], strides = [1, 1]} : vector<80x128xf32> to vector<80x32xf32>
    %logistic3A_251 = arith.negf %slice3A_250 : vector<80x32xf32>
    %logistic3A_252 = math.exp %logistic3A_251 : vector<80x32xf32>
    %logistic3A_253 = arith.constant 1.000000e+00 : f32
    %logistic3A_254 = vector.broadcast %logistic3A_253 : f32 to vector<80x32xf32>
    %logistic3A_255 = arith.addf %logistic3A_254, %logistic3A_252 : vector<80x32xf32>
    %logistic3A_256 = arith.divf %logistic3A_254, %logistic3A_255 : vector<80x32xf32>
    %mul3A_257 = arith.mulf %logistic3A_247, %add3A_221 : vector<80x32xf32>
    %mul3A_258 = arith.mulf %logistic3A_240, %tanh3A_249 : vector<80x32xf32>
    %add3A_259 = arith.addf %mul3A_257, %mul3A_258 : vector<80x32xf32>
    %tanh3A_260 = math.tanh %add3A_259 : vector<80x32xf32>
    %mul3A_261 = arith.mulf %logistic3A_256, %tanh3A_260 : vector<80x32xf32>
    %transpose3A_262 = tpu.transpose %get3A_169, [1, 0] : vector<128x160xf32> -> vector<160x128xf32>
    %dot_general3A_263 = arith.constant dense<0.000000e+00> : vector<80x128xf32>
    %dot_general3A_264 = tpu.matmul %concatenate3A_121, %transpose3A_262, %dot_general3A_263 {dimension_numbers = #tpu.dot_dimension_numbers<[1], [0], [0], [1], [0, 0, 1, 1], [], []>, transpose_lhs_hint = false} : vector<80x160xf32>, vector<160x128xf32>, vector<80x128xf32> -> vector<80x128xf32>
    %transpose3A_265 = tpu.transpose %get3A_172, [1, 0] : vector<128x32xf32> -> vector<32x128xf32>
    %dot_general3A_266 = arith.constant dense<0.000000e+00> : vector<80x128xf32>
    %dot_general3A_267 = tpu.matmul %mul3A_261, %transpose3A_265, %dot_general3A_266 {dimension_numbers = #tpu.dot_dimension_numbers<[1], [0], [0], [1], [0, 0, 1, 1], [], []>, transpose_lhs_hint = false} : vector<80x32xf32>, vector<32x128xf32>, vector<80x128xf32> -> vector<80x128xf32>
    %add3A_268 = arith.addf %dot_general3A_264, %dot_general3A_267 : vector<80x128xf32>
    %broadcast_in_dim3A_269 = vector.shape_cast %get3A_174 : vector<128xf32> to vector<1x128xf32>
    %add3A_270 = vector.broadcast %broadcast_in_dim3A_269 : vector<1x128xf32> to vector<80x128xf32>
    %add3A_271 = arith.addf %add3A_268, %add3A_270 : vector<80x128xf32>
    %slice3A_272 = vector.extract_strided_slice %add3A_271 {offsets = [0, 0], sizes = [80, 32], strides = [1, 1]} : vector<80x128xf32> to vector<80x32xf32>
    %logistic3A_273 = arith.negf %slice3A_272 : vector<80x32xf32>
    %logistic3A_274 = math.exp %logistic3A_273 : vector<80x32xf32>
    %logistic3A_275 = arith.constant 1.000000e+00 : f32
    %logistic3A_276 = vector.broadcast %logistic3A_275 : f32 to vector<80x32xf32>
    %logistic3A_277 = arith.addf %logistic3A_276, %logistic3A_274 : vector<80x32xf32>
    %logistic3A_278 = arith.divf %logistic3A_276, %logistic3A_277 : vector<80x32xf32>
    %slice3A_279 = vector.extract_strided_slice %add3A_271 {offsets = [0, 32], sizes = [80, 32], strides = [1, 1]} : vector<80x128xf32> to vector<80x32xf32>
    %logistic3A_280 = arith.negf %slice3A_279 : vector<80x32xf32>
    %logistic3A_281 = math.exp %logistic3A_280 : vector<80x32xf32>
    %logistic3A_282 = arith.constant 1.000000e+00 : f32
    %logistic3A_283 = vector.broadcast %logistic3A_282 : f32 to vector<80x32xf32>
    %logistic3A_284 = arith.addf %logistic3A_283, %logistic3A_281 : vector<80x32xf32>
    %logistic3A_285 = arith.divf %logistic3A_283, %logistic3A_284 : vector<80x32xf32>
    %slice3A_286 = vector.extract_strided_slice %add3A_271 {offsets = [0, 64], sizes = [80, 32], strides = [1, 1]} : vector<80x128xf32> to vector<80x32xf32>
    %tanh3A_287 = math.tanh %slice3A_286 : vector<80x32xf32>
    %slice3A_288 = vector.extract_strided_slice %add3A_271 {offsets = [0, 96], sizes = [80, 32], strides = [1, 1]} : vector<80x128xf32> to vector<80x32xf32>
    %logistic3A_289 = arith.negf %slice3A_288 : vector<80x32xf32>
    %logistic3A_290 = math.exp %logistic3A_289 : vector<80x32xf32>
    %logistic3A_291 = arith.constant 1.000000e+00 : f32
    %logistic3A_292 = vector.broadcast %logistic3A_291 : f32 to vector<80x32xf32>
    %logistic3A_293 = arith.addf %logistic3A_292, %logistic3A_290 : vector<80x32xf32>
    %logistic3A_294 = arith.divf %logistic3A_292, %logistic3A_293 : vector<80x32xf32>
    %mul3A_295 = arith.mulf %logistic3A_285, %add3A_259 : vector<80x32xf32>
    %mul3A_296 = arith.mulf %logistic3A_278, %tanh3A_287 : vector<80x32xf32>
    %add3A_297 = arith.addf %mul3A_295, %mul3A_296 : vector<80x32xf32>
    %tanh3A_298 = math.tanh %add3A_297 : vector<80x32xf32>
    %mul3A_299 = arith.mulf %logistic3A_294, %tanh3A_298 : vector<80x32xf32>
    %transpose3A_300 = tpu.transpose %get3A_169, [1, 0] : vector<128x160xf32> -> vector<160x128xf32>
    %dot_general3A_301 = arith.constant dense<0.000000e+00> : vector<80x128xf32>
    %dot_general3A_302 = tpu.matmul %concatenate3A_130, %transpose3A_300, %dot_general3A_301 {dimension_numbers = #tpu.dot_dimension_numbers<[1], [0], [0], [1], [0, 0, 1, 1], [], []>, transpose_lhs_hint = false} : vector<80x160xf32>, vector<160x128xf32>, vector<80x128xf32> -> vector<80x128xf32>
    %transpose3A_303 = tpu.transpose %get3A_172, [1, 0] : vector<128x32xf32> -> vector<32x128xf32>
    %dot_general3A_304 = arith.constant dense<0.000000e+00> : vector<80x128xf32>
    %dot_general3A_305 = tpu.matmul %mul3A_299, %transpose3A_303, %dot_general3A_304 {dimension_numbers = #tpu.dot_dimension_numbers<[1], [0], [0], [1], [0, 0, 1, 1], [], []>, transpose_lhs_hint = false} : vector<80x32xf32>, vector<32x128xf32>, vector<80x128xf32> -> vector<80x128xf32>
    %add3A_306 = arith.addf %dot_general3A_302, %dot_general3A_305 : vector<80x128xf32>
    %broadcast_in_dim3A_307 = vector.shape_cast %get3A_174 : vector<128xf32> to vector<1x128xf32>
    %add3A_308 = vector.broadcast %broadcast_in_dim3A_307 : vector<1x128xf32> to vector<80x128xf32>
    %add3A_309 = arith.addf %add3A_306, %add3A_308 : vector<80x128xf32>
    %slice3A_310 = vector.extract_strided_slice %add3A_309 {offsets = [0, 0], sizes = [80, 32], strides = [1, 1]} : vector<80x128xf32> to vector<80x32xf32>
    %logistic3A_311 = arith.negf %slice3A_310 : vector<80x32xf32>
    %logistic3A_312 = math.exp %logistic3A_311 : vector<80x32xf32>
    %logistic3A_313 = arith.constant 1.000000e+00 : f32
    %logistic3A_314 = vector.broadcast %logistic3A_313 : f32 to vector<80x32xf32>
    %logistic3A_315 = arith.addf %logistic3A_314, %logistic3A_312 : vector<80x32xf32>
    %logistic3A_316 = arith.divf %logistic3A_314, %logistic3A_315 : vector<80x32xf32>
    %slice3A_317 = vector.extract_strided_slice %add3A_309 {offsets = [0, 32], sizes = [80, 32], strides = [1, 1]} : vector<80x128xf32> to vector<80x32xf32>
    %logistic3A_318 = arith.negf %slice3A_317 : vector<80x32xf32>
    %logistic3A_319 = math.exp %logistic3A_318 : vector<80x32xf32>
    %logistic3A_320 = arith.constant 1.000000e+00 : f32
    %logistic3A_321 = vector.broadcast %logistic3A_320 : f32 to vector<80x32xf32>
    %logistic3A_322 = arith.addf %logistic3A_321, %logistic3A_319 : vector<80x32xf32>
    %logistic3A_323 = arith.divf %logistic3A_321, %logistic3A_322 : vector<80x32xf32>
    %slice3A_324 = vector.extract_strided_slice %add3A_309 {offsets = [0, 64], sizes = [80, 32], strides = [1, 1]} : vector<80x128xf32> to vector<80x32xf32>
    %tanh3A_325 = math.tanh %slice3A_324 : vector<80x32xf32>
    %slice3A_326 = vector.extract_strided_slice %add3A_309 {offsets = [0, 96], sizes = [80, 32], strides = [1, 1]} : vector<80x128xf32> to vector<80x32xf32>
    %logistic3A_327 = arith.negf %slice3A_326 : vector<80x32xf32>
    %logistic3A_328 = math.exp %logistic3A_327 : vector<80x32xf32>
    %logistic3A_329 = arith.constant 1.000000e+00 : f32
    %logistic3A_330 = vector.broadcast %logistic3A_329 : f32 to vector<80x32xf32>
    %logistic3A_331 = arith.addf %logistic3A_330, %logistic3A_328 : vector<80x32xf32>
    %logistic3A_332 = arith.divf %logistic3A_330, %logistic3A_331 : vector<80x32xf32>
    %mul3A_333 = arith.mulf %logistic3A_323, %add3A_297 : vector<80x32xf32>
    %mul3A_334 = arith.mulf %logistic3A_316, %tanh3A_325 : vector<80x32xf32>
    %add3A_335 = arith.addf %mul3A_333, %mul3A_334 : vector<80x32xf32>
    %tanh3A_336 = math.tanh %add3A_335 : vector<80x32xf32>
    %mul3A_337 = arith.mulf %logistic3A_332, %tanh3A_336 : vector<80x32xf32>
    %transpose3A_338 = tpu.transpose %get3A_169, [1, 0] : vector<128x160xf32> -> vector<160x128xf32>
    %dot_general3A_339 = arith.constant dense<0.000000e+00> : vector<80x128xf32>
    %dot_general3A_340 = tpu.matmul %concatenate3A_139, %transpose3A_338, %dot_general3A_339 {dimension_numbers = #tpu.dot_dimension_numbers<[1], [0], [0], [1], [0, 0, 1, 1], [], []>, transpose_lhs_hint = false} : vector<80x160xf32>, vector<160x128xf32>, vector<80x128xf32> -> vector<80x128xf32>
    %transpose3A_341 = tpu.transpose %get3A_172, [1, 0] : vector<128x32xf32> -> vector<32x128xf32>
    %dot_general3A_342 = arith.constant dense<0.000000e+00> : vector<80x128xf32>
    %dot_general3A_343 = tpu.matmul %mul3A_337, %transpose3A_341, %dot_general3A_342 {dimension_numbers = #tpu.dot_dimension_numbers<[1], [0], [0], [1], [0, 0, 1, 1], [], []>, transpose_lhs_hint = false} : vector<80x32xf32>, vector<32x128xf32>, vector<80x128xf32> -> vector<80x128xf32>
    %add3A_344 = arith.addf %dot_general3A_340, %dot_general3A_343 : vector<80x128xf32>
    %broadcast_in_dim3A_345 = vector.shape_cast %get3A_174 : vector<128xf32> to vector<1x128xf32>
    %add3A_346 = vector.broadcast %broadcast_in_dim3A_345 : vector<1x128xf32> to vector<80x128xf32>
    %add3A_347 = arith.addf %add3A_344, %add3A_346 : vector<80x128xf32>
    %slice3A_348 = vector.extract_strided_slice %add3A_347 {offsets = [0, 0], sizes = [80, 32], strides = [1, 1]} : vector<80x128xf32> to vector<80x32xf32>
    %logistic3A_349 = arith.negf %slice3A_348 : vector<80x32xf32>
    %logistic3A_350 = math.exp %logistic3A_349 : vector<80x32xf32>
    %logistic3A_351 = arith.constant 1.000000e+00 : f32
    %logistic3A_352 = vector.broadcast %logistic3A_351 : f32 to vector<80x32xf32>
    %logistic3A_353 = arith.addf %logistic3A_352, %logistic3A_350 : vector<80x32xf32>
    %logistic3A_354 = arith.divf %logistic3A_352, %logistic3A_353 : vector<80x32xf32>
    %slice3A_355 = vector.extract_strided_slice %add3A_347 {offsets = [0, 32], sizes = [80, 32], strides = [1, 1]} : vector<80x128xf32> to vector<80x32xf32>
    %logistic3A_356 = arith.negf %slice3A_355 : vector<80x32xf32>
    %logistic3A_357 = math.exp %logistic3A_356 : vector<80x32xf32>
    %logistic3A_358 = arith.constant 1.000000e+00 : f32
    %logistic3A_359 = vector.broadcast %logistic3A_358 : f32 to vector<80x32xf32>
    %logistic3A_360 = arith.addf %logistic3A_359, %logistic3A_357 : vector<80x32xf32>
    %logistic3A_361 = arith.divf %logistic3A_359, %logistic3A_360 : vector<80x32xf32>
    %slice3A_362 = vector.extract_strided_slice %add3A_347 {offsets = [0, 64], sizes = [80, 32], strides = [1, 1]} : vector<80x128xf32> to vector<80x32xf32>
    %tanh3A_363 = math.tanh %slice3A_362 : vector<80x32xf32>
    %slice3A_364 = vector.extract_strided_slice %add3A_347 {offsets = [0, 96], sizes = [80, 32], strides = [1, 1]} : vector<80x128xf32> to vector<80x32xf32>
    %logistic3A_365 = arith.negf %slice3A_364 : vector<80x32xf32>
    %logistic3A_366 = math.exp %logistic3A_365 : vector<80x32xf32>
    %logistic3A_367 = arith.constant 1.000000e+00 : f32
    %logistic3A_368 = vector.broadcast %logistic3A_367 : f32 to vector<80x32xf32>
    %logistic3A_369 = arith.addf %logistic3A_368, %logistic3A_366 : vector<80x32xf32>
    %logistic3A_370 = arith.divf %logistic3A_368, %logistic3A_369 : vector<80x32xf32>
    %mul3A_371 = arith.mulf %logistic3A_361, %add3A_335 : vector<80x32xf32>
    %mul3A_372 = arith.mulf %logistic3A_354, %tanh3A_363 : vector<80x32xf32>
    %add3A_373 = arith.addf %mul3A_371, %mul3A_372 : vector<80x32xf32>
    %tanh3A_374 = math.tanh %add3A_373 : vector<80x32xf32>
    %mul3A_375 = arith.mulf %logistic3A_370, %tanh3A_374 : vector<80x32xf32>
    %transpose3A_376 = tpu.transpose %get3A_169, [1, 0] : vector<128x160xf32> -> vector<160x128xf32>
    %dot_general3A_377 = arith.constant dense<0.000000e+00> : vector<80x128xf32>
    %dot_general3A_378 = tpu.matmul %concatenate3A_148, %transpose3A_376, %dot_general3A_377 {dimension_numbers = #tpu.dot_dimension_numbers<[1], [0], [0], [1], [0, 0, 1, 1], [], []>, transpose_lhs_hint = false} : vector<80x160xf32>, vector<160x128xf32>, vector<80x128xf32> -> vector<80x128xf32>
    %transpose3A_379 = tpu.transpose %get3A_172, [1, 0] : vector<128x32xf32> -> vector<32x128xf32>
    %dot_general3A_380 = arith.constant dense<0.000000e+00> : vector<80x128xf32>
    %dot_general3A_381 = tpu.matmul %mul3A_375, %transpose3A_379, %dot_general3A_380 {dimension_numbers = #tpu.dot_dimension_numbers<[1], [0], [0], [1], [0, 0, 1, 1], [], []>, transpose_lhs_hint = false} : vector<80x32xf32>, vector<32x128xf32>, vector<80x128xf32> -> vector<80x128xf32>
    %add3A_382 = arith.addf %dot_general3A_378, %dot_general3A_381 : vector<80x128xf32>
    %broadcast_in_dim3A_383 = vector.shape_cast %get3A_174 : vector<128xf32> to vector<1x128xf32>
    %add3A_384 = vector.broadcast %broadcast_in_dim3A_383 : vector<1x128xf32> to vector<80x128xf32>
    %add3A_385 = arith.addf %add3A_382, %add3A_384 : vector<80x128xf32>
    %slice3A_386 = vector.extract_strided_slice %add3A_385 {offsets = [0, 0], sizes = [80, 32], strides = [1, 1]} : vector<80x128xf32> to vector<80x32xf32>
    %logistic3A_387 = arith.negf %slice3A_386 : vector<80x32xf32>
    %logistic3A_388 = math.exp %logistic3A_387 : vector<80x32xf32>
    %logistic3A_389 = arith.constant 1.000000e+00 : f32
    %logistic3A_390 = vector.broadcast %logistic3A_389 : f32 to vector<80x32xf32>
    %logistic3A_391 = arith.addf %logistic3A_390, %logistic3A_388 : vector<80x32xf32>
    %logistic3A_392 = arith.divf %logistic3A_390, %logistic3A_391 : vector<80x32xf32>
    %slice3A_393 = vector.extract_strided_slice %add3A_385 {offsets = [0, 32], sizes = [80, 32], strides = [1, 1]} : vector<80x128xf32> to vector<80x32xf32>
    %logistic3A_394 = arith.negf %slice3A_393 : vector<80x32xf32>
    %logistic3A_395 = math.exp %logistic3A_394 : vector<80x32xf32>
    %logistic3A_396 = arith.constant 1.000000e+00 : f32
    %logistic3A_397 = vector.broadcast %logistic3A_396 : f32 to vector<80x32xf32>
    %logistic3A_398 = arith.addf %logistic3A_397, %logistic3A_395 : vector<80x32xf32>
    %logistic3A_399 = arith.divf %logistic3A_397, %logistic3A_398 : vector<80x32xf32>
    %slice3A_400 = vector.extract_strided_slice %add3A_385 {offsets = [0, 64], sizes = [80, 32], strides = [1, 1]} : vector<80x128xf32> to vector<80x32xf32>
    %tanh3A_401 = math.tanh %slice3A_400 : vector<80x32xf32>
    %slice3A_402 = vector.extract_strided_slice %add3A_385 {offsets = [0, 96], sizes = [80, 32], strides = [1, 1]} : vector<80x128xf32> to vector<80x32xf32>
    %logistic3A_403 = arith.negf %slice3A_402 : vector<80x32xf32>
    %logistic3A_404 = math.exp %logistic3A_403 : vector<80x32xf32>
    %logistic3A_405 = arith.constant 1.000000e+00 : f32
    %logistic3A_406 = vector.broadcast %logistic3A_405 : f32 to vector<80x32xf32>
    %logistic3A_407 = arith.addf %logistic3A_406, %logistic3A_404 : vector<80x32xf32>
    %logistic3A_408 = arith.divf %logistic3A_406, %logistic3A_407 : vector<80x32xf32>
    %mul3A_409 = arith.mulf %logistic3A_399, %add3A_373 : vector<80x32xf32>
    %mul3A_410 = arith.mulf %logistic3A_392, %tanh3A_401 : vector<80x32xf32>
    %add3A_411 = arith.addf %mul3A_409, %mul3A_410 : vector<80x32xf32>
    %tanh3A_412 = math.tanh %add3A_411 : vector<80x32xf32>
    %mul3A_413 = arith.mulf %logistic3A_408, %tanh3A_412 : vector<80x32xf32>
    %transpose3A_414 = tpu.transpose %get3A_169, [1, 0] : vector<128x160xf32> -> vector<160x128xf32>
    %dot_general3A_415 = arith.constant dense<0.000000e+00> : vector<80x128xf32>
    %dot_general3A_416 = tpu.matmul %concatenate3A_157, %transpose3A_414, %dot_general3A_415 {dimension_numbers = #tpu.dot_dimension_numbers<[1], [0], [0], [1], [0, 0, 1, 1], [], []>, transpose_lhs_hint = false} : vector<80x160xf32>, vector<160x128xf32>, vector<80x128xf32> -> vector<80x128xf32>
    %transpose3A_417 = tpu.transpose %get3A_172, [1, 0] : vector<128x32xf32> -> vector<32x128xf32>
    %dot_general3A_418 = arith.constant dense<0.000000e+00> : vector<80x128xf32>
    %dot_general3A_419 = tpu.matmul %mul3A_413, %transpose3A_417, %dot_general3A_418 {dimension_numbers = #tpu.dot_dimension_numbers<[1], [0], [0], [1], [0, 0, 1, 1], [], []>, transpose_lhs_hint = false} : vector<80x32xf32>, vector<32x128xf32>, vector<80x128xf32> -> vector<80x128xf32>
    %add3A_420 = arith.addf %dot_general3A_416, %dot_general3A_419 : vector<80x128xf32>
    %broadcast_in_dim3A_421 = vector.shape_cast %get3A_174 : vector<128xf32> to vector<1x128xf32>
    %add3A_422 = vector.broadcast %broadcast_in_dim3A_421 : vector<1x128xf32> to vector<80x128xf32>
    %add3A_423 = arith.addf %add3A_420, %add3A_422 : vector<80x128xf32>
    %slice3A_424 = vector.extract_strided_slice %add3A_423 {offsets = [0, 0], sizes = [80, 32], strides = [1, 1]} : vector<80x128xf32> to vector<80x32xf32>
    %logistic3A_425 = arith.negf %slice3A_424 : vector<80x32xf32>
    %logistic3A_426 = math.exp %logistic3A_425 : vector<80x32xf32>
    %logistic3A_427 = arith.constant 1.000000e+00 : f32
    %logistic3A_428 = vector.broadcast %logistic3A_427 : f32 to vector<80x32xf32>
    %logistic3A_429 = arith.addf %logistic3A_428, %logistic3A_426 : vector<80x32xf32>
    %logistic3A_430 = arith.divf %logistic3A_428, %logistic3A_429 : vector<80x32xf32>
    %slice3A_431 = vector.extract_strided_slice %add3A_423 {offsets = [0, 32], sizes = [80, 32], strides = [1, 1]} : vector<80x128xf32> to vector<80x32xf32>
    %logistic3A_432 = arith.negf %slice3A_431 : vector<80x32xf32>
    %logistic3A_433 = math.exp %logistic3A_432 : vector<80x32xf32>
    %logistic3A_434 = arith.constant 1.000000e+00 : f32
    %logistic3A_435 = vector.broadcast %logistic3A_434 : f32 to vector<80x32xf32>
    %logistic3A_436 = arith.addf %logistic3A_435, %logistic3A_433 : vector<80x32xf32>
    %logistic3A_437 = arith.divf %logistic3A_435, %logistic3A_436 : vector<80x32xf32>
    %slice3A_438 = vector.extract_strided_slice %add3A_423 {offsets = [0, 64], sizes = [80, 32], strides = [1, 1]} : vector<80x128xf32> to vector<80x32xf32>
    %tanh3A_439 = math.tanh %slice3A_438 : vector<80x32xf32>
    %slice3A_440 = vector.extract_strided_slice %add3A_423 {offsets = [0, 96], sizes = [80, 32], strides = [1, 1]} : vector<80x128xf32> to vector<80x32xf32>
    %logistic3A_441 = arith.negf %slice3A_440 : vector<80x32xf32>
    %logistic3A_442 = math.exp %logistic3A_441 : vector<80x32xf32>
    %logistic3A_443 = arith.constant 1.000000e+00 : f32
    %logistic3A_444 = vector.broadcast %logistic3A_443 : f32 to vector<80x32xf32>
    %logistic3A_445 = arith.addf %logistic3A_444, %logistic3A_442 : vector<80x32xf32>
    %logistic3A_446 = arith.divf %logistic3A_444, %logistic3A_445 : vector<80x32xf32>
    %mul3A_447 = arith.mulf %logistic3A_437, %add3A_411 : vector<80x32xf32>
    %mul3A_448 = arith.mulf %logistic3A_430, %tanh3A_439 : vector<80x32xf32>
    %add3A_449 = arith.addf %mul3A_447, %mul3A_448 : vector<80x32xf32>
    %tanh3A_450 = math.tanh %add3A_449 : vector<80x32xf32>
    %mul3A_451 = arith.mulf %logistic3A_446, %tanh3A_450 : vector<80x32xf32>
    %transpose3A_452 = tpu.transpose %get3A_169, [1, 0] : vector<128x160xf32> -> vector<160x128xf32>
    %dot_general3A_453 = arith.constant dense<0.000000e+00> : vector<80x128xf32>
    %dot_general3A_454 = tpu.matmul %concatenate3A_166, %transpose3A_452, %dot_general3A_453 {dimension_numbers = #tpu.dot_dimension_numbers<[1], [0], [0], [1], [0, 0, 1, 1], [], []>, transpose_lhs_hint = false} : vector<80x160xf32>, vector<160x128xf32>, vector<80x128xf32> -> vector<80x128xf32>
    %transpose3A_455 = tpu.transpose %get3A_172, [1, 0] : vector<128x32xf32> -> vector<32x128xf32>
    %dot_general3A_456 = arith.constant dense<0.000000e+00> : vector<80x128xf32>
    %dot_general3A_457 = tpu.matmul %mul3A_451, %transpose3A_455, %dot_general3A_456 {dimension_numbers = #tpu.dot_dimension_numbers<[1], [0], [0], [1], [0, 0, 1, 1], [], []>, transpose_lhs_hint = false} : vector<80x32xf32>, vector<32x128xf32>, vector<80x128xf32> -> vector<80x128xf32>
    %add3A_458 = arith.addf %dot_general3A_454, %dot_general3A_457 : vector<80x128xf32>
    %broadcast_in_dim3A_459 = vector.shape_cast %get3A_174 : vector<128xf32> to vector<1x128xf32>
    %add3A_460 = vector.broadcast %broadcast_in_dim3A_459 : vector<1x128xf32> to vector<80x128xf32>
    %add3A_461 = arith.addf %add3A_458, %add3A_460 : vector<80x128xf32>
    %slice3A_462 = vector.extract_strided_slice %add3A_461 {offsets = [0, 0], sizes = [80, 32], strides = [1, 1]} : vector<80x128xf32> to vector<80x32xf32>
    %logistic3A_463 = arith.negf %slice3A_462 : vector<80x32xf32>
    %logistic3A_464 = math.exp %logistic3A_463 : vector<80x32xf32>
    %logistic3A_465 = arith.constant 1.000000e+00 : f32
    %logistic3A_466 = vector.broadcast %logistic3A_465 : f32 to vector<80x32xf32>
    %logistic3A_467 = arith.addf %logistic3A_466, %logistic3A_464 : vector<80x32xf32>
    %logistic3A_468 = arith.divf %logistic3A_466, %logistic3A_467 : vector<80x32xf32>
    %slice3A_469 = vector.extract_strided_slice %add3A_461 {offsets = [0, 32], sizes = [80, 32], strides = [1, 1]} : vector<80x128xf32> to vector<80x32xf32>
    %logistic3A_470 = arith.negf %slice3A_469 : vector<80x32xf32>
    %logistic3A_471 = math.exp %logistic3A_470 : vector<80x32xf32>
    %logistic3A_472 = arith.constant 1.000000e+00 : f32
    %logistic3A_473 = vector.broadcast %logistic3A_472 : f32 to vector<80x32xf32>
    %logistic3A_474 = arith.addf %logistic3A_473, %logistic3A_471 : vector<80x32xf32>
    %logistic3A_475 = arith.divf %logistic3A_473, %logistic3A_474 : vector<80x32xf32>
    %slice3A_476 = vector.extract_strided_slice %add3A_461 {offsets = [0, 64], sizes = [80, 32], strides = [1, 1]} : vector<80x128xf32> to vector<80x32xf32>
    %tanh3A_477 = math.tanh %slice3A_476 : vector<80x32xf32>
    %slice3A_478 = vector.extract_strided_slice %add3A_461 {offsets = [0, 96], sizes = [80, 32], strides = [1, 1]} : vector<80x128xf32> to vector<80x32xf32>
    %logistic3A_479 = arith.negf %slice3A_478 : vector<80x32xf32>
    %logistic3A_480 = math.exp %logistic3A_479 : vector<80x32xf32>
    %logistic3A_481 = arith.constant 1.000000e+00 : f32
    %logistic3A_482 = vector.broadcast %logistic3A_481 : f32 to vector<80x32xf32>
    %logistic3A_483 = arith.addf %logistic3A_482, %logistic3A_480 : vector<80x32xf32>
    %logistic3A_484 = arith.divf %logistic3A_482, %logistic3A_483 : vector<80x32xf32>
    %mul3A_485 = arith.mulf %logistic3A_475, %add3A_449 : vector<80x32xf32>
    %mul3A_486 = arith.mulf %logistic3A_468, %tanh3A_477 : vector<80x32xf32>
    %add3A_487 = arith.addf %mul3A_485, %mul3A_486 : vector<80x32xf32>
    %tanh3A_488 = math.tanh %add3A_487 : vector<80x32xf32>
    %mul3A_489 = arith.mulf %logistic3A_484, %tanh3A_488 : vector<80x32xf32>
    %broadcast_in_dim3A_490 = arith.constant 0.000000e+00 : f32
    %broadcast_in_dim3A_491 = vector.broadcast %broadcast_in_dim3A_490 : f32 to vector<80x32xf32>
    %broadcast_in_dim3A_492 = arith.constant 0.000000e+00 : f32
    %broadcast_in_dim3A_493 = vector.broadcast %broadcast_in_dim3A_492 : f32 to vector<80x32xf32>
    %transpose3A_494 = tpu.transpose %get3A_177, [1, 0] : vector<128x160xf32> -> vector<160x128xf32>
    %dot_general3A_495 = arith.constant dense<0.000000e+00> : vector<80x128xf32>
    %dot_general3A_496 = tpu.matmul %concatenate3A_166, %transpose3A_494, %dot_general3A_495 {dimension_numbers = #tpu.dot_dimension_numbers<[1], [0], [0], [1], [0, 0, 1, 1], [], []>, transpose_lhs_hint = false} : vector<80x160xf32>, vector<160x128xf32>, vector<80x128xf32> -> vector<80x128xf32>
    %transpose3A_497 = tpu.transpose %get3A_180, [1, 0] : vector<128x32xf32> -> vector<32x128xf32>
    %dot_general3A_498 = arith.constant dense<0.000000e+00> : vector<80x128xf32>
    %dot_general3A_499 = tpu.matmul %broadcast_in_dim3A_491, %transpose3A_497, %dot_general3A_498 {dimension_numbers = #tpu.dot_dimension_numbers<[1], [0], [0], [1], [0, 0, 1, 1], [], []>, transpose_lhs_hint = false} : vector<80x32xf32>, vector<32x128xf32>, vector<80x128xf32> -> vector<80x128xf32>
    %add3A_500 = arith.addf %dot_general3A_496, %dot_general3A_499 : vector<80x128xf32>
    %broadcast_in_dim3A_501 = vector.shape_cast %get3A_182 : vector<128xf32> to vector<1x128xf32>
    %add3A_502 = vector.broadcast %broadcast_in_dim3A_501 : vector<1x128xf32> to vector<80x128xf32>
    %add3A_503 = arith.addf %add3A_500, %add3A_502 : vector<80x128xf32>
    %slice3A_504 = vector.extract_strided_slice %add3A_503 {offsets = [0, 0], sizes = [80, 32], strides = [1, 1]} : vector<80x128xf32> to vector<80x32xf32>
    %logistic3A_505 = arith.negf %slice3A_504 : vector<80x32xf32>
    %logistic3A_506 = math.exp %logistic3A_505 : vector<80x32xf32>
    %logistic3A_507 = arith.constant 1.000000e+00 : f32
    %logistic3A_508 = vector.broadcast %logistic3A_507 : f32 to vector<80x32xf32>
    %logistic3A_509 = arith.addf %logistic3A_508, %logistic3A_506 : vector<80x32xf32>
    %logistic3A_510 = arith.divf %logistic3A_508, %logistic3A_509 : vector<80x32xf32>
    %slice3A_511 = vector.extract_strided_slice %add3A_503 {offsets = [0, 32], sizes = [80, 32], strides = [1, 1]} : vector<80x128xf32> to vector<80x32xf32>
    %logistic3A_512 = arith.negf %slice3A_511 : vector<80x32xf32>
    %logistic3A_513 = math.exp %logistic3A_512 : vector<80x32xf32>
    %logistic3A_514 = arith.constant 1.000000e+00 : f32
    %logistic3A_515 = vector.broadcast %logistic3A_514 : f32 to vector<80x32xf32>
    %logistic3A_516 = arith.addf %logistic3A_515, %logistic3A_513 : vector<80x32xf32>
    %logistic3A_517 = arith.divf %logistic3A_515, %logistic3A_516 : vector<80x32xf32>
    %slice3A_518 = vector.extract_strided_slice %add3A_503 {offsets = [0, 64], sizes = [80, 32], strides = [1, 1]} : vector<80x128xf32> to vector<80x32xf32>
    %tanh3A_519 = math.tanh %slice3A_518 : vector<80x32xf32>
    %slice3A_520 = vector.extract_strided_slice %add3A_503 {offsets = [0, 96], sizes = [80, 32], strides = [1, 1]} : vector<80x128xf32> to vector<80x32xf32>
    %logistic3A_521 = arith.negf %slice3A_520 : vector<80x32xf32>
    %logistic3A_522 = math.exp %logistic3A_521 : vector<80x32xf32>
    %logistic3A_523 = arith.constant 1.000000e+00 : f32
    %logistic3A_524 = vector.broadcast %logistic3A_523 : f32 to vector<80x32xf32>
    %logistic3A_525 = arith.addf %logistic3A_524, %logistic3A_522 : vector<80x32xf32>
    %logistic3A_526 = arith.divf %logistic3A_524, %logistic3A_525 : vector<80x32xf32>
    %mul3A_527 = arith.mulf %logistic3A_517, %broadcast_in_dim3A_493 : vector<80x32xf32>
    %mul3A_528 = arith.mulf %logistic3A_510, %tanh3A_519 : vector<80x32xf32>
    %add3A_529 = arith.addf %mul3A_527, %mul3A_528 : vector<80x32xf32>
    %tanh3A_530 = math.tanh %add3A_529 : vector<80x32xf32>
    %mul3A_531 = arith.mulf %logistic3A_526, %tanh3A_530 : vector<80x32xf32>
    %transpose3A_532 = tpu.transpose %get3A_177, [1, 0] : vector<128x160xf32> -> vector<160x128xf32>
    %dot_general3A_533 = arith.constant dense<0.000000e+00> : vector<80x128xf32>
    %dot_general3A_534 = tpu.matmul %concatenate3A_157, %transpose3A_532, %dot_general3A_533 {dimension_numbers = #tpu.dot_dimension_numbers<[1], [0], [0], [1], [0, 0, 1, 1], [], []>, transpose_lhs_hint = false} : vector<80x160xf32>, vector<160x128xf32>, vector<80x128xf32> -> vector<80x128xf32>
    %transpose3A_535 = tpu.transpose %get3A_180, [1, 0] : vector<128x32xf32> -> vector<32x128xf32>
    %dot_general3A_536 = arith.constant dense<0.000000e+00> : vector<80x128xf32>
    %dot_general3A_537 = tpu.matmul %mul3A_531, %transpose3A_535, %dot_general3A_536 {dimension_numbers = #tpu.dot_dimension_numbers<[1], [0], [0], [1], [0, 0, 1, 1], [], []>, transpose_lhs_hint = false} : vector<80x32xf32>, vector<32x128xf32>, vector<80x128xf32> -> vector<80x128xf32>
    %add3A_538 = arith.addf %dot_general3A_534, %dot_general3A_537 : vector<80x128xf32>
    %broadcast_in_dim3A_539 = vector.shape_cast %get3A_182 : vector<128xf32> to vector<1x128xf32>
    %add3A_540 = vector.broadcast %broadcast_in_dim3A_539 : vector<1x128xf32> to vector<80x128xf32>
    %add3A_541 = arith.addf %add3A_538, %add3A_540 : vector<80x128xf32>
    %slice3A_542 = vector.extract_strided_slice %add3A_541 {offsets = [0, 0], sizes = [80, 32], strides = [1, 1]} : vector<80x128xf32> to vector<80x32xf32>
    %logistic3A_543 = arith.negf %slice3A_542 : vector<80x32xf32>
    %logistic3A_544 = math.exp %logistic3A_543 : vector<80x32xf32>
    %logistic3A_545 = arith.constant 1.000000e+00 : f32
    %logistic3A_546 = vector.broadcast %logistic3A_545 : f32 to vector<80x32xf32>
    %logistic3A_547 = arith.addf %logistic3A_546, %logistic3A_544 : vector<80x32xf32>
    %logistic3A_548 = arith.divf %logistic3A_546, %logistic3A_547 : vector<80x32xf32>
    %slice3A_549 = vector.extract_strided_slice %add3A_541 {offsets = [0, 32], sizes = [80, 32], strides = [1, 1]} : vector<80x128xf32> to vector<80x32xf32>
    %logistic3A_550 = arith.negf %slice3A_549 : vector<80x32xf32>
    %logistic3A_551 = math.exp %logistic3A_550 : vector<80x32xf32>
    %logistic3A_552 = arith.constant 1.000000e+00 : f32
    %logistic3A_553 = vector.broadcast %logistic3A_552 : f32 to vector<80x32xf32>
    %logistic3A_554 = arith.addf %logistic3A_553, %logistic3A_551 : vector<80x32xf32>
    %logistic3A_555 = arith.divf %logistic3A_553, %logistic3A_554 : vector<80x32xf32>
    %slice3A_556 = vector.extract_strided_slice %add3A_541 {offsets = [0, 64], sizes = [80, 32], strides = [1, 1]} : vector<80x128xf32> to vector<80x32xf32>
    %tanh3A_557 = math.tanh %slice3A_556 : vector<80x32xf32>
    %slice3A_558 = vector.extract_strided_slice %add3A_541 {offsets = [0, 96], sizes = [80, 32], strides = [1, 1]} : vector<80x128xf32> to vector<80x32xf32>
    %logistic3A_559 = arith.negf %slice3A_558 : vector<80x32xf32>
    %logistic3A_560 = math.exp %logistic3A_559 : vector<80x32xf32>
    %logistic3A_561 = arith.constant 1.000000e+00 : f32
    %logistic3A_562 = vector.broadcast %logistic3A_561 : f32 to vector<80x32xf32>
    %logistic3A_563 = arith.addf %logistic3A_562, %logistic3A_560 : vector<80x32xf32>
    %logistic3A_564 = arith.divf %logistic3A_562, %logistic3A_563 : vector<80x32xf32>
    %mul3A_565 = arith.mulf %logistic3A_555, %add3A_529 : vector<80x32xf32>
    %mul3A_566 = arith.mulf %logistic3A_548, %tanh3A_557 : vector<80x32xf32>
    %add3A_567 = arith.addf %mul3A_565, %mul3A_566 : vector<80x32xf32>
    %tanh3A_568 = math.tanh %add3A_567 : vector<80x32xf32>
    %mul3A_569 = arith.mulf %logistic3A_564, %tanh3A_568 : vector<80x32xf32>
    %transpose3A_570 = tpu.transpose %get3A_177, [1, 0] : vector<128x160xf32> -> vector<160x128xf32>
    %dot_general3A_571 = arith.constant dense<0.000000e+00> : vector<80x128xf32>
    %dot_general3A_572 = tpu.matmul %concatenate3A_148, %transpose3A_570, %dot_general3A_571 {dimension_numbers = #tpu.dot_dimension_numbers<[1], [0], [0], [1], [0, 0, 1, 1], [], []>, transpose_lhs_hint = false} : vector<80x160xf32>, vector<160x128xf32>, vector<80x128xf32> -> vector<80x128xf32>
    %transpose3A_573 = tpu.transpose %get3A_180, [1, 0] : vector<128x32xf32> -> vector<32x128xf32>
    %dot_general3A_574 = arith.constant dense<0.000000e+00> : vector<80x128xf32>
    %dot_general3A_575 = tpu.matmul %mul3A_569, %transpose3A_573, %dot_general3A_574 {dimension_numbers = #tpu.dot_dimension_numbers<[1], [0], [0], [1], [0, 0, 1, 1], [], []>, transpose_lhs_hint = false} : vector<80x32xf32>, vector<32x128xf32>, vector<80x128xf32> -> vector<80x128xf32>
    %add3A_576 = arith.addf %dot_general3A_572, %dot_general3A_575 : vector<80x128xf32>
    %broadcast_in_dim3A_577 = vector.shape_cast %get3A_182 : vector<128xf32> to vector<1x128xf32>
    %add3A_578 = vector.broadcast %broadcast_in_dim3A_577 : vector<1x128xf32> to vector<80x128xf32>
    %add3A_579 = arith.addf %add3A_576, %add3A_578 : vector<80x128xf32>
    %slice3A_580 = vector.extract_strided_slice %add3A_579 {offsets = [0, 0], sizes = [80, 32], strides = [1, 1]} : vector<80x128xf32> to vector<80x32xf32>
    %logistic3A_581 = arith.negf %slice3A_580 : vector<80x32xf32>
    %logistic3A_582 = math.exp %logistic3A_581 : vector<80x32xf32>
    %logistic3A_583 = arith.constant 1.000000e+00 : f32
    %logistic3A_584 = vector.broadcast %logistic3A_583 : f32 to vector<80x32xf32>
    %logistic3A_585 = arith.addf %logistic3A_584, %logistic3A_582 : vector<80x32xf32>
    %logistic3A_586 = arith.divf %logistic3A_584, %logistic3A_585 : vector<80x32xf32>
    %slice3A_587 = vector.extract_strided_slice %add3A_579 {offsets = [0, 32], sizes = [80, 32], strides = [1, 1]} : vector<80x128xf32> to vector<80x32xf32>
    %logistic3A_588 = arith.negf %slice3A_587 : vector<80x32xf32>
    %logistic3A_589 = math.exp %logistic3A_588 : vector<80x32xf32>
    %logistic3A_590 = arith.constant 1.000000e+00 : f32
    %logistic3A_591 = vector.broadcast %logistic3A_590 : f32 to vector<80x32xf32>
    %logistic3A_592 = arith.addf %logistic3A_591, %logistic3A_589 : vector<80x32xf32>
    %logistic3A_593 = arith.divf %logistic3A_591, %logistic3A_592 : vector<80x32xf32>
    %slice3A_594 = vector.extract_strided_slice %add3A_579 {offsets = [0, 64], sizes = [80, 32], strides = [1, 1]} : vector<80x128xf32> to vector<80x32xf32>
    %tanh3A_595 = math.tanh %slice3A_594 : vector<80x32xf32>
    %slice3A_596 = vector.extract_strided_slice %add3A_579 {offsets = [0, 96], sizes = [80, 32], strides = [1, 1]} : vector<80x128xf32> to vector<80x32xf32>
    %logistic3A_597 = arith.negf %slice3A_596 : vector<80x32xf32>
    %logistic3A_598 = math.exp %logistic3A_597 : vector<80x32xf32>
    %logistic3A_599 = arith.constant 1.000000e+00 : f32
    %logistic3A_600 = vector.broadcast %logistic3A_599 : f32 to vector<80x32xf32>
    %logistic3A_601 = arith.addf %logistic3A_600, %logistic3A_598 : vector<80x32xf32>
    %logistic3A_602 = arith.divf %logistic3A_600, %logistic3A_601 : vector<80x32xf32>
    %mul3A_603 = arith.mulf %logistic3A_593, %add3A_567 : vector<80x32xf32>
    %mul3A_604 = arith.mulf %logistic3A_586, %tanh3A_595 : vector<80x32xf32>
    %add3A_605 = arith.addf %mul3A_603, %mul3A_604 : vector<80x32xf32>
    %tanh3A_606 = math.tanh %add3A_605 : vector<80x32xf32>
    %mul3A_607 = arith.mulf %logistic3A_602, %tanh3A_606 : vector<80x32xf32>
    %transpose3A_608 = tpu.transpose %get3A_177, [1, 0] : vector<128x160xf32> -> vector<160x128xf32>
    %dot_general3A_609 = arith.constant dense<0.000000e+00> : vector<80x128xf32>
    %dot_general3A_610 = tpu.matmul %concatenate3A_139, %transpose3A_608, %dot_general3A_609 {dimension_numbers = #tpu.dot_dimension_numbers<[1], [0], [0], [1], [0, 0, 1, 1], [], []>, transpose_lhs_hint = false} : vector<80x160xf32>, vector<160x128xf32>, vector<80x128xf32> -> vector<80x128xf32>
    %transpose3A_611 = tpu.transpose %get3A_180, [1, 0] : vector<128x32xf32> -> vector<32x128xf32>
    %dot_general3A_612 = arith.constant dense<0.000000e+00> : vector<80x128xf32>
    %dot_general3A_613 = tpu.matmul %mul3A_607, %transpose3A_611, %dot_general3A_612 {dimension_numbers = #tpu.dot_dimension_numbers<[1], [0], [0], [1], [0, 0, 1, 1], [], []>, transpose_lhs_hint = false} : vector<80x32xf32>, vector<32x128xf32>, vector<80x128xf32> -> vector<80x128xf32>
    %add3A_614 = arith.addf %dot_general3A_610, %dot_general3A_613 : vector<80x128xf32>
    %broadcast_in_dim3A_615 = vector.shape_cast %get3A_182 : vector<128xf32> to vector<1x128xf32>
    %add3A_616 = vector.broadcast %broadcast_in_dim3A_615 : vector<1x128xf32> to vector<80x128xf32>
    %add3A_617 = arith.addf %add3A_614, %add3A_616 : vector<80x128xf32>
    %slice3A_618 = vector.extract_strided_slice %add3A_617 {offsets = [0, 0], sizes = [80, 32], strides = [1, 1]} : vector<80x128xf32> to vector<80x32xf32>
    %logistic3A_619 = arith.negf %slice3A_618 : vector<80x32xf32>
    %logistic3A_620 = math.exp %logistic3A_619 : vector<80x32xf32>
    %logistic3A_621 = arith.constant 1.000000e+00 : f32
    %logistic3A_622 = vector.broadcast %logistic3A_621 : f32 to vector<80x32xf32>
    %logistic3A_623 = arith.addf %logistic3A_622, %logistic3A_620 : vector<80x32xf32>
    %logistic3A_624 = arith.divf %logistic3A_622, %logistic3A_623 : vector<80x32xf32>
    %slice3A_625 = vector.extract_strided_slice %add3A_617 {offsets = [0, 32], sizes = [80, 32], strides = [1, 1]} : vector<80x128xf32> to vector<80x32xf32>
    %logistic3A_626 = arith.negf %slice3A_625 : vector<80x32xf32>
    %logistic3A_627 = math.exp %logistic3A_626 : vector<80x32xf32>
    %logistic3A_628 = arith.constant 1.000000e+00 : f32
    %logistic3A_629 = vector.broadcast %logistic3A_628 : f32 to vector<80x32xf32>
    %logistic3A_630 = arith.addf %logistic3A_629, %logistic3A_627 : vector<80x32xf32>
    %logistic3A_631 = arith.divf %logistic3A_629, %logistic3A_630 : vector<80x32xf32>
    %slice3A_632 = vector.extract_strided_slice %add3A_617 {offsets = [0, 64], sizes = [80, 32], strides = [1, 1]} : vector<80x128xf32> to vector<80x32xf32>
    %tanh3A_633 = math.tanh %slice3A_632 : vector<80x32xf32>
    %slice3A_634 = vector.extract_strided_slice %add3A_617 {offsets = [0, 96], sizes = [80, 32], strides = [1, 1]} : vector<80x128xf32> to vector<80x32xf32>
    %logistic3A_635 = arith.negf %slice3A_634 : vector<80x32xf32>
    %logistic3A_636 = math.exp %logistic3A_635 : vector<80x32xf32>
    %logistic3A_637 = arith.constant 1.000000e+00 : f32
    %logistic3A_638 = vector.broadcast %logistic3A_637 : f32 to vector<80x32xf32>
    %logistic3A_639 = arith.addf %logistic3A_638, %logistic3A_636 : vector<80x32xf32>
    %logistic3A_640 = arith.divf %logistic3A_638, %logistic3A_639 : vector<80x32xf32>
    %mul3A_641 = arith.mulf %logistic3A_631, %add3A_605 : vector<80x32xf32>
    %mul3A_642 = arith.mulf %logistic3A_624, %tanh3A_633 : vector<80x32xf32>
    %add3A_643 = arith.addf %mul3A_641, %mul3A_642 : vector<80x32xf32>
    %tanh3A_644 = math.tanh %add3A_643 : vector<80x32xf32>
    %mul3A_645 = arith.mulf %logistic3A_640, %tanh3A_644 : vector<80x32xf32>
    %transpose3A_646 = tpu.transpose %get3A_177, [1, 0] : vector<128x160xf32> -> vector<160x128xf32>
    %dot_general3A_647 = arith.constant dense<0.000000e+00> : vector<80x128xf32>
    %dot_general3A_648 = tpu.matmul %concatenate3A_130, %transpose3A_646, %dot_general3A_647 {dimension_numbers = #tpu.dot_dimension_numbers<[1], [0], [0], [1], [0, 0, 1, 1], [], []>, transpose_lhs_hint = false} : vector<80x160xf32>, vector<160x128xf32>, vector<80x128xf32> -> vector<80x128xf32>
    %transpose3A_649 = tpu.transpose %get3A_180, [1, 0] : vector<128x32xf32> -> vector<32x128xf32>
    %dot_general3A_650 = arith.constant dense<0.000000e+00> : vector<80x128xf32>
    %dot_general3A_651 = tpu.matmul %mul3A_645, %transpose3A_649, %dot_general3A_650 {dimension_numbers = #tpu.dot_dimension_numbers<[1], [0], [0], [1], [0, 0, 1, 1], [], []>, transpose_lhs_hint = false} : vector<80x32xf32>, vector<32x128xf32>, vector<80x128xf32> -> vector<80x128xf32>
    %add3A_652 = arith.addf %dot_general3A_648, %dot_general3A_651 : vector<80x128xf32>
    %broadcast_in_dim3A_653 = vector.shape_cast %get3A_182 : vector<128xf32> to vector<1x128xf32>
    %add3A_654 = vector.broadcast %broadcast_in_dim3A_653 : vector<1x128xf32> to vector<80x128xf32>
    %add3A_655 = arith.addf %add3A_652, %add3A_654 : vector<80x128xf32>
    %slice3A_656 = vector.extract_strided_slice %add3A_655 {offsets = [0, 0], sizes = [80, 32], strides = [1, 1]} : vector<80x128xf32> to vector<80x32xf32>
    %logistic3A_657 = arith.negf %slice3A_656 : vector<80x32xf32>
    %logistic3A_658 = math.exp %logistic3A_657 : vector<80x32xf32>
    %logistic3A_659 = arith.constant 1.000000e+00 : f32
    %logistic3A_660 = vector.broadcast %logistic3A_659 : f32 to vector<80x32xf32>
    %logistic3A_661 = arith.addf %logistic3A_660, %logistic3A_658 : vector<80x32xf32>
    %logistic3A_662 = arith.divf %logistic3A_660, %logistic3A_661 : vector<80x32xf32>
    %slice3A_663 = vector.extract_strided_slice %add3A_655 {offsets = [0, 32], sizes = [80, 32], strides = [1, 1]} : vector<80x128xf32> to vector<80x32xf32>
    %logistic3A_664 = arith.negf %slice3A_663 : vector<80x32xf32>
    %logistic3A_665 = math.exp %logistic3A_664 : vector<80x32xf32>
    %logistic3A_666 = arith.constant 1.000000e+00 : f32
    %logistic3A_667 = vector.broadcast %logistic3A_666 : f32 to vector<80x32xf32>
    %logistic3A_668 = arith.addf %logistic3A_667, %logistic3A_665 : vector<80x32xf32>
    %logistic3A_669 = arith.divf %logistic3A_667, %logistic3A_668 : vector<80x32xf32>
    %slice3A_670 = vector.extract_strided_slice %add3A_655 {offsets = [0, 64], sizes = [80, 32], strides = [1, 1]} : vector<80x128xf32> to vector<80x32xf32>
    %tanh3A_671 = math.tanh %slice3A_670 : vector<80x32xf32>
    %slice3A_672 = vector.extract_strided_slice %add3A_655 {offsets = [0, 96], sizes = [80, 32], strides = [1, 1]} : vector<80x128xf32> to vector<80x32xf32>
    %logistic3A_673 = arith.negf %slice3A_672 : vector<80x32xf32>
    %logistic3A_674 = math.exp %logistic3A_673 : vector<80x32xf32>
    %logistic3A_675 = arith.constant 1.000000e+00 : f32
    %logistic3A_676 = vector.broadcast %logistic3A_675 : f32 to vector<80x32xf32>
    %logistic3A_677 = arith.addf %logistic3A_676, %logistic3A_674 : vector<80x32xf32>
    %logistic3A_678 = arith.divf %logistic3A_676, %logistic3A_677 : vector<80x32xf32>
    %mul3A_679 = arith.mulf %logistic3A_669, %add3A_643 : vector<80x32xf32>
    %mul3A_680 = arith.mulf %logistic3A_662, %tanh3A_671 : vector<80x32xf32>
    %add3A_681 = arith.addf %mul3A_679, %mul3A_680 : vector<80x32xf32>
    %tanh3A_682 = math.tanh %add3A_681 : vector<80x32xf32>
    %mul3A_683 = arith.mulf %logistic3A_678, %tanh3A_682 : vector<80x32xf32>
    %transpose3A_684 = tpu.transpose %get3A_177, [1, 0] : vector<128x160xf32> -> vector<160x128xf32>
    %dot_general3A_685 = arith.constant dense<0.000000e+00> : vector<80x128xf32>
    %dot_general3A_686 = tpu.matmul %concatenate3A_121, %transpose3A_684, %dot_general3A_685 {dimension_numbers = #tpu.dot_dimension_numbers<[1], [0], [0], [1], [0, 0, 1, 1], [], []>, transpose_lhs_hint = false} : vector<80x160xf32>, vector<160x128xf32>, vector<80x128xf32> -> vector<80x128xf32>
    %transpose3A_687 = tpu.transpose %get3A_180, [1, 0] : vector<128x32xf32> -> vector<32x128xf32>
    %dot_general3A_688 = arith.constant dense<0.000000e+00> : vector<80x128xf32>
    %dot_general3A_689 = tpu.matmul %mul3A_683, %transpose3A_687, %dot_general3A_688 {dimension_numbers = #tpu.dot_dimension_numbers<[1], [0], [0], [1], [0, 0, 1, 1], [], []>, transpose_lhs_hint = false} : vector<80x32xf32>, vector<32x128xf32>, vector<80x128xf32> -> vector<80x128xf32>
    %add3A_690 = arith.addf %dot_general3A_686, %dot_general3A_689 : vector<80x128xf32>
    %broadcast_in_dim3A_691 = vector.shape_cast %get3A_182 : vector<128xf32> to vector<1x128xf32>
    %add3A_692 = vector.broadcast %broadcast_in_dim3A_691 : vector<1x128xf32> to vector<80x128xf32>
    %add3A_693 = arith.addf %add3A_690, %add3A_692 : vector<80x128xf32>
    %slice3A_694 = vector.extract_strided_slice %add3A_693 {offsets = [0, 0], sizes = [80, 32], strides = [1, 1]} : vector<80x128xf32> to vector<80x32xf32>
    %logistic3A_695 = arith.negf %slice3A_694 : vector<80x32xf32>
    %logistic3A_696 = math.exp %logistic3A_695 : vector<80x32xf32>
    %logistic3A_697 = arith.constant 1.000000e+00 : f32
    %logistic3A_698 = vector.broadcast %logistic3A_697 : f32 to vector<80x32xf32>
    %logistic3A_699 = arith.addf %logistic3A_698, %logistic3A_696 : vector<80x32xf32>
    %logistic3A_700 = arith.divf %logistic3A_698, %logistic3A_699 : vector<80x32xf32>
    %slice3A_701 = vector.extract_strided_slice %add3A_693 {offsets = [0, 32], sizes = [80, 32], strides = [1, 1]} : vector<80x128xf32> to vector<80x32xf32>
    %logistic3A_702 = arith.negf %slice3A_701 : vector<80x32xf32>
    %logistic3A_703 = math.exp %logistic3A_702 : vector<80x32xf32>
    %logistic3A_704 = arith.constant 1.000000e+00 : f32
    %logistic3A_705 = vector.broadcast %logistic3A_704 : f32 to vector<80x32xf32>
    %logistic3A_706 = arith.addf %logistic3A_705, %logistic3A_703 : vector<80x32xf32>
    %logistic3A_707 = arith.divf %logistic3A_705, %logistic3A_706 : vector<80x32xf32>
    %slice3A_708 = vector.extract_strided_slice %add3A_693 {offsets = [0, 64], sizes = [80, 32], strides = [1, 1]} : vector<80x128xf32> to vector<80x32xf32>
    %tanh3A_709 = math.tanh %slice3A_708 : vector<80x32xf32>
    %slice3A_710 = vector.extract_strided_slice %add3A_693 {offsets = [0, 96], sizes = [80, 32], strides = [1, 1]} : vector<80x128xf32> to vector<80x32xf32>
    %logistic3A_711 = arith.negf %slice3A_710 : vector<80x32xf32>
    %logistic3A_712 = math.exp %logistic3A_711 : vector<80x32xf32>
    %logistic3A_713 = arith.constant 1.000000e+00 : f32
    %logistic3A_714 = vector.broadcast %logistic3A_713 : f32 to vector<80x32xf32>
    %logistic3A_715 = arith.addf %logistic3A_714, %logistic3A_712 : vector<80x32xf32>
    %logistic3A_716 = arith.divf %logistic3A_714, %logistic3A_715 : vector<80x32xf32>
    %mul3A_717 = arith.mulf %logistic3A_707, %add3A_681 : vector<80x32xf32>
    %mul3A_718 = arith.mulf %logistic3A_700, %tanh3A_709 : vector<80x32xf32>
    %add3A_719 = arith.addf %mul3A_717, %mul3A_718 : vector<80x32xf32>
    %tanh3A_720 = math.tanh %add3A_719 : vector<80x32xf32>
    %mul3A_721 = arith.mulf %logistic3A_716, %tanh3A_720 : vector<80x32xf32>
    %transpose3A_722 = tpu.transpose %get3A_177, [1, 0] : vector<128x160xf32> -> vector<160x128xf32>
    %dot_general3A_723 = arith.constant dense<0.000000e+00> : vector<80x128xf32>
    %dot_general3A_724 = tpu.matmul %concatenate3A_112, %transpose3A_722, %dot_general3A_723 {dimension_numbers = #tpu.dot_dimension_numbers<[1], [0], [0], [1], [0, 0, 1, 1], [], []>, transpose_lhs_hint = false} : vector<80x160xf32>, vector<160x128xf32>, vector<80x128xf32> -> vector<80x128xf32>
    %transpose3A_725 = tpu.transpose %get3A_180, [1, 0] : vector<128x32xf32> -> vector<32x128xf32>
    %dot_general3A_726 = arith.constant dense<0.000000e+00> : vector<80x128xf32>
    %dot_general3A_727 = tpu.matmul %mul3A_721, %transpose3A_725, %dot_general3A_726 {dimension_numbers = #tpu.dot_dimension_numbers<[1], [0], [0], [1], [0, 0, 1, 1], [], []>, transpose_lhs_hint = false} : vector<80x32xf32>, vector<32x128xf32>, vector<80x128xf32> -> vector<80x128xf32>
    %add3A_728 = arith.addf %dot_general3A_724, %dot_general3A_727 : vector<80x128xf32>
    %broadcast_in_dim3A_729 = vector.shape_cast %get3A_182 : vector<128xf32> to vector<1x128xf32>
    %add3A_730 = vector.broadcast %broadcast_in_dim3A_729 : vector<1x128xf32> to vector<80x128xf32>
    %add3A_731 = arith.addf %add3A_728, %add3A_730 : vector<80x128xf32>
    %slice3A_732 = vector.extract_strided_slice %add3A_731 {offsets = [0, 0], sizes = [80, 32], strides = [1, 1]} : vector<80x128xf32> to vector<80x32xf32>
    %logistic3A_733 = arith.negf %slice3A_732 : vector<80x32xf32>
    %logistic3A_734 = math.exp %logistic3A_733 : vector<80x32xf32>
    %logistic3A_735 = arith.constant 1.000000e+00 : f32
    %logistic3A_736 = vector.broadcast %logistic3A_735 : f32 to vector<80x32xf32>
    %logistic3A_737 = arith.addf %logistic3A_736, %logistic3A_734 : vector<80x32xf32>
    %logistic3A_738 = arith.divf %logistic3A_736, %logistic3A_737 : vector<80x32xf32>
    %slice3A_739 = vector.extract_strided_slice %add3A_731 {offsets = [0, 32], sizes = [80, 32], strides = [1, 1]} : vector<80x128xf32> to vector<80x32xf32>
    %logistic3A_740 = arith.negf %slice3A_739 : vector<80x32xf32>
    %logistic3A_741 = math.exp %logistic3A_740 : vector<80x32xf32>
    %logistic3A_742 = arith.constant 1.000000e+00 : f32
    %logistic3A_743 = vector.broadcast %logistic3A_742 : f32 to vector<80x32xf32>
    %logistic3A_744 = arith.addf %logistic3A_743, %logistic3A_741 : vector<80x32xf32>
    %logistic3A_745 = arith.divf %logistic3A_743, %logistic3A_744 : vector<80x32xf32>
    %slice3A_746 = vector.extract_strided_slice %add3A_731 {offsets = [0, 64], sizes = [80, 32], strides = [1, 1]} : vector<80x128xf32> to vector<80x32xf32>
    %tanh3A_747 = math.tanh %slice3A_746 : vector<80x32xf32>
    %slice3A_748 = vector.extract_strided_slice %add3A_731 {offsets = [0, 96], sizes = [80, 32], strides = [1, 1]} : vector<80x128xf32> to vector<80x32xf32>
    %logistic3A_749 = arith.negf %slice3A_748 : vector<80x32xf32>
    %logistic3A_750 = math.exp %logistic3A_749 : vector<80x32xf32>
    %logistic3A_751 = arith.constant 1.000000e+00 : f32
    %logistic3A_752 = vector.broadcast %logistic3A_751 : f32 to vector<80x32xf32>
    %logistic3A_753 = arith.addf %logistic3A_752, %logistic3A_750 : vector<80x32xf32>
    %logistic3A_754 = arith.divf %logistic3A_752, %logistic3A_753 : vector<80x32xf32>
    %mul3A_755 = arith.mulf %logistic3A_745, %add3A_719 : vector<80x32xf32>
    %mul3A_756 = arith.mulf %logistic3A_738, %tanh3A_747 : vector<80x32xf32>
    %add3A_757 = arith.addf %mul3A_755, %mul3A_756 : vector<80x32xf32>
    %tanh3A_758 = math.tanh %add3A_757 : vector<80x32xf32>
    %mul3A_759 = arith.mulf %logistic3A_754, %tanh3A_758 : vector<80x32xf32>
    %transpose3A_760 = tpu.transpose %get3A_177, [1, 0] : vector<128x160xf32> -> vector<160x128xf32>
    %dot_general3A_761 = arith.constant dense<0.000000e+00> : vector<80x128xf32>
    %dot_general3A_762 = tpu.matmul %concatenate3A_103, %transpose3A_760, %dot_general3A_761 {dimension_numbers = #tpu.dot_dimension_numbers<[1], [0], [0], [1], [0, 0, 1, 1], [], []>, transpose_lhs_hint = false} : vector<80x160xf32>, vector<160x128xf32>, vector<80x128xf32> -> vector<80x128xf32>
    %transpose3A_763 = tpu.transpose %get3A_180, [1, 0] : vector<128x32xf32> -> vector<32x128xf32>
    %dot_general3A_764 = arith.constant dense<0.000000e+00> : vector<80x128xf32>
    %dot_general3A_765 = tpu.matmul %mul3A_759, %transpose3A_763, %dot_general3A_764 {dimension_numbers = #tpu.dot_dimension_numbers<[1], [0], [0], [1], [0, 0, 1, 1], [], []>, transpose_lhs_hint = false} : vector<80x32xf32>, vector<32x128xf32>, vector<80x128xf32> -> vector<80x128xf32>
    %add3A_766 = arith.addf %dot_general3A_762, %dot_general3A_765 : vector<80x128xf32>
    %broadcast_in_dim3A_767 = vector.shape_cast %get3A_182 : vector<128xf32> to vector<1x128xf32>
    %add3A_768 = vector.broadcast %broadcast_in_dim3A_767 : vector<1x128xf32> to vector<80x128xf32>
    %add3A_769 = arith.addf %add3A_766, %add3A_768 : vector<80x128xf32>
    %slice3A_770 = vector.extract_strided_slice %add3A_769 {offsets = [0, 0], sizes = [80, 32], strides = [1, 1]} : vector<80x128xf32> to vector<80x32xf32>
    %logistic3A_771 = arith.negf %slice3A_770 : vector<80x32xf32>
    %logistic3A_772 = math.exp %logistic3A_771 : vector<80x32xf32>
    %logistic3A_773 = arith.constant 1.000000e+00 : f32
    %logistic3A_774 = vector.broadcast %logistic3A_773 : f32 to vector<80x32xf32>
    %logistic3A_775 = arith.addf %logistic3A_774, %logistic3A_772 : vector<80x32xf32>
    %logistic3A_776 = arith.divf %logistic3A_774, %logistic3A_775 : vector<80x32xf32>
    %slice3A_777 = vector.extract_strided_slice %add3A_769 {offsets = [0, 32], sizes = [80, 32], strides = [1, 1]} : vector<80x128xf32> to vector<80x32xf32>
    %logistic3A_778 = arith.negf %slice3A_777 : vector<80x32xf32>
    %logistic3A_779 = math.exp %logistic3A_778 : vector<80x32xf32>
    %logistic3A_780 = arith.constant 1.000000e+00 : f32
    %logistic3A_781 = vector.broadcast %logistic3A_780 : f32 to vector<80x32xf32>
    %logistic3A_782 = arith.addf %logistic3A_781, %logistic3A_779 : vector<80x32xf32>
    %logistic3A_783 = arith.divf %logistic3A_781, %logistic3A_782 : vector<80x32xf32>
    %slice3A_784 = vector.extract_strided_slice %add3A_769 {offsets = [0, 64], sizes = [80, 32], strides = [1, 1]} : vector<80x128xf32> to vector<80x32xf32>
    %tanh3A_785 = math.tanh %slice3A_784 : vector<80x32xf32>
    %slice3A_786 = vector.extract_strided_slice %add3A_769 {offsets = [0, 96], sizes = [80, 32], strides = [1, 1]} : vector<80x128xf32> to vector<80x32xf32>
    %logistic3A_787 = arith.negf %slice3A_786 : vector<80x32xf32>
    %logistic3A_788 = math.exp %logistic3A_787 : vector<80x32xf32>
    %logistic3A_789 = arith.constant 1.000000e+00 : f32
    %logistic3A_790 = vector.broadcast %logistic3A_789 : f32 to vector<80x32xf32>
    %logistic3A_791 = arith.addf %logistic3A_790, %logistic3A_788 : vector<80x32xf32>
    %logistic3A_792 = arith.divf %logistic3A_790, %logistic3A_791 : vector<80x32xf32>
    %mul3A_793 = arith.mulf %logistic3A_783, %add3A_757 : vector<80x32xf32>
    %mul3A_794 = arith.mulf %logistic3A_776, %tanh3A_785 : vector<80x32xf32>
    %add3A_795 = arith.addf %mul3A_793, %mul3A_794 : vector<80x32xf32>
    %tanh3A_796 = math.tanh %add3A_795 : vector<80x32xf32>
    %mul3A_797 = arith.mulf %logistic3A_792, %tanh3A_796 : vector<80x32xf32>
    %concatenate3A_798 = tpu.concatenate %mul3A_489, %mul3A_797 in 1 : vector<80x32xf32>, vector<80x32xf32> -> vector<80x64xf32>
    %swap3A = arith.constant 0 : index
    %swap3A_799 = arith.constant 0 : index
    %swap3A_800 = vector.load %arg12[%swap3A, %swap3A_799] : memref<80x64xf32, #tpu.memory_space<vmem>>, vector<80x64xf32>
    tpu.vector_store %arg12[%swap3A, %swap3A_799], %concatenate3A_798 {strides = array<i32>} : memref<80x64xf32, #tpu.memory_space<vmem>>, vector<80x64xf32>,
    return
  }
  func.func @transform_0(%arg0: i32) -> (i32, i32, i32) {
    %c0_i32 = arith.constant 0 : i32
    %c0_i32_0 = arith.constant 0 : i32
    %c0_i32_1 = arith.constant 0 : i32
    return %arg0, %c0_i32, %c0_i32_0 : i32, i32, i32
  }
  func.func @transform_1(%arg0: i32) -> (i32, i32) {
    %c0_i32 = arith.constant 0 : i32
    %c0_i32_0 = arith.constant 0 : i32
    return %arg0, %c0_i32 : i32, i32
  }
  func.func @transform_2(%arg0: i32) -> (i32, i32) {
    %c0_i32 = arith.constant 0 : i32
    %c0_i32_0 = arith.constant 0 : i32
    %c0_i32_1 = arith.constant 0 : i32
    return %c0_i32, %c0_i32_0 : i32, i32
  }
  func.func @transform_3(%arg0: i32) -> (i32, i32, i32) {
    %c0_i32 = arith.constant 0 : i32
    %c0_i32_0 = arith.constant 0 : i32
    %c0_i32_1 = arith.constant 0 : i32
    %c0_i32_2 = arith.constant 0 : i32
    return %c0_i32, %c0_i32_0, %c0_i32_1 : i32, i32, i32
  }
  func.func @transform_4(%arg0: i32) -> i32 {
    %c0_i32 = arith.constant 0 : i32
    %c0_i32_0 = arith.constant 0 : i32
    return %c0_i32 : i32
  }
  func.func @transform_5(%arg0: i32) -> (i32, i32) {
    %c0_i32 = arith.constant 0 : i32
    %c0_i32_0 = arith.constant 0 : i32
    %c0_i32_1 = arith.constant 0 : i32
    return %c0_i32, %c0_i32_0 : i32, i32
  }
  func.func @transform_6(%arg0: i32) -> (i32, i32) {
    %c0_i32 = arith.constant 0 : i32
    %c0_i32_0 = arith.constant 0 : i32
    %c0_i32_1 = arith.constant 0 : i32
    return %c0_i32, %c0_i32_0 : i32, i32
  }
  func.func @transform_7(%arg0: i32) -> i32 {
    %c0_i32 = arith.constant 0 : i32
    %c0_i32_0 = arith.constant 0 : i32
    return %c0_i32 : i32
  }
  func.func @transform_8(%arg0: i32) -> (i32, i32) {
    %c0_i32 = arith.constant 0 : i32
    %c0_i32_0 = arith.constant 0 : i32
    %c0_i32_1 = arith.constant 0 : i32
    return %c0_i32, %c0_i32_0 : i32, i32
  }
  func.func @transform_9(%arg0: i32) -> (i32, i32) {
    %c0_i32 = arith.constant 0 : i32
    %c0_i32_0 = arith.constant 0 : i32
    %c0_i32_1 = arith.constant 0 : i32
    return %c0_i32, %c0_i32_0 : i32, i32
  }
  func.func @transform_10(%arg0: i32) -> i32 {
    %c0_i32 = arith.constant 0 : i32
    %c0_i32_0 = arith.constant 0 : i32
    return %c0_i32 : i32
  }
  func.func @transform_11(%arg0: i32) -> (i32, i32) {
    %c0_i32 = arith.constant 0 : i32
    %c0_i32_0 = arith.constant 0 : i32
    return %arg0, %c0_i32 : i32, i32
  }
}

module attributes {stable_mosaic.version = 14 : i64} {
  func.func @_topk_body(%arg0: memref<391x128xf32, #tpu.memory_space<vmem>>, %arg1: memref<3xi32, #tpu.memory_space<smem>>, %arg2: memref<391x128xi32, #tpu.memory_space<vmem>>, %arg3: memref<391x128xf32, #tpu.memory_space<vmem>>, %arg4: memref<1x128xi32, #tpu.memory_space<vmem>>) attributes {dimension_semantics = [], scalar_prefetch = 0 : i64, scratch_operands = 0 : i64, tpu.core_type = #tpu.core_type<tc>} {
    %get3A = arith.constant 0 : index
    %get3A_0 = arith.constant 0 : index
    %get3A_1 = vector.load %arg0[%get3A, %get3A_0] : memref<391x128xf32, #tpu.memory_space<vmem>>, vector<391x128xf32>
    %iota3A = tpu.iota {dimensions = array<i32: 0>} : vector<391x128xi32>
    %mul3A = arith.constant 128 : i32
    %mul3A_2 = vector.broadcast %mul3A : i32 to vector<391x128xi32>
    %mul3A_3 = arith.muli %iota3A, %mul3A_2 : vector<391x128xi32>
    %iota3A_4 = tpu.iota {dimensions = array<i32: 1>} : vector<391x128xi32>
    %add3A = arith.addi %mul3A_3, %iota3A_4 : vector<391x128xi32>
    %get3A_5 = arith.constant 0 : index
    %get3A_6 = memref.load %arg1[%get3A_5] : memref<3xi32, #tpu.memory_space<smem>>
    %get3A_7 = arith.constant 1 : index
    %get3A_8 = memref.load %arg1[%get3A_7] : memref<3xi32, #tpu.memory_space<smem>>
    %get3A_9 = arith.constant 2 : index
    %get3A_10 = memref.load %arg1[%get3A_9] : memref<3xi32, #tpu.memory_space<smem>>
    %eq3A = vector.broadcast %get3A_6 : i32 to vector<391x128xi32>
    %eq3A_11 = arith.cmpi eq, %add3A, %eq3A : vector<391x128xi32>
    %eq3A_12 = vector.broadcast %get3A_8 : i32 to vector<391x128xi32>
    %eq3A_13 = arith.cmpi eq, %add3A, %eq3A_12 : vector<391x128xi32>
    %or3A = arith.ori %eq3A_11, %eq3A_13 : vector<391x128xi1>
    %eq3A_14 = vector.broadcast %get3A_10 : i32 to vector<391x128xi32>
    %eq3A_15 = arith.cmpi eq, %add3A, %eq3A_14 : vector<391x128xi32>
    %or3A_16 = arith.ori %or3A, %eq3A_15 : vector<391x128xi1>
    %jit3A = arith.constant 1.000000e+09 : f32
    %broadcast_in_dim3A = vector.broadcast %jit3A : f32 to vector<391x128xf32>
    %select_n3A = arith.select %or3A_16, %broadcast_in_dim3A, %get3A_1 : vector<391x128xi1>, vector<391x128xf32>
    %ge3A = arith.constant 50000 : i32
    %ge3A_17 = vector.broadcast %ge3A : i32 to vector<391x128xi32>
    %ge3A_18 = arith.cmpi sge, %add3A, %ge3A_17 : vector<391x128xi32>
    %jit3A_19 = arith.constant 0xFF800000 : f32
    %broadcast_in_dim3A_20 = vector.broadcast %jit3A_19 : f32 to vector<391x128xf32>
    %select_n3A_21 = arith.select %ge3A_18, %broadcast_in_dim3A_20, %select_n3A : vector<391x128xi1>, vector<391x128xf32>
    %eq3A_22 = arith.constant 0.000000e+00 : f32
    %eq3A_23 = vector.broadcast %eq3A_22 : f32 to vector<391x128xf32>
    %eq3A_24 = arith.cmpf oeq, %select_n3A_21, %eq3A_23 : vector<391x128xf32>
    %jit3A_25 = arith.constant 0.000000e+00 : f32
    %broadcast_in_dim3A_26 = vector.broadcast %jit3A_25 : f32 to vector<391x128xf32>
    %select_n3A_27 = arith.select %eq3A_24, %broadcast_in_dim3A_26, %select_n3A_21 : vector<391x128xi1>, vector<391x128xf32>
    %bitcast_convert_type3A = tpu.bitcast %select_n3A_27 : vector<391x128xf32> -> vector<391x128xi32>
    %lt3A = arith.constant 0 : i32
    %lt3A_28 = vector.broadcast %lt3A : i32 to vector<391x128xi32>
    %lt3A_29 = arith.cmpi slt, %bitcast_convert_type3A, %lt3A_28 : vector<391x128xi32>
    %not3A = arith.constant dense<-1> : vector<391x128xi32>
    %not3A_30 = arith.xori %bitcast_convert_type3A, %not3A : vector<391x128xi32>
    %xor3A = arith.constant -2147483648 : i32
    %xor3A_31 = vector.broadcast %xor3A : i32 to vector<391x128xi32>
    %xor3A_32 = arith.xori %not3A_30, %xor3A_31 : vector<391x128xi32>
    %select_n3A_33 = arith.select %lt3A_29, %xor3A_32, %bitcast_convert_type3A : vector<391x128xi1>, vector<391x128xi32>
    %ge3A_34 = arith.constant 0 : i32
    %ge3A_35 = vector.broadcast %ge3A_34 : i32 to vector<391x128xi32>
    %ge3A_36 = arith.cmpi sge, %select_n3A_33, %ge3A_35 : vector<391x128xi32>
    %convert_element_type3A = arith.extui %ge3A_36 : vector<391x128xi1> to vector<391x128xi32>
    %convert_element_type3A_37 = arith.sitofp %convert_element_type3A : vector<391x128xi32> to vector<391x128xf32>
    %reduce_sum3A = vector.shape_cast %convert_element_type3A_37 : vector<391x128xf32> to vector<1x391x128xf32>
    %reduce_sum3A_38 = arith.constant dense<0.000000e+00> : vector<1xf32>
    %reduce_sum3A_39 = vector.multi_reduction <add>, %reduce_sum3A, %reduce_sum3A_38 [1, 2] : vector<1x391x128xf32> to vector<1xf32>
    %reduce_sum3A_40 = vector.shape_cast %reduce_sum3A_39 : vector<1xf32> to vector<1x1x1xf32>
    %reduce_sum3A_41 = vector.extract %reduce_sum3A_40[0, 0, 0] : f32 from vector<1x1x1xf32>
    %ge3A_42 = arith.constant 2.500000e+04 : f32
    %ge3A_43 = arith.cmpf oge, %reduce_sum3A_41, %ge3A_42 : f32
    %jit3A_44 = arith.constant 0 : i32
    %jit3A_45 = arith.constant -2147483648 : i32
    %select_n3A_46 = arith.select %ge3A_43, %jit3A_44, %jit3A_45 : i32
    %add3A_47 = arith.constant 1073741824 : i32
    %add3A_48 = arith.addi %select_n3A_46, %add3A_47 : i32
    %ge3A_49 = vector.broadcast %add3A_48 : i32 to vector<391x128xi32>
    %ge3A_50 = arith.cmpi sge, %select_n3A_33, %ge3A_49 : vector<391x128xi32>
    %convert_element_type3A_51 = arith.extui %ge3A_50 : vector<391x128xi1> to vector<391x128xi32>
    %convert_element_type3A_52 = arith.sitofp %convert_element_type3A_51 : vector<391x128xi32> to vector<391x128xf32>
    %reduce_sum3A_53 = vector.shape_cast %convert_element_type3A_52 : vector<391x128xf32> to vector<1x391x128xf32>
    %reduce_sum3A_54 = arith.constant dense<0.000000e+00> : vector<1xf32>
    %reduce_sum3A_55 = vector.multi_reduction <add>, %reduce_sum3A_53, %reduce_sum3A_54 [1, 2] : vector<1x391x128xf32> to vector<1xf32>
    %reduce_sum3A_56 = vector.shape_cast %reduce_sum3A_55 : vector<1xf32> to vector<1x1x1xf32>
    %reduce_sum3A_57 = vector.extract %reduce_sum3A_56[0, 0, 0] : f32 from vector<1x1x1xf32>
    %ge3A_58 = arith.constant 2.500000e+04 : f32
    %ge3A_59 = arith.cmpf oge, %reduce_sum3A_57, %ge3A_58 : f32
    %select_n3A_60 = arith.select %ge3A_59, %add3A_48, %select_n3A_46 : i32
    %add3A_61 = arith.constant 536870912 : i32
    %add3A_62 = arith.addi %select_n3A_60, %add3A_61 : i32
    %ge3A_63 = vector.broadcast %add3A_62 : i32 to vector<391x128xi32>
    %ge3A_64 = arith.cmpi sge, %select_n3A_33, %ge3A_63 : vector<391x128xi32>
    %convert_element_type3A_65 = arith.extui %ge3A_64 : vector<391x128xi1> to vector<391x128xi32>
    %convert_element_type3A_66 = arith.sitofp %convert_element_type3A_65 : vector<391x128xi32> to vector<391x128xf32>
    %reduce_sum3A_67 = vector.shape_cast %convert_element_type3A_66 : vector<391x128xf32> to vector<1x391x128xf32>
    %reduce_sum3A_68 = arith.constant dense<0.000000e+00> : vector<1xf32>
    %reduce_sum3A_69 = vector.multi_reduction <add>, %reduce_sum3A_67, %reduce_sum3A_68 [1, 2] : vector<1x391x128xf32> to vector<1xf32>
    %reduce_sum3A_70 = vector.shape_cast %reduce_sum3A_69 : vector<1xf32> to vector<1x1x1xf32>
    %reduce_sum3A_71 = vector.extract %reduce_sum3A_70[0, 0, 0] : f32 from vector<1x1x1xf32>
    %ge3A_72 = arith.constant 2.500000e+04 : f32
    %ge3A_73 = arith.cmpf oge, %reduce_sum3A_71, %ge3A_72 : f32
    %select_n3A_74 = arith.select %ge3A_73, %add3A_62, %select_n3A_60 : i32
    %add3A_75 = arith.constant 268435456 : i32
    %add3A_76 = arith.addi %select_n3A_74, %add3A_75 : i32
    %ge3A_77 = vector.broadcast %add3A_76 : i32 to vector<391x128xi32>
    %ge3A_78 = arith.cmpi sge, %select_n3A_33, %ge3A_77 : vector<391x128xi32>
    %convert_element_type3A_79 = arith.extui %ge3A_78 : vector<391x128xi1> to vector<391x128xi32>
    %convert_element_type3A_80 = arith.sitofp %convert_element_type3A_79 : vector<391x128xi32> to vector<391x128xf32>
    %reduce_sum3A_81 = vector.shape_cast %convert_element_type3A_80 : vector<391x128xf32> to vector<1x391x128xf32>
    %reduce_sum3A_82 = arith.constant dense<0.000000e+00> : vector<1xf32>
    %reduce_sum3A_83 = vector.multi_reduction <add>, %reduce_sum3A_81, %reduce_sum3A_82 [1, 2] : vector<1x391x128xf32> to vector<1xf32>
    %reduce_sum3A_84 = vector.shape_cast %reduce_sum3A_83 : vector<1xf32> to vector<1x1x1xf32>
    %reduce_sum3A_85 = vector.extract %reduce_sum3A_84[0, 0, 0] : f32 from vector<1x1x1xf32>
    %ge3A_86 = arith.constant 2.500000e+04 : f32
    %ge3A_87 = arith.cmpf oge, %reduce_sum3A_85, %ge3A_86 : f32
    %select_n3A_88 = arith.select %ge3A_87, %add3A_76, %select_n3A_74 : i32
    %add3A_89 = arith.constant 134217728 : i32
    %add3A_90 = arith.addi %select_n3A_88, %add3A_89 : i32
    %ge3A_91 = vector.broadcast %add3A_90 : i32 to vector<391x128xi32>
    %ge3A_92 = arith.cmpi sge, %select_n3A_33, %ge3A_91 : vector<391x128xi32>
    %convert_element_type3A_93 = arith.extui %ge3A_92 : vector<391x128xi1> to vector<391x128xi32>
    %convert_element_type3A_94 = arith.sitofp %convert_element_type3A_93 : vector<391x128xi32> to vector<391x128xf32>
    %reduce_sum3A_95 = vector.shape_cast %convert_element_type3A_94 : vector<391x128xf32> to vector<1x391x128xf32>
    %reduce_sum3A_96 = arith.constant dense<0.000000e+00> : vector<1xf32>
    %reduce_sum3A_97 = vector.multi_reduction <add>, %reduce_sum3A_95, %reduce_sum3A_96 [1, 2] : vector<1x391x128xf32> to vector<1xf32>
    %reduce_sum3A_98 = vector.shape_cast %reduce_sum3A_97 : vector<1xf32> to vector<1x1x1xf32>
    %reduce_sum3A_99 = vector.extract %reduce_sum3A_98[0, 0, 0] : f32 from vector<1x1x1xf32>
    %ge3A_100 = arith.constant 2.500000e+04 : f32
    %ge3A_101 = arith.cmpf oge, %reduce_sum3A_99, %ge3A_100 : f32
    %select_n3A_102 = arith.select %ge3A_101, %add3A_90, %select_n3A_88 : i32
    %add3A_103 = arith.constant 67108864 : i32
    %add3A_104 = arith.addi %select_n3A_102, %add3A_103 : i32
    %ge3A_105 = vector.broadcast %add3A_104 : i32 to vector<391x128xi32>
    %ge3A_106 = arith.cmpi sge, %select_n3A_33, %ge3A_105 : vector<391x128xi32>
    %convert_element_type3A_107 = arith.extui %ge3A_106 : vector<391x128xi1> to vector<391x128xi32>
    %convert_element_type3A_108 = arith.sitofp %convert_element_type3A_107 : vector<391x128xi32> to vector<391x128xf32>
    %reduce_sum3A_109 = vector.shape_cast %convert_element_type3A_108 : vector<391x128xf32> to vector<1x391x128xf32>
    %reduce_sum3A_110 = arith.constant dense<0.000000e+00> : vector<1xf32>
    %reduce_sum3A_111 = vector.multi_reduction <add>, %reduce_sum3A_109, %reduce_sum3A_110 [1, 2] : vector<1x391x128xf32> to vector<1xf32>
    %reduce_sum3A_112 = vector.shape_cast %reduce_sum3A_111 : vector<1xf32> to vector<1x1x1xf32>
    %reduce_sum3A_113 = vector.extract %reduce_sum3A_112[0, 0, 0] : f32 from vector<1x1x1xf32>
    %ge3A_114 = arith.constant 2.500000e+04 : f32
    %ge3A_115 = arith.cmpf oge, %reduce_sum3A_113, %ge3A_114 : f32
    %select_n3A_116 = arith.select %ge3A_115, %add3A_104, %select_n3A_102 : i32
    %add3A_117 = arith.constant 33554432 : i32
    %add3A_118 = arith.addi %select_n3A_116, %add3A_117 : i32
    %ge3A_119 = vector.broadcast %add3A_118 : i32 to vector<391x128xi32>
    %ge3A_120 = arith.cmpi sge, %select_n3A_33, %ge3A_119 : vector<391x128xi32>
    %convert_element_type3A_121 = arith.extui %ge3A_120 : vector<391x128xi1> to vector<391x128xi32>
    %convert_element_type3A_122 = arith.sitofp %convert_element_type3A_121 : vector<391x128xi32> to vector<391x128xf32>
    %reduce_sum3A_123 = vector.shape_cast %convert_element_type3A_122 : vector<391x128xf32> to vector<1x391x128xf32>
    %reduce_sum3A_124 = arith.constant dense<0.000000e+00> : vector<1xf32>
    %reduce_sum3A_125 = vector.multi_reduction <add>, %reduce_sum3A_123, %reduce_sum3A_124 [1, 2] : vector<1x391x128xf32> to vector<1xf32>
    %reduce_sum3A_126 = vector.shape_cast %reduce_sum3A_125 : vector<1xf32> to vector<1x1x1xf32>
    %reduce_sum3A_127 = vector.extract %reduce_sum3A_126[0, 0, 0] : f32 from vector<1x1x1xf32>
    %ge3A_128 = arith.constant 2.500000e+04 : f32
    %ge3A_129 = arith.cmpf oge, %reduce_sum3A_127, %ge3A_128 : f32
    %select_n3A_130 = arith.select %ge3A_129, %add3A_118, %select_n3A_116 : i32
    %add3A_131 = arith.constant 16777216 : i32
    %add3A_132 = arith.addi %select_n3A_130, %add3A_131 : i32
    %ge3A_133 = vector.broadcast %add3A_132 : i32 to vector<391x128xi32>
    %ge3A_134 = arith.cmpi sge, %select_n3A_33, %ge3A_133 : vector<391x128xi32>
    %convert_element_type3A_135 = arith.extui %ge3A_134 : vector<391x128xi1> to vector<391x128xi32>
    %convert_element_type3A_136 = arith.sitofp %convert_element_type3A_135 : vector<391x128xi32> to vector<391x128xf32>
    %reduce_sum3A_137 = vector.shape_cast %convert_element_type3A_136 : vector<391x128xf32> to vector<1x391x128xf32>
    %reduce_sum3A_138 = arith.constant dense<0.000000e+00> : vector<1xf32>
    %reduce_sum3A_139 = vector.multi_reduction <add>, %reduce_sum3A_137, %reduce_sum3A_138 [1, 2] : vector<1x391x128xf32> to vector<1xf32>
    %reduce_sum3A_140 = vector.shape_cast %reduce_sum3A_139 : vector<1xf32> to vector<1x1x1xf32>
    %reduce_sum3A_141 = vector.extract %reduce_sum3A_140[0, 0, 0] : f32 from vector<1x1x1xf32>
    %ge3A_142 = arith.constant 2.500000e+04 : f32
    %ge3A_143 = arith.cmpf oge, %reduce_sum3A_141, %ge3A_142 : f32
    %select_n3A_144 = arith.select %ge3A_143, %add3A_132, %select_n3A_130 : i32
    %add3A_145 = arith.constant 8388608 : i32
    %add3A_146 = arith.addi %select_n3A_144, %add3A_145 : i32
    %ge3A_147 = vector.broadcast %add3A_146 : i32 to vector<391x128xi32>
    %ge3A_148 = arith.cmpi sge, %select_n3A_33, %ge3A_147 : vector<391x128xi32>
    %convert_element_type3A_149 = arith.extui %ge3A_148 : vector<391x128xi1> to vector<391x128xi32>
    %convert_element_type3A_150 = arith.sitofp %convert_element_type3A_149 : vector<391x128xi32> to vector<391x128xf32>
    %reduce_sum3A_151 = vector.shape_cast %convert_element_type3A_150 : vector<391x128xf32> to vector<1x391x128xf32>
    %reduce_sum3A_152 = arith.constant dense<0.000000e+00> : vector<1xf32>
    %reduce_sum3A_153 = vector.multi_reduction <add>, %reduce_sum3A_151, %reduce_sum3A_152 [1, 2] : vector<1x391x128xf32> to vector<1xf32>
    %reduce_sum3A_154 = vector.shape_cast %reduce_sum3A_153 : vector<1xf32> to vector<1x1x1xf32>
    %reduce_sum3A_155 = vector.extract %reduce_sum3A_154[0, 0, 0] : f32 from vector<1x1x1xf32>
    %ge3A_156 = arith.constant 2.500000e+04 : f32
    %ge3A_157 = arith.cmpf oge, %reduce_sum3A_155, %ge3A_156 : f32
    %select_n3A_158 = arith.select %ge3A_157, %add3A_146, %select_n3A_144 : i32
    %add3A_159 = arith.constant 4194304 : i32
    %add3A_160 = arith.addi %select_n3A_158, %add3A_159 : i32
    %ge3A_161 = vector.broadcast %add3A_160 : i32 to vector<391x128xi32>
    %ge3A_162 = arith.cmpi sge, %select_n3A_33, %ge3A_161 : vector<391x128xi32>
    %convert_element_type3A_163 = arith.extui %ge3A_162 : vector<391x128xi1> to vector<391x128xi32>
    %convert_element_type3A_164 = arith.sitofp %convert_element_type3A_163 : vector<391x128xi32> to vector<391x128xf32>
    %reduce_sum3A_165 = vector.shape_cast %convert_element_type3A_164 : vector<391x128xf32> to vector<1x391x128xf32>
    %reduce_sum3A_166 = arith.constant dense<0.000000e+00> : vector<1xf32>
    %reduce_sum3A_167 = vector.multi_reduction <add>, %reduce_sum3A_165, %reduce_sum3A_166 [1, 2] : vector<1x391x128xf32> to vector<1xf32>
    %reduce_sum3A_168 = vector.shape_cast %reduce_sum3A_167 : vector<1xf32> to vector<1x1x1xf32>
    %reduce_sum3A_169 = vector.extract %reduce_sum3A_168[0, 0, 0] : f32 from vector<1x1x1xf32>
    %ge3A_170 = arith.constant 2.500000e+04 : f32
    %ge3A_171 = arith.cmpf oge, %reduce_sum3A_169, %ge3A_170 : f32
    %select_n3A_172 = arith.select %ge3A_171, %add3A_160, %select_n3A_158 : i32
    %add3A_173 = arith.constant 2097152 : i32
    %add3A_174 = arith.addi %select_n3A_172, %add3A_173 : i32
    %ge3A_175 = vector.broadcast %add3A_174 : i32 to vector<391x128xi32>
    %ge3A_176 = arith.cmpi sge, %select_n3A_33, %ge3A_175 : vector<391x128xi32>
    %convert_element_type3A_177 = arith.extui %ge3A_176 : vector<391x128xi1> to vector<391x128xi32>
    %convert_element_type3A_178 = arith.sitofp %convert_element_type3A_177 : vector<391x128xi32> to vector<391x128xf32>
    %reduce_sum3A_179 = vector.shape_cast %convert_element_type3A_178 : vector<391x128xf32> to vector<1x391x128xf32>
    %reduce_sum3A_180 = arith.constant dense<0.000000e+00> : vector<1xf32>
    %reduce_sum3A_181 = vector.multi_reduction <add>, %reduce_sum3A_179, %reduce_sum3A_180 [1, 2] : vector<1x391x128xf32> to vector<1xf32>
    %reduce_sum3A_182 = vector.shape_cast %reduce_sum3A_181 : vector<1xf32> to vector<1x1x1xf32>
    %reduce_sum3A_183 = vector.extract %reduce_sum3A_182[0, 0, 0] : f32 from vector<1x1x1xf32>
    %ge3A_184 = arith.constant 2.500000e+04 : f32
    %ge3A_185 = arith.cmpf oge, %reduce_sum3A_183, %ge3A_184 : f32
    %select_n3A_186 = arith.select %ge3A_185, %add3A_174, %select_n3A_172 : i32
    %add3A_187 = arith.constant 1048576 : i32
    %add3A_188 = arith.addi %select_n3A_186, %add3A_187 : i32
    %ge3A_189 = vector.broadcast %add3A_188 : i32 to vector<391x128xi32>
    %ge3A_190 = arith.cmpi sge, %select_n3A_33, %ge3A_189 : vector<391x128xi32>
    %convert_element_type3A_191 = arith.extui %ge3A_190 : vector<391x128xi1> to vector<391x128xi32>
    %convert_element_type3A_192 = arith.sitofp %convert_element_type3A_191 : vector<391x128xi32> to vector<391x128xf32>
    %reduce_sum3A_193 = vector.shape_cast %convert_element_type3A_192 : vector<391x128xf32> to vector<1x391x128xf32>
    %reduce_sum3A_194 = arith.constant dense<0.000000e+00> : vector<1xf32>
    %reduce_sum3A_195 = vector.multi_reduction <add>, %reduce_sum3A_193, %reduce_sum3A_194 [1, 2] : vector<1x391x128xf32> to vector<1xf32>
    %reduce_sum3A_196 = vector.shape_cast %reduce_sum3A_195 : vector<1xf32> to vector<1x1x1xf32>
    %reduce_sum3A_197 = vector.extract %reduce_sum3A_196[0, 0, 0] : f32 from vector<1x1x1xf32>
    %ge3A_198 = arith.constant 2.500000e+04 : f32
    %ge3A_199 = arith.cmpf oge, %reduce_sum3A_197, %ge3A_198 : f32
    %select_n3A_200 = arith.select %ge3A_199, %add3A_188, %select_n3A_186 : i32
    %add3A_201 = arith.constant 524288 : i32
    %add3A_202 = arith.addi %select_n3A_200, %add3A_201 : i32
    %ge3A_203 = vector.broadcast %add3A_202 : i32 to vector<391x128xi32>
    %ge3A_204 = arith.cmpi sge, %select_n3A_33, %ge3A_203 : vector<391x128xi32>
    %convert_element_type3A_205 = arith.extui %ge3A_204 : vector<391x128xi1> to vector<391x128xi32>
    %convert_element_type3A_206 = arith.sitofp %convert_element_type3A_205 : vector<391x128xi32> to vector<391x128xf32>
    %reduce_sum3A_207 = vector.shape_cast %convert_element_type3A_206 : vector<391x128xf32> to vector<1x391x128xf32>
    %reduce_sum3A_208 = arith.constant dense<0.000000e+00> : vector<1xf32>
    %reduce_sum3A_209 = vector.multi_reduction <add>, %reduce_sum3A_207, %reduce_sum3A_208 [1, 2] : vector<1x391x128xf32> to vector<1xf32>
    %reduce_sum3A_210 = vector.shape_cast %reduce_sum3A_209 : vector<1xf32> to vector<1x1x1xf32>
    %reduce_sum3A_211 = vector.extract %reduce_sum3A_210[0, 0, 0] : f32 from vector<1x1x1xf32>
    %ge3A_212 = arith.constant 2.500000e+04 : f32
    %ge3A_213 = arith.cmpf oge, %reduce_sum3A_211, %ge3A_212 : f32
    %select_n3A_214 = arith.select %ge3A_213, %add3A_202, %select_n3A_200 : i32
    %add3A_215 = arith.constant 262144 : i32
    %add3A_216 = arith.addi %select_n3A_214, %add3A_215 : i32
    %ge3A_217 = vector.broadcast %add3A_216 : i32 to vector<391x128xi32>
    %ge3A_218 = arith.cmpi sge, %select_n3A_33, %ge3A_217 : vector<391x128xi32>
    %convert_element_type3A_219 = arith.extui %ge3A_218 : vector<391x128xi1> to vector<391x128xi32>
    %convert_element_type3A_220 = arith.sitofp %convert_element_type3A_219 : vector<391x128xi32> to vector<391x128xf32>
    %reduce_sum3A_221 = vector.shape_cast %convert_element_type3A_220 : vector<391x128xf32> to vector<1x391x128xf32>
    %reduce_sum3A_222 = arith.constant dense<0.000000e+00> : vector<1xf32>
    %reduce_sum3A_223 = vector.multi_reduction <add>, %reduce_sum3A_221, %reduce_sum3A_222 [1, 2] : vector<1x391x128xf32> to vector<1xf32>
    %reduce_sum3A_224 = vector.shape_cast %reduce_sum3A_223 : vector<1xf32> to vector<1x1x1xf32>
    %reduce_sum3A_225 = vector.extract %reduce_sum3A_224[0, 0, 0] : f32 from vector<1x1x1xf32>
    %ge3A_226 = arith.constant 2.500000e+04 : f32
    %ge3A_227 = arith.cmpf oge, %reduce_sum3A_225, %ge3A_226 : f32
    %select_n3A_228 = arith.select %ge3A_227, %add3A_216, %select_n3A_214 : i32
    %add3A_229 = arith.constant 131072 : i32
    %add3A_230 = arith.addi %select_n3A_228, %add3A_229 : i32
    %ge3A_231 = vector.broadcast %add3A_230 : i32 to vector<391x128xi32>
    %ge3A_232 = arith.cmpi sge, %select_n3A_33, %ge3A_231 : vector<391x128xi32>
    %convert_element_type3A_233 = arith.extui %ge3A_232 : vector<391x128xi1> to vector<391x128xi32>
    %convert_element_type3A_234 = arith.sitofp %convert_element_type3A_233 : vector<391x128xi32> to vector<391x128xf32>
    %reduce_sum3A_235 = vector.shape_cast %convert_element_type3A_234 : vector<391x128xf32> to vector<1x391x128xf32>
    %reduce_sum3A_236 = arith.constant dense<0.000000e+00> : vector<1xf32>
    %reduce_sum3A_237 = vector.multi_reduction <add>, %reduce_sum3A_235, %reduce_sum3A_236 [1, 2] : vector<1x391x128xf32> to vector<1xf32>
    %reduce_sum3A_238 = vector.shape_cast %reduce_sum3A_237 : vector<1xf32> to vector<1x1x1xf32>
    %reduce_sum3A_239 = vector.extract %reduce_sum3A_238[0, 0, 0] : f32 from vector<1x1x1xf32>
    %ge3A_240 = arith.constant 2.500000e+04 : f32
    %ge3A_241 = arith.cmpf oge, %reduce_sum3A_239, %ge3A_240 : f32
    %select_n3A_242 = arith.select %ge3A_241, %add3A_230, %select_n3A_228 : i32
    %add3A_243 = arith.constant 65536 : i32
    %add3A_244 = arith.addi %select_n3A_242, %add3A_243 : i32
    %ge3A_245 = vector.broadcast %add3A_244 : i32 to vector<391x128xi32>
    %ge3A_246 = arith.cmpi sge, %select_n3A_33, %ge3A_245 : vector<391x128xi32>
    %convert_element_type3A_247 = arith.extui %ge3A_246 : vector<391x128xi1> to vector<391x128xi32>
    %convert_element_type3A_248 = arith.sitofp %convert_element_type3A_247 : vector<391x128xi32> to vector<391x128xf32>
    %reduce_sum3A_249 = vector.shape_cast %convert_element_type3A_248 : vector<391x128xf32> to vector<1x391x128xf32>
    %reduce_sum3A_250 = arith.constant dense<0.000000e+00> : vector<1xf32>
    %reduce_sum3A_251 = vector.multi_reduction <add>, %reduce_sum3A_249, %reduce_sum3A_250 [1, 2] : vector<1x391x128xf32> to vector<1xf32>
    %reduce_sum3A_252 = vector.shape_cast %reduce_sum3A_251 : vector<1xf32> to vector<1x1x1xf32>
    %reduce_sum3A_253 = vector.extract %reduce_sum3A_252[0, 0, 0] : f32 from vector<1x1x1xf32>
    %ge3A_254 = arith.constant 2.500000e+04 : f32
    %ge3A_255 = arith.cmpf oge, %reduce_sum3A_253, %ge3A_254 : f32
    %select_n3A_256 = arith.select %ge3A_255, %add3A_244, %select_n3A_242 : i32
    %add3A_257 = arith.constant 32768 : i32
    %add3A_258 = arith.addi %select_n3A_256, %add3A_257 : i32
    %ge3A_259 = vector.broadcast %add3A_258 : i32 to vector<391x128xi32>
    %ge3A_260 = arith.cmpi sge, %select_n3A_33, %ge3A_259 : vector<391x128xi32>
    %convert_element_type3A_261 = arith.extui %ge3A_260 : vector<391x128xi1> to vector<391x128xi32>
    %convert_element_type3A_262 = arith.sitofp %convert_element_type3A_261 : vector<391x128xi32> to vector<391x128xf32>
    %reduce_sum3A_263 = vector.shape_cast %convert_element_type3A_262 : vector<391x128xf32> to vector<1x391x128xf32>
    %reduce_sum3A_264 = arith.constant dense<0.000000e+00> : vector<1xf32>
    %reduce_sum3A_265 = vector.multi_reduction <add>, %reduce_sum3A_263, %reduce_sum3A_264 [1, 2] : vector<1x391x128xf32> to vector<1xf32>
    %reduce_sum3A_266 = vector.shape_cast %reduce_sum3A_265 : vector<1xf32> to vector<1x1x1xf32>
    %reduce_sum3A_267 = vector.extract %reduce_sum3A_266[0, 0, 0] : f32 from vector<1x1x1xf32>
    %ge3A_268 = arith.constant 2.500000e+04 : f32
    %ge3A_269 = arith.cmpf oge, %reduce_sum3A_267, %ge3A_268 : f32
    %select_n3A_270 = arith.select %ge3A_269, %add3A_258, %select_n3A_256 : i32
    %add3A_271 = arith.constant 16384 : i32
    %add3A_272 = arith.addi %select_n3A_270, %add3A_271 : i32
    %ge3A_273 = vector.broadcast %add3A_272 : i32 to vector<391x128xi32>
    %ge3A_274 = arith.cmpi sge, %select_n3A_33, %ge3A_273 : vector<391x128xi32>
    %convert_element_type3A_275 = arith.extui %ge3A_274 : vector<391x128xi1> to vector<391x128xi32>
    %convert_element_type3A_276 = arith.sitofp %convert_element_type3A_275 : vector<391x128xi32> to vector<391x128xf32>
    %reduce_sum3A_277 = vector.shape_cast %convert_element_type3A_276 : vector<391x128xf32> to vector<1x391x128xf32>
    %reduce_sum3A_278 = arith.constant dense<0.000000e+00> : vector<1xf32>
    %reduce_sum3A_279 = vector.multi_reduction <add>, %reduce_sum3A_277, %reduce_sum3A_278 [1, 2] : vector<1x391x128xf32> to vector<1xf32>
    %reduce_sum3A_280 = vector.shape_cast %reduce_sum3A_279 : vector<1xf32> to vector<1x1x1xf32>
    %reduce_sum3A_281 = vector.extract %reduce_sum3A_280[0, 0, 0] : f32 from vector<1x1x1xf32>
    %ge3A_282 = arith.constant 2.500000e+04 : f32
    %ge3A_283 = arith.cmpf oge, %reduce_sum3A_281, %ge3A_282 : f32
    %select_n3A_284 = arith.select %ge3A_283, %add3A_272, %select_n3A_270 : i32
    %add3A_285 = arith.constant 8192 : i32
    %add3A_286 = arith.addi %select_n3A_284, %add3A_285 : i32
    %ge3A_287 = vector.broadcast %add3A_286 : i32 to vector<391x128xi32>
    %ge3A_288 = arith.cmpi sge, %select_n3A_33, %ge3A_287 : vector<391x128xi32>
    %convert_element_type3A_289 = arith.extui %ge3A_288 : vector<391x128xi1> to vector<391x128xi32>
    %convert_element_type3A_290 = arith.sitofp %convert_element_type3A_289 : vector<391x128xi32> to vector<391x128xf32>
    %reduce_sum3A_291 = vector.shape_cast %convert_element_type3A_290 : vector<391x128xf32> to vector<1x391x128xf32>
    %reduce_sum3A_292 = arith.constant dense<0.000000e+00> : vector<1xf32>
    %reduce_sum3A_293 = vector.multi_reduction <add>, %reduce_sum3A_291, %reduce_sum3A_292 [1, 2] : vector<1x391x128xf32> to vector<1xf32>
    %reduce_sum3A_294 = vector.shape_cast %reduce_sum3A_293 : vector<1xf32> to vector<1x1x1xf32>
    %reduce_sum3A_295 = vector.extract %reduce_sum3A_294[0, 0, 0] : f32 from vector<1x1x1xf32>
    %ge3A_296 = arith.constant 2.500000e+04 : f32
    %ge3A_297 = arith.cmpf oge, %reduce_sum3A_295, %ge3A_296 : f32
    %select_n3A_298 = arith.select %ge3A_297, %add3A_286, %select_n3A_284 : i32
    %add3A_299 = arith.constant 4096 : i32
    %add3A_300 = arith.addi %select_n3A_298, %add3A_299 : i32
    %ge3A_301 = vector.broadcast %add3A_300 : i32 to vector<391x128xi32>
    %ge3A_302 = arith.cmpi sge, %select_n3A_33, %ge3A_301 : vector<391x128xi32>
    %convert_element_type3A_303 = arith.extui %ge3A_302 : vector<391x128xi1> to vector<391x128xi32>
    %convert_element_type3A_304 = arith.sitofp %convert_element_type3A_303 : vector<391x128xi32> to vector<391x128xf32>
    %reduce_sum3A_305 = vector.shape_cast %convert_element_type3A_304 : vector<391x128xf32> to vector<1x391x128xf32>
    %reduce_sum3A_306 = arith.constant dense<0.000000e+00> : vector<1xf32>
    %reduce_sum3A_307 = vector.multi_reduction <add>, %reduce_sum3A_305, %reduce_sum3A_306 [1, 2] : vector<1x391x128xf32> to vector<1xf32>
    %reduce_sum3A_308 = vector.shape_cast %reduce_sum3A_307 : vector<1xf32> to vector<1x1x1xf32>
    %reduce_sum3A_309 = vector.extract %reduce_sum3A_308[0, 0, 0] : f32 from vector<1x1x1xf32>
    %ge3A_310 = arith.constant 2.500000e+04 : f32
    %ge3A_311 = arith.cmpf oge, %reduce_sum3A_309, %ge3A_310 : f32
    %select_n3A_312 = arith.select %ge3A_311, %add3A_300, %select_n3A_298 : i32
    %add3A_313 = arith.constant 2048 : i32
    %add3A_314 = arith.addi %select_n3A_312, %add3A_313 : i32
    %ge3A_315 = vector.broadcast %add3A_314 : i32 to vector<391x128xi32>
    %ge3A_316 = arith.cmpi sge, %select_n3A_33, %ge3A_315 : vector<391x128xi32>
    %convert_element_type3A_317 = arith.extui %ge3A_316 : vector<391x128xi1> to vector<391x128xi32>
    %convert_element_type3A_318 = arith.sitofp %convert_element_type3A_317 : vector<391x128xi32> to vector<391x128xf32>
    %reduce_sum3A_319 = vector.shape_cast %convert_element_type3A_318 : vector<391x128xf32> to vector<1x391x128xf32>
    %reduce_sum3A_320 = arith.constant dense<0.000000e+00> : vector<1xf32>
    %reduce_sum3A_321 = vector.multi_reduction <add>, %reduce_sum3A_319, %reduce_sum3A_320 [1, 2] : vector<1x391x128xf32> to vector<1xf32>
    %reduce_sum3A_322 = vector.shape_cast %reduce_sum3A_321 : vector<1xf32> to vector<1x1x1xf32>
    %reduce_sum3A_323 = vector.extract %reduce_sum3A_322[0, 0, 0] : f32 from vector<1x1x1xf32>
    %ge3A_324 = arith.constant 2.500000e+04 : f32
    %ge3A_325 = arith.cmpf oge, %reduce_sum3A_323, %ge3A_324 : f32
    %select_n3A_326 = arith.select %ge3A_325, %add3A_314, %select_n3A_312 : i32
    %add3A_327 = arith.constant 1024 : i32
    %add3A_328 = arith.addi %select_n3A_326, %add3A_327 : i32
    %ge3A_329 = vector.broadcast %add3A_328 : i32 to vector<391x128xi32>
    %ge3A_330 = arith.cmpi sge, %select_n3A_33, %ge3A_329 : vector<391x128xi32>
    %convert_element_type3A_331 = arith.extui %ge3A_330 : vector<391x128xi1> to vector<391x128xi32>
    %convert_element_type3A_332 = arith.sitofp %convert_element_type3A_331 : vector<391x128xi32> to vector<391x128xf32>
    %reduce_sum3A_333 = vector.shape_cast %convert_element_type3A_332 : vector<391x128xf32> to vector<1x391x128xf32>
    %reduce_sum3A_334 = arith.constant dense<0.000000e+00> : vector<1xf32>
    %reduce_sum3A_335 = vector.multi_reduction <add>, %reduce_sum3A_333, %reduce_sum3A_334 [1, 2] : vector<1x391x128xf32> to vector<1xf32>
    %reduce_sum3A_336 = vector.shape_cast %reduce_sum3A_335 : vector<1xf32> to vector<1x1x1xf32>
    %reduce_sum3A_337 = vector.extract %reduce_sum3A_336[0, 0, 0] : f32 from vector<1x1x1xf32>
    %ge3A_338 = arith.constant 2.500000e+04 : f32
    %ge3A_339 = arith.cmpf oge, %reduce_sum3A_337, %ge3A_338 : f32
    %select_n3A_340 = arith.select %ge3A_339, %add3A_328, %select_n3A_326 : i32
    %add3A_341 = arith.constant 512 : i32
    %add3A_342 = arith.addi %select_n3A_340, %add3A_341 : i32
    %ge3A_343 = vector.broadcast %add3A_342 : i32 to vector<391x128xi32>
    %ge3A_344 = arith.cmpi sge, %select_n3A_33, %ge3A_343 : vector<391x128xi32>
    %convert_element_type3A_345 = arith.extui %ge3A_344 : vector<391x128xi1> to vector<391x128xi32>
    %convert_element_type3A_346 = arith.sitofp %convert_element_type3A_345 : vector<391x128xi32> to vector<391x128xf32>
    %reduce_sum3A_347 = vector.shape_cast %convert_element_type3A_346 : vector<391x128xf32> to vector<1x391x128xf32>
    %reduce_sum3A_348 = arith.constant dense<0.000000e+00> : vector<1xf32>
    %reduce_sum3A_349 = vector.multi_reduction <add>, %reduce_sum3A_347, %reduce_sum3A_348 [1, 2] : vector<1x391x128xf32> to vector<1xf32>
    %reduce_sum3A_350 = vector.shape_cast %reduce_sum3A_349 : vector<1xf32> to vector<1x1x1xf32>
    %reduce_sum3A_351 = vector.extract %reduce_sum3A_350[0, 0, 0] : f32 from vector<1x1x1xf32>
    %ge3A_352 = arith.constant 2.500000e+04 : f32
    %ge3A_353 = arith.cmpf oge, %reduce_sum3A_351, %ge3A_352 : f32
    %select_n3A_354 = arith.select %ge3A_353, %add3A_342, %select_n3A_340 : i32
    %add3A_355 = arith.constant 256 : i32
    %add3A_356 = arith.addi %select_n3A_354, %add3A_355 : i32
    %ge3A_357 = vector.broadcast %add3A_356 : i32 to vector<391x128xi32>
    %ge3A_358 = arith.cmpi sge, %select_n3A_33, %ge3A_357 : vector<391x128xi32>
    %convert_element_type3A_359 = arith.extui %ge3A_358 : vector<391x128xi1> to vector<391x128xi32>
    %convert_element_type3A_360 = arith.sitofp %convert_element_type3A_359 : vector<391x128xi32> to vector<391x128xf32>
    %reduce_sum3A_361 = vector.shape_cast %convert_element_type3A_360 : vector<391x128xf32> to vector<1x391x128xf32>
    %reduce_sum3A_362 = arith.constant dense<0.000000e+00> : vector<1xf32>
    %reduce_sum3A_363 = vector.multi_reduction <add>, %reduce_sum3A_361, %reduce_sum3A_362 [1, 2] : vector<1x391x128xf32> to vector<1xf32>
    %reduce_sum3A_364 = vector.shape_cast %reduce_sum3A_363 : vector<1xf32> to vector<1x1x1xf32>
    %reduce_sum3A_365 = vector.extract %reduce_sum3A_364[0, 0, 0] : f32 from vector<1x1x1xf32>
    %ge3A_366 = arith.constant 2.500000e+04 : f32
    %ge3A_367 = arith.cmpf oge, %reduce_sum3A_365, %ge3A_366 : f32
    %select_n3A_368 = arith.select %ge3A_367, %add3A_356, %select_n3A_354 : i32
    %add3A_369 = arith.constant 128 : i32
    %add3A_370 = arith.addi %select_n3A_368, %add3A_369 : i32
    %ge3A_371 = vector.broadcast %add3A_370 : i32 to vector<391x128xi32>
    %ge3A_372 = arith.cmpi sge, %select_n3A_33, %ge3A_371 : vector<391x128xi32>
    %convert_element_type3A_373 = arith.extui %ge3A_372 : vector<391x128xi1> to vector<391x128xi32>
    %convert_element_type3A_374 = arith.sitofp %convert_element_type3A_373 : vector<391x128xi32> to vector<391x128xf32>
    %reduce_sum3A_375 = vector.shape_cast %convert_element_type3A_374 : vector<391x128xf32> to vector<1x391x128xf32>
    %reduce_sum3A_376 = arith.constant dense<0.000000e+00> : vector<1xf32>
    %reduce_sum3A_377 = vector.multi_reduction <add>, %reduce_sum3A_375, %reduce_sum3A_376 [1, 2] : vector<1x391x128xf32> to vector<1xf32>
    %reduce_sum3A_378 = vector.shape_cast %reduce_sum3A_377 : vector<1xf32> to vector<1x1x1xf32>
    %reduce_sum3A_379 = vector.extract %reduce_sum3A_378[0, 0, 0] : f32 from vector<1x1x1xf32>
    %ge3A_380 = arith.constant 2.500000e+04 : f32
    %ge3A_381 = arith.cmpf oge, %reduce_sum3A_379, %ge3A_380 : f32
    %select_n3A_382 = arith.select %ge3A_381, %add3A_370, %select_n3A_368 : i32
    %add3A_383 = arith.constant 64 : i32
    %add3A_384 = arith.addi %select_n3A_382, %add3A_383 : i32
    %ge3A_385 = vector.broadcast %add3A_384 : i32 to vector<391x128xi32>
    %ge3A_386 = arith.cmpi sge, %select_n3A_33, %ge3A_385 : vector<391x128xi32>
    %convert_element_type3A_387 = arith.extui %ge3A_386 : vector<391x128xi1> to vector<391x128xi32>
    %convert_element_type3A_388 = arith.sitofp %convert_element_type3A_387 : vector<391x128xi32> to vector<391x128xf32>
    %reduce_sum3A_389 = vector.shape_cast %convert_element_type3A_388 : vector<391x128xf32> to vector<1x391x128xf32>
    %reduce_sum3A_390 = arith.constant dense<0.000000e+00> : vector<1xf32>
    %reduce_sum3A_391 = vector.multi_reduction <add>, %reduce_sum3A_389, %reduce_sum3A_390 [1, 2] : vector<1x391x128xf32> to vector<1xf32>
    %reduce_sum3A_392 = vector.shape_cast %reduce_sum3A_391 : vector<1xf32> to vector<1x1x1xf32>
    %reduce_sum3A_393 = vector.extract %reduce_sum3A_392[0, 0, 0] : f32 from vector<1x1x1xf32>
    %ge3A_394 = arith.constant 2.500000e+04 : f32
    %ge3A_395 = arith.cmpf oge, %reduce_sum3A_393, %ge3A_394 : f32
    %select_n3A_396 = arith.select %ge3A_395, %add3A_384, %select_n3A_382 : i32
    %add3A_397 = arith.constant 32 : i32
    %add3A_398 = arith.addi %select_n3A_396, %add3A_397 : i32
    %ge3A_399 = vector.broadcast %add3A_398 : i32 to vector<391x128xi32>
    %ge3A_400 = arith.cmpi sge, %select_n3A_33, %ge3A_399 : vector<391x128xi32>
    %convert_element_type3A_401 = arith.extui %ge3A_400 : vector<391x128xi1> to vector<391x128xi32>
    %convert_element_type3A_402 = arith.sitofp %convert_element_type3A_401 : vector<391x128xi32> to vector<391x128xf32>
    %reduce_sum3A_403 = vector.shape_cast %convert_element_type3A_402 : vector<391x128xf32> to vector<1x391x128xf32>
    %reduce_sum3A_404 = arith.constant dense<0.000000e+00> : vector<1xf32>
    %reduce_sum3A_405 = vector.multi_reduction <add>, %reduce_sum3A_403, %reduce_sum3A_404 [1, 2] : vector<1x391x128xf32> to vector<1xf32>
    %reduce_sum3A_406 = vector.shape_cast %reduce_sum3A_405 : vector<1xf32> to vector<1x1x1xf32>
    %reduce_sum3A_407 = vector.extract %reduce_sum3A_406[0, 0, 0] : f32 from vector<1x1x1xf32>
    %ge3A_408 = arith.constant 2.500000e+04 : f32
    %ge3A_409 = arith.cmpf oge, %reduce_sum3A_407, %ge3A_408 : f32
    %select_n3A_410 = arith.select %ge3A_409, %add3A_398, %select_n3A_396 : i32
    %add3A_411 = arith.constant 16 : i32
    %add3A_412 = arith.addi %select_n3A_410, %add3A_411 : i32
    %ge3A_413 = vector.broadcast %add3A_412 : i32 to vector<391x128xi32>
    %ge3A_414 = arith.cmpi sge, %select_n3A_33, %ge3A_413 : vector<391x128xi32>
    %convert_element_type3A_415 = arith.extui %ge3A_414 : vector<391x128xi1> to vector<391x128xi32>
    %convert_element_type3A_416 = arith.sitofp %convert_element_type3A_415 : vector<391x128xi32> to vector<391x128xf32>
    %reduce_sum3A_417 = vector.shape_cast %convert_element_type3A_416 : vector<391x128xf32> to vector<1x391x128xf32>
    %reduce_sum3A_418 = arith.constant dense<0.000000e+00> : vector<1xf32>
    %reduce_sum3A_419 = vector.multi_reduction <add>, %reduce_sum3A_417, %reduce_sum3A_418 [1, 2] : vector<1x391x128xf32> to vector<1xf32>
    %reduce_sum3A_420 = vector.shape_cast %reduce_sum3A_419 : vector<1xf32> to vector<1x1x1xf32>
    %reduce_sum3A_421 = vector.extract %reduce_sum3A_420[0, 0, 0] : f32 from vector<1x1x1xf32>
    %ge3A_422 = arith.constant 2.500000e+04 : f32
    %ge3A_423 = arith.cmpf oge, %reduce_sum3A_421, %ge3A_422 : f32
    %select_n3A_424 = arith.select %ge3A_423, %add3A_412, %select_n3A_410 : i32
    %add3A_425 = arith.constant 8 : i32
    %add3A_426 = arith.addi %select_n3A_424, %add3A_425 : i32
    %ge3A_427 = vector.broadcast %add3A_426 : i32 to vector<391x128xi32>
    %ge3A_428 = arith.cmpi sge, %select_n3A_33, %ge3A_427 : vector<391x128xi32>
    %convert_element_type3A_429 = arith.extui %ge3A_428 : vector<391x128xi1> to vector<391x128xi32>
    %convert_element_type3A_430 = arith.sitofp %convert_element_type3A_429 : vector<391x128xi32> to vector<391x128xf32>
    %reduce_sum3A_431 = vector.shape_cast %convert_element_type3A_430 : vector<391x128xf32> to vector<1x391x128xf32>
    %reduce_sum3A_432 = arith.constant dense<0.000000e+00> : vector<1xf32>
    %reduce_sum3A_433 = vector.multi_reduction <add>, %reduce_sum3A_431, %reduce_sum3A_432 [1, 2] : vector<1x391x128xf32> to vector<1xf32>
    %reduce_sum3A_434 = vector.shape_cast %reduce_sum3A_433 : vector<1xf32> to vector<1x1x1xf32>
    %reduce_sum3A_435 = vector.extract %reduce_sum3A_434[0, 0, 0] : f32 from vector<1x1x1xf32>
    %ge3A_436 = arith.constant 2.500000e+04 : f32
    %ge3A_437 = arith.cmpf oge, %reduce_sum3A_435, %ge3A_436 : f32
    %select_n3A_438 = arith.select %ge3A_437, %add3A_426, %select_n3A_424 : i32
    %add3A_439 = arith.constant 4 : i32
    %add3A_440 = arith.addi %select_n3A_438, %add3A_439 : i32
    %ge3A_441 = vector.broadcast %add3A_440 : i32 to vector<391x128xi32>
    %ge3A_442 = arith.cmpi sge, %select_n3A_33, %ge3A_441 : vector<391x128xi32>
    %convert_element_type3A_443 = arith.extui %ge3A_442 : vector<391x128xi1> to vector<391x128xi32>
    %convert_element_type3A_444 = arith.sitofp %convert_element_type3A_443 : vector<391x128xi32> to vector<391x128xf32>
    %reduce_sum3A_445 = vector.shape_cast %convert_element_type3A_444 : vector<391x128xf32> to vector<1x391x128xf32>
    %reduce_sum3A_446 = arith.constant dense<0.000000e+00> : vector<1xf32>
    %reduce_sum3A_447 = vector.multi_reduction <add>, %reduce_sum3A_445, %reduce_sum3A_446 [1, 2] : vector<1x391x128xf32> to vector<1xf32>
    %reduce_sum3A_448 = vector.shape_cast %reduce_sum3A_447 : vector<1xf32> to vector<1x1x1xf32>
    %reduce_sum3A_449 = vector.extract %reduce_sum3A_448[0, 0, 0] : f32 from vector<1x1x1xf32>
    %ge3A_450 = arith.constant 2.500000e+04 : f32
    %ge3A_451 = arith.cmpf oge, %reduce_sum3A_449, %ge3A_450 : f32
    %select_n3A_452 = arith.select %ge3A_451, %add3A_440, %select_n3A_438 : i32
    %add3A_453 = arith.constant 2 : i32
    %add3A_454 = arith.addi %select_n3A_452, %add3A_453 : i32
    %ge3A_455 = vector.broadcast %add3A_454 : i32 to vector<391x128xi32>
    %ge3A_456 = arith.cmpi sge, %select_n3A_33, %ge3A_455 : vector<391x128xi32>
    %convert_element_type3A_457 = arith.extui %ge3A_456 : vector<391x128xi1> to vector<391x128xi32>
    %convert_element_type3A_458 = arith.sitofp %convert_element_type3A_457 : vector<391x128xi32> to vector<391x128xf32>
    %reduce_sum3A_459 = vector.shape_cast %convert_element_type3A_458 : vector<391x128xf32> to vector<1x391x128xf32>
    %reduce_sum3A_460 = arith.constant dense<0.000000e+00> : vector<1xf32>
    %reduce_sum3A_461 = vector.multi_reduction <add>, %reduce_sum3A_459, %reduce_sum3A_460 [1, 2] : vector<1x391x128xf32> to vector<1xf32>
    %reduce_sum3A_462 = vector.shape_cast %reduce_sum3A_461 : vector<1xf32> to vector<1x1x1xf32>
    %reduce_sum3A_463 = vector.extract %reduce_sum3A_462[0, 0, 0] : f32 from vector<1x1x1xf32>
    %ge3A_464 = arith.constant 2.500000e+04 : f32
    %ge3A_465 = arith.cmpf oge, %reduce_sum3A_463, %ge3A_464 : f32
    %select_n3A_466 = arith.select %ge3A_465, %add3A_454, %select_n3A_452 : i32
    %add3A_467 = arith.constant 1 : i32
    %add3A_468 = arith.addi %select_n3A_466, %add3A_467 : i32
    %ge3A_469 = vector.broadcast %add3A_468 : i32 to vector<391x128xi32>
    %ge3A_470 = arith.cmpi sge, %select_n3A_33, %ge3A_469 : vector<391x128xi32>
    %convert_element_type3A_471 = arith.extui %ge3A_470 : vector<391x128xi1> to vector<391x128xi32>
    %convert_element_type3A_472 = arith.sitofp %convert_element_type3A_471 : vector<391x128xi32> to vector<391x128xf32>
    %reduce_sum3A_473 = vector.shape_cast %convert_element_type3A_472 : vector<391x128xf32> to vector<1x391x128xf32>
    %reduce_sum3A_474 = arith.constant dense<0.000000e+00> : vector<1xf32>
    %reduce_sum3A_475 = vector.multi_reduction <add>, %reduce_sum3A_473, %reduce_sum3A_474 [1, 2] : vector<1x391x128xf32> to vector<1xf32>
    %reduce_sum3A_476 = vector.shape_cast %reduce_sum3A_475 : vector<1xf32> to vector<1x1x1xf32>
    %reduce_sum3A_477 = vector.extract %reduce_sum3A_476[0, 0, 0] : f32 from vector<1x1x1xf32>
    %ge3A_478 = arith.constant 2.500000e+04 : f32
    %ge3A_479 = arith.cmpf oge, %reduce_sum3A_477, %ge3A_478 : f32
    %select_n3A_480 = arith.select %ge3A_479, %add3A_468, %select_n3A_466 : i32
    %gt3A = vector.broadcast %select_n3A_480 : i32 to vector<391x128xi32>
    %gt3A_481 = arith.cmpi sgt, %select_n3A_33, %gt3A : vector<391x128xi32>
    %eq3A_482 = vector.broadcast %select_n3A_480 : i32 to vector<391x128xi32>
    %eq3A_483 = arith.cmpi eq, %select_n3A_33, %eq3A_482 : vector<391x128xi32>
    %convert_element_type3A_484 = arith.extui %gt3A_481 : vector<391x128xi1> to vector<391x128xi32>
    %convert_element_type3A_485 = arith.sitofp %convert_element_type3A_484 : vector<391x128xi32> to vector<391x128xf32>
    %reduce_sum3A_486 = vector.shape_cast %convert_element_type3A_485 : vector<391x128xf32> to vector<1x391x128xf32>
    %reduce_sum3A_487 = arith.constant dense<0.000000e+00> : vector<1xf32>
    %reduce_sum3A_488 = vector.multi_reduction <add>, %reduce_sum3A_486, %reduce_sum3A_487 [1, 2] : vector<1x391x128xf32> to vector<1xf32>
    %reduce_sum3A_489 = vector.shape_cast %reduce_sum3A_488 : vector<1xf32> to vector<1x1x1xf32>
    %reduce_sum3A_490 = vector.extract %reduce_sum3A_489[0, 0, 0] : f32 from vector<1x1x1xf32>
    %sub3A = arith.constant 2.500000e+04 : f32
    %sub3A_491 = arith.subf %sub3A, %reduce_sum3A_490 : f32
    %iota3A_492 = tpu.iota {dimensions = array<i32: 0>} : vector<391x391xi32>
    %iota3A_493 = tpu.iota {dimensions = array<i32: 1>} : vector<391x391xi32>
    %gt3A_494 = arith.cmpi sgt, %iota3A_492, %iota3A_493 : vector<391x391xi32>
    %convert_element_type3A_495 = arith.extui %gt3A_494 : vector<391x391xi1> to vector<391x391xi32>
    %convert_element_type3A_496 = arith.sitofp %convert_element_type3A_495 : vector<391x391xi32> to vector<391x391xf32>
    %iota3A_497 = tpu.iota {dimensions = array<i32: 0>} : vector<128x128xi32>
    %iota3A_498 = tpu.iota {dimensions = array<i32: 1>} : vector<128x128xi32>
    %lt3A_499 = arith.cmpi slt, %iota3A_497, %iota3A_498 : vector<128x128xi32>
    %convert_element_type3A_500 = arith.extui %lt3A_499 : vector<128x128xi1> to vector<128x128xi32>
    %convert_element_type3A_501 = arith.sitofp %convert_element_type3A_500 : vector<128x128xi32> to vector<128x128xf32>
    %convert_element_type3A_502 = arith.extui %eq3A_483 : vector<391x128xi1> to vector<391x128xi32>
    %convert_element_type3A_503 = arith.sitofp %convert_element_type3A_502 : vector<391x128xi32> to vector<391x128xf32>
    %dot_general3A = arith.constant dense<0.000000e+00> : vector<391x128xf32>
    %dot_general3A_504 = tpu.matmul %convert_element_type3A_503, %convert_element_type3A_501, %dot_general3A {dimension_numbers = #tpu.dot_dimension_numbers<[1], [0], [0], [1], [0, 0, 1, 1], [], []>, transpose_lhs_hint = false} : vector<391x128xf32>, vector<128x128xf32>, vector<391x128xf32> -> vector<391x128xf32>
    %reduce_sum3A_505 = arith.constant dense<0.000000e+00> : vector<391xf32>
    %reduce_sum3A_506 = vector.multi_reduction <add>, %convert_element_type3A_503, %reduce_sum3A_505 [1] : vector<391x128xf32> to vector<391xf32>
    %broadcast_in_dim3A_507 = vector.shape_cast %reduce_sum3A_506 : vector<391xf32> to vector<391x1xf32>
    %dot_general3A_508 = arith.constant dense<0.000000e+00> : vector<391x1xf32>
    %dot_general3A_509 = tpu.matmul %convert_element_type3A_496, %broadcast_in_dim3A_507, %dot_general3A_508 {dimension_numbers = #tpu.dot_dimension_numbers<[1], [0], [0], [1], [0, 0, 1, 1], [], []>, transpose_lhs_hint = false} : vector<391x391xf32>, vector<391x1xf32>, vector<391x1xf32> -> vector<391x1xf32>
    %add3A_510 = vector.broadcast %dot_general3A_509 : vector<391x1xf32> to vector<391x128xf32>
    %add3A_511 = arith.addf %dot_general3A_504, %add3A_510 : vector<391x128xf32>
    %lt3A_512 = vector.broadcast %sub3A_491 : f32 to vector<391x128xf32>
    %lt3A_513 = arith.cmpf olt, %add3A_511, %lt3A_512 : vector<391x128xf32>
    %and3A = arith.andi %eq3A_483, %lt3A_513 : vector<391x128xi1>
    %or3A_514 = arith.ori %gt3A_481, %and3A : vector<391x128xi1>
    %convert_element_type3A_515 = arith.extui %or3A_514 : vector<391x128xi1> to vector<391x128xi32>
    %convert_element_type3A_516 = arith.sitofp %convert_element_type3A_515 : vector<391x128xi32> to vector<391x128xf32>
    %dot_general3A_517 = arith.constant dense<0.000000e+00> : vector<391x128xf32>
    %dot_general3A_518 = tpu.matmul %convert_element_type3A_516, %convert_element_type3A_501, %dot_general3A_517 {dimension_numbers = #tpu.dot_dimension_numbers<[1], [0], [0], [1], [0, 0, 1, 1], [], []>, transpose_lhs_hint = false} : vector<391x128xf32>, vector<128x128xf32>, vector<391x128xf32> -> vector<391x128xf32>
    %reduce_sum3A_519 = arith.constant dense<0.000000e+00> : vector<391xf32>
    %reduce_sum3A_520 = vector.multi_reduction <add>, %convert_element_type3A_516, %reduce_sum3A_519 [1] : vector<391x128xf32> to vector<391xf32>
    %broadcast_in_dim3A_521 = vector.shape_cast %reduce_sum3A_520 : vector<391xf32> to vector<391x1xf32>
    %dot_general3A_522 = arith.constant dense<0.000000e+00> : vector<391x1xf32>
    %dot_general3A_523 = tpu.matmul %convert_element_type3A_496, %broadcast_in_dim3A_521, %dot_general3A_522 {dimension_numbers = #tpu.dot_dimension_numbers<[1], [0], [0], [1], [0, 0, 1, 1], [], []>, transpose_lhs_hint = false} : vector<391x391xf32>, vector<391x1xf32>, vector<391x1xf32> -> vector<391x1xf32>
    %add3A_524 = vector.broadcast %dot_general3A_523 : vector<391x1xf32> to vector<391x128xf32>
    %add3A_525 = arith.addf %dot_general3A_518, %add3A_524 : vector<391x128xf32>
    %convert_element_type3A_526 = arith.fptosi %add3A_525 : vector<391x128xf32> to vector<391x128xi32>
    %jit3A_527 = arith.constant -1 : i32
    %broadcast_in_dim3A_528 = vector.broadcast %jit3A_527 : i32 to vector<391x128xi32>
    %select_n3A_529 = arith.select %or3A_514, %convert_element_type3A_526, %broadcast_in_dim3A_528 : vector<391x128xi1>, vector<391x128xi32>
    %swap3A = arith.constant 0 : index
    %swap3A_530 = arith.constant 0 : index
    %swap3A_531 = vector.load %arg2[%swap3A, %swap3A_530] : memref<391x128xi32, #tpu.memory_space<vmem>>, vector<391x128xi32>
    tpu.vector_store %arg2[%swap3A, %swap3A_530], %select_n3A_529 {strides = array<i32>} : memref<391x128xi32, #tpu.memory_space<vmem>>, vector<391x128xi32>,
    %jit3A_532 = arith.constant 0xFF800000 : f32
    %broadcast_in_dim3A_533 = vector.broadcast %jit3A_532 : f32 to vector<391x128xf32>
    %select_n3A_534 = arith.select %or3A_514, %select_n3A_21, %broadcast_in_dim3A_533 : vector<391x128xi1>, vector<391x128xf32>
    %swap3A_535 = arith.constant 0 : index
    %swap3A_536 = arith.constant 0 : index
    %swap3A_537 = vector.load %arg3[%swap3A_535, %swap3A_536] : memref<391x128xf32, #tpu.memory_space<vmem>>, vector<391x128xf32>
    tpu.vector_store %arg3[%swap3A_535, %swap3A_536], %select_n3A_534 {strides = array<i32>} : memref<391x128xf32, #tpu.memory_space<vmem>>, vector<391x128xf32>,
    %iota3A_538 = tpu.iota {dimensions = array<i32: 1>} : vector<1x128xi32>
    %eq3A_539 = vector.broadcast %get3A_6 : i32 to vector<391x128xi32>
    %eq3A_540 = arith.cmpi eq, %add3A, %eq3A_539 : vector<391x128xi32>
    %jit3A_541 = arith.constant 0 : i32
    %broadcast_in_dim3A_542 = vector.broadcast %jit3A_541 : i32 to vector<391x128xi32>
    %select_n3A_543 = arith.select %eq3A_540, %select_n3A_529, %broadcast_in_dim3A_542 : vector<391x128xi1>, vector<391x128xi32>
    %reduce_sum3A_544 = vector.shape_cast %select_n3A_543 : vector<391x128xi32> to vector<1x391x128xi32>
    %reduce_sum3A_545 = arith.constant dense<0> : vector<1xi32>
    %reduce_sum3A_546 = vector.multi_reduction <add>, %reduce_sum3A_544, %reduce_sum3A_545 [1, 2] : vector<1x391x128xi32> to vector<1xi32>
    %reduce_sum3A_547 = vector.shape_cast %reduce_sum3A_546 : vector<1xi32> to vector<1x1x1xi32>
    %reduce_sum3A_548 = vector.extract %reduce_sum3A_547[0, 0, 0] : i32 from vector<1x1x1xi32>
    %eq3A_549 = vector.broadcast %get3A_8 : i32 to vector<391x128xi32>
    %eq3A_550 = arith.cmpi eq, %add3A, %eq3A_549 : vector<391x128xi32>
    %jit3A_551 = arith.constant 0 : i32
    %broadcast_in_dim3A_552 = vector.broadcast %jit3A_551 : i32 to vector<391x128xi32>
    %select_n3A_553 = arith.select %eq3A_550, %select_n3A_529, %broadcast_in_dim3A_552 : vector<391x128xi1>, vector<391x128xi32>
    %reduce_sum3A_554 = vector.shape_cast %select_n3A_553 : vector<391x128xi32> to vector<1x391x128xi32>
    %reduce_sum3A_555 = arith.constant dense<0> : vector<1xi32>
    %reduce_sum3A_556 = vector.multi_reduction <add>, %reduce_sum3A_554, %reduce_sum3A_555 [1, 2] : vector<1x391x128xi32> to vector<1xi32>
    %reduce_sum3A_557 = vector.shape_cast %reduce_sum3A_556 : vector<1xi32> to vector<1x1x1xi32>
    %reduce_sum3A_558 = vector.extract %reduce_sum3A_557[0, 0, 0] : i32 from vector<1x1x1xi32>
    %eq3A_559 = vector.broadcast %get3A_10 : i32 to vector<391x128xi32>
    %eq3A_560 = arith.cmpi eq, %add3A, %eq3A_559 : vector<391x128xi32>
    %jit3A_561 = arith.constant 0 : i32
    %broadcast_in_dim3A_562 = vector.broadcast %jit3A_561 : i32 to vector<391x128xi32>
    %select_n3A_563 = arith.select %eq3A_560, %select_n3A_529, %broadcast_in_dim3A_562 : vector<391x128xi1>, vector<391x128xi32>
    %reduce_sum3A_564 = vector.shape_cast %select_n3A_563 : vector<391x128xi32> to vector<1x391x128xi32>
    %reduce_sum3A_565 = arith.constant dense<0> : vector<1xi32>
    %reduce_sum3A_566 = vector.multi_reduction <add>, %reduce_sum3A_564, %reduce_sum3A_565 [1, 2] : vector<1x391x128xi32> to vector<1xi32>
    %reduce_sum3A_567 = vector.shape_cast %reduce_sum3A_566 : vector<1xi32> to vector<1x1x1xi32>
    %reduce_sum3A_568 = vector.extract %reduce_sum3A_567[0, 0, 0] : i32 from vector<1x1x1xi32>
    %eq3A_569 = arith.constant 0 : i32
    %eq3A_570 = vector.broadcast %eq3A_569 : i32 to vector<1x128xi32>
    %eq3A_571 = arith.cmpi eq, %iota3A_538, %eq3A_570 : vector<1x128xi32>
    %eq3A_572 = arith.constant 1 : i32
    %eq3A_573 = vector.broadcast %eq3A_572 : i32 to vector<1x128xi32>
    %eq3A_574 = arith.cmpi eq, %iota3A_538, %eq3A_573 : vector<1x128xi32>
    %eq3A_575 = arith.constant 2 : i32
    %eq3A_576 = vector.broadcast %eq3A_575 : i32 to vector<1x128xi32>
    %eq3A_577 = arith.cmpi eq, %iota3A_538, %eq3A_576 : vector<1x128xi32>
    %jit3A_578 = arith.constant 0 : i32
    %broadcast_in_dim3A_579 = vector.broadcast %reduce_sum3A_568 : i32 to vector<1x128xi32>
    %broadcast_in_dim3A_580 = vector.broadcast %jit3A_578 : i32 to vector<1x128xi32>
    %select_n3A_581 = arith.select %eq3A_577, %broadcast_in_dim3A_579, %broadcast_in_dim3A_580 : vector<1x128xi1>, vector<1x128xi32>
    %broadcast_in_dim3A_582 = vector.broadcast %reduce_sum3A_558 : i32 to vector<1x128xi32>
    %select_n3A_583 = arith.select %eq3A_574, %broadcast_in_dim3A_582, %select_n3A_581 : vector<1x128xi1>, vector<1x128xi32>
    %broadcast_in_dim3A_584 = vector.broadcast %reduce_sum3A_548 : i32 to vector<1x128xi32>
    %select_n3A_585 = arith.select %eq3A_571, %broadcast_in_dim3A_584, %select_n3A_583 : vector<1x128xi1>, vector<1x128xi32>
    %swap3A_586 = arith.constant 0 : index
    %swap3A_587 = arith.constant 0 : index
    %swap3A_588 = vector.load %arg4[%swap3A_586, %swap3A_587] : memref<1x128xi32, #tpu.memory_space<vmem>>, vector<1x128xi32>
    tpu.vector_store %arg4[%swap3A_586, %swap3A_587], %select_n3A_585 {strides = array<i32>} : memref<1x128xi32, #tpu.memory_space<vmem>>, vector<1x128xi32>,
    return
  }
}

module attributes {stable_mosaic.version = 14 : i64} {
  func.func @_topk_body(%arg0: memref<196x128xf32, #tpu.memory_space<vmem>>, %arg1: memref<3xi32, #tpu.memory_space<smem>>, %arg2: memref<196x128xi32, #tpu.memory_space<vmem>>, %arg3: memref<196x128xf32, #tpu.memory_space<vmem>>, %arg4: memref<1x128xi32, #tpu.memory_space<vmem>>) attributes {dimension_semantics = [], scalar_prefetch = 0 : i64, scratch_operands = 0 : i64, tpu.core_type = #tpu.core_type<tc>} {
    %get3A = arith.constant 0 : index
    %get3A_0 = arith.constant 0 : index
    %get3A_1 = vector.load %arg0[%get3A, %get3A_0] : memref<196x128xf32, #tpu.memory_space<vmem>>, vector<196x128xf32>
    %iota3A = tpu.iota {dimensions = array<i32: 0>} : vector<196x128xi32>
    %mul3A = arith.constant 128 : i32
    %mul3A_2 = vector.broadcast %mul3A : i32 to vector<196x128xi32>
    %mul3A_3 = arith.muli %iota3A, %mul3A_2 : vector<196x128xi32>
    %iota3A_4 = tpu.iota {dimensions = array<i32: 1>} : vector<196x128xi32>
    %add3A = arith.addi %mul3A_3, %iota3A_4 : vector<196x128xi32>
    %get3A_5 = arith.constant 0 : index
    %get3A_6 = memref.load %arg1[%get3A_5] : memref<3xi32, #tpu.memory_space<smem>>
    %get3A_7 = arith.constant 1 : index
    %get3A_8 = memref.load %arg1[%get3A_7] : memref<3xi32, #tpu.memory_space<smem>>
    %get3A_9 = arith.constant 2 : index
    %get3A_10 = memref.load %arg1[%get3A_9] : memref<3xi32, #tpu.memory_space<smem>>
    %eq3A = vector.broadcast %get3A_6 : i32 to vector<196x128xi32>
    %eq3A_11 = arith.cmpi eq, %add3A, %eq3A : vector<196x128xi32>
    %eq3A_12 = vector.broadcast %get3A_8 : i32 to vector<196x128xi32>
    %eq3A_13 = arith.cmpi eq, %add3A, %eq3A_12 : vector<196x128xi32>
    %or3A = arith.ori %eq3A_11, %eq3A_13 : vector<196x128xi1>
    %eq3A_14 = vector.broadcast %get3A_10 : i32 to vector<196x128xi32>
    %eq3A_15 = arith.cmpi eq, %add3A, %eq3A_14 : vector<196x128xi32>
    %or3A_16 = arith.ori %or3A, %eq3A_15 : vector<196x128xi1>
    %jit3A = arith.constant 1.000000e+09 : f32
    %broadcast_in_dim3A = vector.broadcast %jit3A : f32 to vector<196x128xf32>
    %select_n3A = arith.select %or3A_16, %broadcast_in_dim3A, %get3A_1 : vector<196x128xi1>, vector<196x128xf32>
    %ge3A = arith.constant 25000 : i32
    %ge3A_17 = vector.broadcast %ge3A : i32 to vector<196x128xi32>
    %ge3A_18 = arith.cmpi sge, %add3A, %ge3A_17 : vector<196x128xi32>
    %jit3A_19 = arith.constant 0xFF800000 : f32
    %broadcast_in_dim3A_20 = vector.broadcast %jit3A_19 : f32 to vector<196x128xf32>
    %select_n3A_21 = arith.select %ge3A_18, %broadcast_in_dim3A_20, %select_n3A : vector<196x128xi1>, vector<196x128xf32>
    %eq3A_22 = arith.constant 0.000000e+00 : f32
    %eq3A_23 = vector.broadcast %eq3A_22 : f32 to vector<196x128xf32>
    %eq3A_24 = arith.cmpf oeq, %select_n3A_21, %eq3A_23 : vector<196x128xf32>
    %jit3A_25 = arith.constant 0.000000e+00 : f32
    %broadcast_in_dim3A_26 = vector.broadcast %jit3A_25 : f32 to vector<196x128xf32>
    %select_n3A_27 = arith.select %eq3A_24, %broadcast_in_dim3A_26, %select_n3A_21 : vector<196x128xi1>, vector<196x128xf32>
    %bitcast_convert_type3A = tpu.bitcast %select_n3A_27 : vector<196x128xf32> -> vector<196x128xi32>
    %lt3A = arith.constant 0 : i32
    %lt3A_28 = vector.broadcast %lt3A : i32 to vector<196x128xi32>
    %lt3A_29 = arith.cmpi slt, %bitcast_convert_type3A, %lt3A_28 : vector<196x128xi32>
    %not3A = arith.constant dense<-1> : vector<196x128xi32>
    %not3A_30 = arith.xori %bitcast_convert_type3A, %not3A : vector<196x128xi32>
    %xor3A = arith.constant -2147483648 : i32
    %xor3A_31 = vector.broadcast %xor3A : i32 to vector<196x128xi32>
    %xor3A_32 = arith.xori %not3A_30, %xor3A_31 : vector<196x128xi32>
    %select_n3A_33 = arith.select %lt3A_29, %xor3A_32, %bitcast_convert_type3A : vector<196x128xi1>, vector<196x128xi32>
    %ge3A_34 = arith.constant 0 : i32
    %ge3A_35 = vector.broadcast %ge3A_34 : i32 to vector<196x128xi32>
    %ge3A_36 = arith.cmpi sge, %select_n3A_33, %ge3A_35 : vector<196x128xi32>
    %convert_element_type3A = arith.extui %ge3A_36 : vector<196x128xi1> to vector<196x128xi32>
    %convert_element_type3A_37 = arith.sitofp %convert_element_type3A : vector<196x128xi32> to vector<196x128xf32>
    %reduce_sum3A = vector.shape_cast %convert_element_type3A_37 : vector<196x128xf32> to vector<1x196x128xf32>
    %reduce_sum3A_38 = arith.constant dense<0.000000e+00> : vector<1xf32>
    %reduce_sum3A_39 = vector.multi_reduction <add>, %reduce_sum3A, %reduce_sum3A_38 [1, 2] : vector<1x196x128xf32> to vector<1xf32>
    %reduce_sum3A_40 = vector.shape_cast %reduce_sum3A_39 : vector<1xf32> to vector<1x1x1xf32>
    %reduce_sum3A_41 = vector.extract %reduce_sum3A_40[0, 0, 0] : f32 from vector<1x1x1xf32>
    %ge3A_42 = arith.constant 1.250000e+04 : f32
    %ge3A_43 = arith.cmpf oge, %reduce_sum3A_41, %ge3A_42 : f32
    %jit3A_44 = arith.constant 0 : i32
    %jit3A_45 = arith.constant -2147483648 : i32
    %select_n3A_46 = arith.select %ge3A_43, %jit3A_44, %jit3A_45 : i32
    %add3A_47 = arith.constant 1073741824 : i32
    %add3A_48 = arith.addi %select_n3A_46, %add3A_47 : i32
    %ge3A_49 = vector.broadcast %add3A_48 : i32 to vector<196x128xi32>
    %ge3A_50 = arith.cmpi sge, %select_n3A_33, %ge3A_49 : vector<196x128xi32>
    %convert_element_type3A_51 = arith.extui %ge3A_50 : vector<196x128xi1> to vector<196x128xi32>
    %convert_element_type3A_52 = arith.sitofp %convert_element_type3A_51 : vector<196x128xi32> to vector<196x128xf32>
    %reduce_sum3A_53 = vector.shape_cast %convert_element_type3A_52 : vector<196x128xf32> to vector<1x196x128xf32>
    %reduce_sum3A_54 = arith.constant dense<0.000000e+00> : vector<1xf32>
    %reduce_sum3A_55 = vector.multi_reduction <add>, %reduce_sum3A_53, %reduce_sum3A_54 [1, 2] : vector<1x196x128xf32> to vector<1xf32>
    %reduce_sum3A_56 = vector.shape_cast %reduce_sum3A_55 : vector<1xf32> to vector<1x1x1xf32>
    %reduce_sum3A_57 = vector.extract %reduce_sum3A_56[0, 0, 0] : f32 from vector<1x1x1xf32>
    %ge3A_58 = arith.constant 1.250000e+04 : f32
    %ge3A_59 = arith.cmpf oge, %reduce_sum3A_57, %ge3A_58 : f32
    %select_n3A_60 = arith.select %ge3A_59, %add3A_48, %select_n3A_46 : i32
    %add3A_61 = arith.constant 536870912 : i32
    %add3A_62 = arith.addi %select_n3A_60, %add3A_61 : i32
    %ge3A_63 = vector.broadcast %add3A_62 : i32 to vector<196x128xi32>
    %ge3A_64 = arith.cmpi sge, %select_n3A_33, %ge3A_63 : vector<196x128xi32>
    %convert_element_type3A_65 = arith.extui %ge3A_64 : vector<196x128xi1> to vector<196x128xi32>
    %convert_element_type3A_66 = arith.sitofp %convert_element_type3A_65 : vector<196x128xi32> to vector<196x128xf32>
    %reduce_sum3A_67 = vector.shape_cast %convert_element_type3A_66 : vector<196x128xf32> to vector<1x196x128xf32>
    %reduce_sum3A_68 = arith.constant dense<0.000000e+00> : vector<1xf32>
    %reduce_sum3A_69 = vector.multi_reduction <add>, %reduce_sum3A_67, %reduce_sum3A_68 [1, 2] : vector<1x196x128xf32> to vector<1xf32>
    %reduce_sum3A_70 = vector.shape_cast %reduce_sum3A_69 : vector<1xf32> to vector<1x1x1xf32>
    %reduce_sum3A_71 = vector.extract %reduce_sum3A_70[0, 0, 0] : f32 from vector<1x1x1xf32>
    %ge3A_72 = arith.constant 1.250000e+04 : f32
    %ge3A_73 = arith.cmpf oge, %reduce_sum3A_71, %ge3A_72 : f32
    %select_n3A_74 = arith.select %ge3A_73, %add3A_62, %select_n3A_60 : i32
    %add3A_75 = arith.constant 268435456 : i32
    %add3A_76 = arith.addi %select_n3A_74, %add3A_75 : i32
    %ge3A_77 = vector.broadcast %add3A_76 : i32 to vector<196x128xi32>
    %ge3A_78 = arith.cmpi sge, %select_n3A_33, %ge3A_77 : vector<196x128xi32>
    %convert_element_type3A_79 = arith.extui %ge3A_78 : vector<196x128xi1> to vector<196x128xi32>
    %convert_element_type3A_80 = arith.sitofp %convert_element_type3A_79 : vector<196x128xi32> to vector<196x128xf32>
    %reduce_sum3A_81 = vector.shape_cast %convert_element_type3A_80 : vector<196x128xf32> to vector<1x196x128xf32>
    %reduce_sum3A_82 = arith.constant dense<0.000000e+00> : vector<1xf32>
    %reduce_sum3A_83 = vector.multi_reduction <add>, %reduce_sum3A_81, %reduce_sum3A_82 [1, 2] : vector<1x196x128xf32> to vector<1xf32>
    %reduce_sum3A_84 = vector.shape_cast %reduce_sum3A_83 : vector<1xf32> to vector<1x1x1xf32>
    %reduce_sum3A_85 = vector.extract %reduce_sum3A_84[0, 0, 0] : f32 from vector<1x1x1xf32>
    %ge3A_86 = arith.constant 1.250000e+04 : f32
    %ge3A_87 = arith.cmpf oge, %reduce_sum3A_85, %ge3A_86 : f32
    %select_n3A_88 = arith.select %ge3A_87, %add3A_76, %select_n3A_74 : i32
    %add3A_89 = arith.constant 134217728 : i32
    %add3A_90 = arith.addi %select_n3A_88, %add3A_89 : i32
    %ge3A_91 = vector.broadcast %add3A_90 : i32 to vector<196x128xi32>
    %ge3A_92 = arith.cmpi sge, %select_n3A_33, %ge3A_91 : vector<196x128xi32>
    %convert_element_type3A_93 = arith.extui %ge3A_92 : vector<196x128xi1> to vector<196x128xi32>
    %convert_element_type3A_94 = arith.sitofp %convert_element_type3A_93 : vector<196x128xi32> to vector<196x128xf32>
    %reduce_sum3A_95 = vector.shape_cast %convert_element_type3A_94 : vector<196x128xf32> to vector<1x196x128xf32>
    %reduce_sum3A_96 = arith.constant dense<0.000000e+00> : vector<1xf32>
    %reduce_sum3A_97 = vector.multi_reduction <add>, %reduce_sum3A_95, %reduce_sum3A_96 [1, 2] : vector<1x196x128xf32> to vector<1xf32>
    %reduce_sum3A_98 = vector.shape_cast %reduce_sum3A_97 : vector<1xf32> to vector<1x1x1xf32>
    %reduce_sum3A_99 = vector.extract %reduce_sum3A_98[0, 0, 0] : f32 from vector<1x1x1xf32>
    %ge3A_100 = arith.constant 1.250000e+04 : f32
    %ge3A_101 = arith.cmpf oge, %reduce_sum3A_99, %ge3A_100 : f32
    %select_n3A_102 = arith.select %ge3A_101, %add3A_90, %select_n3A_88 : i32
    %add3A_103 = arith.constant 67108864 : i32
    %add3A_104 = arith.addi %select_n3A_102, %add3A_103 : i32
    %ge3A_105 = vector.broadcast %add3A_104 : i32 to vector<196x128xi32>
    %ge3A_106 = arith.cmpi sge, %select_n3A_33, %ge3A_105 : vector<196x128xi32>
    %convert_element_type3A_107 = arith.extui %ge3A_106 : vector<196x128xi1> to vector<196x128xi32>
    %convert_element_type3A_108 = arith.sitofp %convert_element_type3A_107 : vector<196x128xi32> to vector<196x128xf32>
    %reduce_sum3A_109 = vector.shape_cast %convert_element_type3A_108 : vector<196x128xf32> to vector<1x196x128xf32>
    %reduce_sum3A_110 = arith.constant dense<0.000000e+00> : vector<1xf32>
    %reduce_sum3A_111 = vector.multi_reduction <add>, %reduce_sum3A_109, %reduce_sum3A_110 [1, 2] : vector<1x196x128xf32> to vector<1xf32>
    %reduce_sum3A_112 = vector.shape_cast %reduce_sum3A_111 : vector<1xf32> to vector<1x1x1xf32>
    %reduce_sum3A_113 = vector.extract %reduce_sum3A_112[0, 0, 0] : f32 from vector<1x1x1xf32>
    %ge3A_114 = arith.constant 1.250000e+04 : f32
    %ge3A_115 = arith.cmpf oge, %reduce_sum3A_113, %ge3A_114 : f32
    %select_n3A_116 = arith.select %ge3A_115, %add3A_104, %select_n3A_102 : i32
    %add3A_117 = arith.constant 33554432 : i32
    %add3A_118 = arith.addi %select_n3A_116, %add3A_117 : i32
    %ge3A_119 = vector.broadcast %add3A_118 : i32 to vector<196x128xi32>
    %ge3A_120 = arith.cmpi sge, %select_n3A_33, %ge3A_119 : vector<196x128xi32>
    %convert_element_type3A_121 = arith.extui %ge3A_120 : vector<196x128xi1> to vector<196x128xi32>
    %convert_element_type3A_122 = arith.sitofp %convert_element_type3A_121 : vector<196x128xi32> to vector<196x128xf32>
    %reduce_sum3A_123 = vector.shape_cast %convert_element_type3A_122 : vector<196x128xf32> to vector<1x196x128xf32>
    %reduce_sum3A_124 = arith.constant dense<0.000000e+00> : vector<1xf32>
    %reduce_sum3A_125 = vector.multi_reduction <add>, %reduce_sum3A_123, %reduce_sum3A_124 [1, 2] : vector<1x196x128xf32> to vector<1xf32>
    %reduce_sum3A_126 = vector.shape_cast %reduce_sum3A_125 : vector<1xf32> to vector<1x1x1xf32>
    %reduce_sum3A_127 = vector.extract %reduce_sum3A_126[0, 0, 0] : f32 from vector<1x1x1xf32>
    %ge3A_128 = arith.constant 1.250000e+04 : f32
    %ge3A_129 = arith.cmpf oge, %reduce_sum3A_127, %ge3A_128 : f32
    %select_n3A_130 = arith.select %ge3A_129, %add3A_118, %select_n3A_116 : i32
    %add3A_131 = arith.constant 16777216 : i32
    %add3A_132 = arith.addi %select_n3A_130, %add3A_131 : i32
    %ge3A_133 = vector.broadcast %add3A_132 : i32 to vector<196x128xi32>
    %ge3A_134 = arith.cmpi sge, %select_n3A_33, %ge3A_133 : vector<196x128xi32>
    %convert_element_type3A_135 = arith.extui %ge3A_134 : vector<196x128xi1> to vector<196x128xi32>
    %convert_element_type3A_136 = arith.sitofp %convert_element_type3A_135 : vector<196x128xi32> to vector<196x128xf32>
    %reduce_sum3A_137 = vector.shape_cast %convert_element_type3A_136 : vector<196x128xf32> to vector<1x196x128xf32>
    %reduce_sum3A_138 = arith.constant dense<0.000000e+00> : vector<1xf32>
    %reduce_sum3A_139 = vector.multi_reduction <add>, %reduce_sum3A_137, %reduce_sum3A_138 [1, 2] : vector<1x196x128xf32> to vector<1xf32>
    %reduce_sum3A_140 = vector.shape_cast %reduce_sum3A_139 : vector<1xf32> to vector<1x1x1xf32>
    %reduce_sum3A_141 = vector.extract %reduce_sum3A_140[0, 0, 0] : f32 from vector<1x1x1xf32>
    %ge3A_142 = arith.constant 1.250000e+04 : f32
    %ge3A_143 = arith.cmpf oge, %reduce_sum3A_141, %ge3A_142 : f32
    %select_n3A_144 = arith.select %ge3A_143, %add3A_132, %select_n3A_130 : i32
    %add3A_145 = arith.constant 8388608 : i32
    %add3A_146 = arith.addi %select_n3A_144, %add3A_145 : i32
    %ge3A_147 = vector.broadcast %add3A_146 : i32 to vector<196x128xi32>
    %ge3A_148 = arith.cmpi sge, %select_n3A_33, %ge3A_147 : vector<196x128xi32>
    %convert_element_type3A_149 = arith.extui %ge3A_148 : vector<196x128xi1> to vector<196x128xi32>
    %convert_element_type3A_150 = arith.sitofp %convert_element_type3A_149 : vector<196x128xi32> to vector<196x128xf32>
    %reduce_sum3A_151 = vector.shape_cast %convert_element_type3A_150 : vector<196x128xf32> to vector<1x196x128xf32>
    %reduce_sum3A_152 = arith.constant dense<0.000000e+00> : vector<1xf32>
    %reduce_sum3A_153 = vector.multi_reduction <add>, %reduce_sum3A_151, %reduce_sum3A_152 [1, 2] : vector<1x196x128xf32> to vector<1xf32>
    %reduce_sum3A_154 = vector.shape_cast %reduce_sum3A_153 : vector<1xf32> to vector<1x1x1xf32>
    %reduce_sum3A_155 = vector.extract %reduce_sum3A_154[0, 0, 0] : f32 from vector<1x1x1xf32>
    %ge3A_156 = arith.constant 1.250000e+04 : f32
    %ge3A_157 = arith.cmpf oge, %reduce_sum3A_155, %ge3A_156 : f32
    %select_n3A_158 = arith.select %ge3A_157, %add3A_146, %select_n3A_144 : i32
    %add3A_159 = arith.constant 4194304 : i32
    %add3A_160 = arith.addi %select_n3A_158, %add3A_159 : i32
    %ge3A_161 = vector.broadcast %add3A_160 : i32 to vector<196x128xi32>
    %ge3A_162 = arith.cmpi sge, %select_n3A_33, %ge3A_161 : vector<196x128xi32>
    %convert_element_type3A_163 = arith.extui %ge3A_162 : vector<196x128xi1> to vector<196x128xi32>
    %convert_element_type3A_164 = arith.sitofp %convert_element_type3A_163 : vector<196x128xi32> to vector<196x128xf32>
    %reduce_sum3A_165 = vector.shape_cast %convert_element_type3A_164 : vector<196x128xf32> to vector<1x196x128xf32>
    %reduce_sum3A_166 = arith.constant dense<0.000000e+00> : vector<1xf32>
    %reduce_sum3A_167 = vector.multi_reduction <add>, %reduce_sum3A_165, %reduce_sum3A_166 [1, 2] : vector<1x196x128xf32> to vector<1xf32>
    %reduce_sum3A_168 = vector.shape_cast %reduce_sum3A_167 : vector<1xf32> to vector<1x1x1xf32>
    %reduce_sum3A_169 = vector.extract %reduce_sum3A_168[0, 0, 0] : f32 from vector<1x1x1xf32>
    %ge3A_170 = arith.constant 1.250000e+04 : f32
    %ge3A_171 = arith.cmpf oge, %reduce_sum3A_169, %ge3A_170 : f32
    %select_n3A_172 = arith.select %ge3A_171, %add3A_160, %select_n3A_158 : i32
    %add3A_173 = arith.constant 2097152 : i32
    %add3A_174 = arith.addi %select_n3A_172, %add3A_173 : i32
    %ge3A_175 = vector.broadcast %add3A_174 : i32 to vector<196x128xi32>
    %ge3A_176 = arith.cmpi sge, %select_n3A_33, %ge3A_175 : vector<196x128xi32>
    %convert_element_type3A_177 = arith.extui %ge3A_176 : vector<196x128xi1> to vector<196x128xi32>
    %convert_element_type3A_178 = arith.sitofp %convert_element_type3A_177 : vector<196x128xi32> to vector<196x128xf32>
    %reduce_sum3A_179 = vector.shape_cast %convert_element_type3A_178 : vector<196x128xf32> to vector<1x196x128xf32>
    %reduce_sum3A_180 = arith.constant dense<0.000000e+00> : vector<1xf32>
    %reduce_sum3A_181 = vector.multi_reduction <add>, %reduce_sum3A_179, %reduce_sum3A_180 [1, 2] : vector<1x196x128xf32> to vector<1xf32>
    %reduce_sum3A_182 = vector.shape_cast %reduce_sum3A_181 : vector<1xf32> to vector<1x1x1xf32>
    %reduce_sum3A_183 = vector.extract %reduce_sum3A_182[0, 0, 0] : f32 from vector<1x1x1xf32>
    %ge3A_184 = arith.constant 1.250000e+04 : f32
    %ge3A_185 = arith.cmpf oge, %reduce_sum3A_183, %ge3A_184 : f32
    %select_n3A_186 = arith.select %ge3A_185, %add3A_174, %select_n3A_172 : i32
    %add3A_187 = arith.constant 1048576 : i32
    %add3A_188 = arith.addi %select_n3A_186, %add3A_187 : i32
    %ge3A_189 = vector.broadcast %add3A_188 : i32 to vector<196x128xi32>
    %ge3A_190 = arith.cmpi sge, %select_n3A_33, %ge3A_189 : vector<196x128xi32>
    %convert_element_type3A_191 = arith.extui %ge3A_190 : vector<196x128xi1> to vector<196x128xi32>
    %convert_element_type3A_192 = arith.sitofp %convert_element_type3A_191 : vector<196x128xi32> to vector<196x128xf32>
    %reduce_sum3A_193 = vector.shape_cast %convert_element_type3A_192 : vector<196x128xf32> to vector<1x196x128xf32>
    %reduce_sum3A_194 = arith.constant dense<0.000000e+00> : vector<1xf32>
    %reduce_sum3A_195 = vector.multi_reduction <add>, %reduce_sum3A_193, %reduce_sum3A_194 [1, 2] : vector<1x196x128xf32> to vector<1xf32>
    %reduce_sum3A_196 = vector.shape_cast %reduce_sum3A_195 : vector<1xf32> to vector<1x1x1xf32>
    %reduce_sum3A_197 = vector.extract %reduce_sum3A_196[0, 0, 0] : f32 from vector<1x1x1xf32>
    %ge3A_198 = arith.constant 1.250000e+04 : f32
    %ge3A_199 = arith.cmpf oge, %reduce_sum3A_197, %ge3A_198 : f32
    %select_n3A_200 = arith.select %ge3A_199, %add3A_188, %select_n3A_186 : i32
    %add3A_201 = arith.constant 524288 : i32
    %add3A_202 = arith.addi %select_n3A_200, %add3A_201 : i32
    %ge3A_203 = vector.broadcast %add3A_202 : i32 to vector<196x128xi32>
    %ge3A_204 = arith.cmpi sge, %select_n3A_33, %ge3A_203 : vector<196x128xi32>
    %convert_element_type3A_205 = arith.extui %ge3A_204 : vector<196x128xi1> to vector<196x128xi32>
    %convert_element_type3A_206 = arith.sitofp %convert_element_type3A_205 : vector<196x128xi32> to vector<196x128xf32>
    %reduce_sum3A_207 = vector.shape_cast %convert_element_type3A_206 : vector<196x128xf32> to vector<1x196x128xf32>
    %reduce_sum3A_208 = arith.constant dense<0.000000e+00> : vector<1xf32>
    %reduce_sum3A_209 = vector.multi_reduction <add>, %reduce_sum3A_207, %reduce_sum3A_208 [1, 2] : vector<1x196x128xf32> to vector<1xf32>
    %reduce_sum3A_210 = vector.shape_cast %reduce_sum3A_209 : vector<1xf32> to vector<1x1x1xf32>
    %reduce_sum3A_211 = vector.extract %reduce_sum3A_210[0, 0, 0] : f32 from vector<1x1x1xf32>
    %ge3A_212 = arith.constant 1.250000e+04 : f32
    %ge3A_213 = arith.cmpf oge, %reduce_sum3A_211, %ge3A_212 : f32
    %select_n3A_214 = arith.select %ge3A_213, %add3A_202, %select_n3A_200 : i32
    %add3A_215 = arith.constant 262144 : i32
    %add3A_216 = arith.addi %select_n3A_214, %add3A_215 : i32
    %ge3A_217 = vector.broadcast %add3A_216 : i32 to vector<196x128xi32>
    %ge3A_218 = arith.cmpi sge, %select_n3A_33, %ge3A_217 : vector<196x128xi32>
    %convert_element_type3A_219 = arith.extui %ge3A_218 : vector<196x128xi1> to vector<196x128xi32>
    %convert_element_type3A_220 = arith.sitofp %convert_element_type3A_219 : vector<196x128xi32> to vector<196x128xf32>
    %reduce_sum3A_221 = vector.shape_cast %convert_element_type3A_220 : vector<196x128xf32> to vector<1x196x128xf32>
    %reduce_sum3A_222 = arith.constant dense<0.000000e+00> : vector<1xf32>
    %reduce_sum3A_223 = vector.multi_reduction <add>, %reduce_sum3A_221, %reduce_sum3A_222 [1, 2] : vector<1x196x128xf32> to vector<1xf32>
    %reduce_sum3A_224 = vector.shape_cast %reduce_sum3A_223 : vector<1xf32> to vector<1x1x1xf32>
    %reduce_sum3A_225 = vector.extract %reduce_sum3A_224[0, 0, 0] : f32 from vector<1x1x1xf32>
    %ge3A_226 = arith.constant 1.250000e+04 : f32
    %ge3A_227 = arith.cmpf oge, %reduce_sum3A_225, %ge3A_226 : f32
    %select_n3A_228 = arith.select %ge3A_227, %add3A_216, %select_n3A_214 : i32
    %add3A_229 = arith.constant 131072 : i32
    %add3A_230 = arith.addi %select_n3A_228, %add3A_229 : i32
    %ge3A_231 = vector.broadcast %add3A_230 : i32 to vector<196x128xi32>
    %ge3A_232 = arith.cmpi sge, %select_n3A_33, %ge3A_231 : vector<196x128xi32>
    %convert_element_type3A_233 = arith.extui %ge3A_232 : vector<196x128xi1> to vector<196x128xi32>
    %convert_element_type3A_234 = arith.sitofp %convert_element_type3A_233 : vector<196x128xi32> to vector<196x128xf32>
    %reduce_sum3A_235 = vector.shape_cast %convert_element_type3A_234 : vector<196x128xf32> to vector<1x196x128xf32>
    %reduce_sum3A_236 = arith.constant dense<0.000000e+00> : vector<1xf32>
    %reduce_sum3A_237 = vector.multi_reduction <add>, %reduce_sum3A_235, %reduce_sum3A_236 [1, 2] : vector<1x196x128xf32> to vector<1xf32>
    %reduce_sum3A_238 = vector.shape_cast %reduce_sum3A_237 : vector<1xf32> to vector<1x1x1xf32>
    %reduce_sum3A_239 = vector.extract %reduce_sum3A_238[0, 0, 0] : f32 from vector<1x1x1xf32>
    %ge3A_240 = arith.constant 1.250000e+04 : f32
    %ge3A_241 = arith.cmpf oge, %reduce_sum3A_239, %ge3A_240 : f32
    %select_n3A_242 = arith.select %ge3A_241, %add3A_230, %select_n3A_228 : i32
    %add3A_243 = arith.constant 65536 : i32
    %add3A_244 = arith.addi %select_n3A_242, %add3A_243 : i32
    %ge3A_245 = vector.broadcast %add3A_244 : i32 to vector<196x128xi32>
    %ge3A_246 = arith.cmpi sge, %select_n3A_33, %ge3A_245 : vector<196x128xi32>
    %convert_element_type3A_247 = arith.extui %ge3A_246 : vector<196x128xi1> to vector<196x128xi32>
    %convert_element_type3A_248 = arith.sitofp %convert_element_type3A_247 : vector<196x128xi32> to vector<196x128xf32>
    %reduce_sum3A_249 = vector.shape_cast %convert_element_type3A_248 : vector<196x128xf32> to vector<1x196x128xf32>
    %reduce_sum3A_250 = arith.constant dense<0.000000e+00> : vector<1xf32>
    %reduce_sum3A_251 = vector.multi_reduction <add>, %reduce_sum3A_249, %reduce_sum3A_250 [1, 2] : vector<1x196x128xf32> to vector<1xf32>
    %reduce_sum3A_252 = vector.shape_cast %reduce_sum3A_251 : vector<1xf32> to vector<1x1x1xf32>
    %reduce_sum3A_253 = vector.extract %reduce_sum3A_252[0, 0, 0] : f32 from vector<1x1x1xf32>
    %ge3A_254 = arith.constant 1.250000e+04 : f32
    %ge3A_255 = arith.cmpf oge, %reduce_sum3A_253, %ge3A_254 : f32
    %select_n3A_256 = arith.select %ge3A_255, %add3A_244, %select_n3A_242 : i32
    %add3A_257 = arith.constant 32768 : i32
    %add3A_258 = arith.addi %select_n3A_256, %add3A_257 : i32
    %ge3A_259 = vector.broadcast %add3A_258 : i32 to vector<196x128xi32>
    %ge3A_260 = arith.cmpi sge, %select_n3A_33, %ge3A_259 : vector<196x128xi32>
    %convert_element_type3A_261 = arith.extui %ge3A_260 : vector<196x128xi1> to vector<196x128xi32>
    %convert_element_type3A_262 = arith.sitofp %convert_element_type3A_261 : vector<196x128xi32> to vector<196x128xf32>
    %reduce_sum3A_263 = vector.shape_cast %convert_element_type3A_262 : vector<196x128xf32> to vector<1x196x128xf32>
    %reduce_sum3A_264 = arith.constant dense<0.000000e+00> : vector<1xf32>
    %reduce_sum3A_265 = vector.multi_reduction <add>, %reduce_sum3A_263, %reduce_sum3A_264 [1, 2] : vector<1x196x128xf32> to vector<1xf32>
    %reduce_sum3A_266 = vector.shape_cast %reduce_sum3A_265 : vector<1xf32> to vector<1x1x1xf32>
    %reduce_sum3A_267 = vector.extract %reduce_sum3A_266[0, 0, 0] : f32 from vector<1x1x1xf32>
    %ge3A_268 = arith.constant 1.250000e+04 : f32
    %ge3A_269 = arith.cmpf oge, %reduce_sum3A_267, %ge3A_268 : f32
    %select_n3A_270 = arith.select %ge3A_269, %add3A_258, %select_n3A_256 : i32
    %add3A_271 = arith.constant 16384 : i32
    %add3A_272 = arith.addi %select_n3A_270, %add3A_271 : i32
    %ge3A_273 = vector.broadcast %add3A_272 : i32 to vector<196x128xi32>
    %ge3A_274 = arith.cmpi sge, %select_n3A_33, %ge3A_273 : vector<196x128xi32>
    %convert_element_type3A_275 = arith.extui %ge3A_274 : vector<196x128xi1> to vector<196x128xi32>
    %convert_element_type3A_276 = arith.sitofp %convert_element_type3A_275 : vector<196x128xi32> to vector<196x128xf32>
    %reduce_sum3A_277 = vector.shape_cast %convert_element_type3A_276 : vector<196x128xf32> to vector<1x196x128xf32>
    %reduce_sum3A_278 = arith.constant dense<0.000000e+00> : vector<1xf32>
    %reduce_sum3A_279 = vector.multi_reduction <add>, %reduce_sum3A_277, %reduce_sum3A_278 [1, 2] : vector<1x196x128xf32> to vector<1xf32>
    %reduce_sum3A_280 = vector.shape_cast %reduce_sum3A_279 : vector<1xf32> to vector<1x1x1xf32>
    %reduce_sum3A_281 = vector.extract %reduce_sum3A_280[0, 0, 0] : f32 from vector<1x1x1xf32>
    %ge3A_282 = arith.constant 1.250000e+04 : f32
    %ge3A_283 = arith.cmpf oge, %reduce_sum3A_281, %ge3A_282 : f32
    %select_n3A_284 = arith.select %ge3A_283, %add3A_272, %select_n3A_270 : i32
    %add3A_285 = arith.constant 8192 : i32
    %add3A_286 = arith.addi %select_n3A_284, %add3A_285 : i32
    %ge3A_287 = vector.broadcast %add3A_286 : i32 to vector<196x128xi32>
    %ge3A_288 = arith.cmpi sge, %select_n3A_33, %ge3A_287 : vector<196x128xi32>
    %convert_element_type3A_289 = arith.extui %ge3A_288 : vector<196x128xi1> to vector<196x128xi32>
    %convert_element_type3A_290 = arith.sitofp %convert_element_type3A_289 : vector<196x128xi32> to vector<196x128xf32>
    %reduce_sum3A_291 = vector.shape_cast %convert_element_type3A_290 : vector<196x128xf32> to vector<1x196x128xf32>
    %reduce_sum3A_292 = arith.constant dense<0.000000e+00> : vector<1xf32>
    %reduce_sum3A_293 = vector.multi_reduction <add>, %reduce_sum3A_291, %reduce_sum3A_292 [1, 2] : vector<1x196x128xf32> to vector<1xf32>
    %reduce_sum3A_294 = vector.shape_cast %reduce_sum3A_293 : vector<1xf32> to vector<1x1x1xf32>
    %reduce_sum3A_295 = vector.extract %reduce_sum3A_294[0, 0, 0] : f32 from vector<1x1x1xf32>
    %ge3A_296 = arith.constant 1.250000e+04 : f32
    %ge3A_297 = arith.cmpf oge, %reduce_sum3A_295, %ge3A_296 : f32
    %select_n3A_298 = arith.select %ge3A_297, %add3A_286, %select_n3A_284 : i32
    %add3A_299 = arith.constant 4096 : i32
    %add3A_300 = arith.addi %select_n3A_298, %add3A_299 : i32
    %ge3A_301 = vector.broadcast %add3A_300 : i32 to vector<196x128xi32>
    %ge3A_302 = arith.cmpi sge, %select_n3A_33, %ge3A_301 : vector<196x128xi32>
    %convert_element_type3A_303 = arith.extui %ge3A_302 : vector<196x128xi1> to vector<196x128xi32>
    %convert_element_type3A_304 = arith.sitofp %convert_element_type3A_303 : vector<196x128xi32> to vector<196x128xf32>
    %reduce_sum3A_305 = vector.shape_cast %convert_element_type3A_304 : vector<196x128xf32> to vector<1x196x128xf32>
    %reduce_sum3A_306 = arith.constant dense<0.000000e+00> : vector<1xf32>
    %reduce_sum3A_307 = vector.multi_reduction <add>, %reduce_sum3A_305, %reduce_sum3A_306 [1, 2] : vector<1x196x128xf32> to vector<1xf32>
    %reduce_sum3A_308 = vector.shape_cast %reduce_sum3A_307 : vector<1xf32> to vector<1x1x1xf32>
    %reduce_sum3A_309 = vector.extract %reduce_sum3A_308[0, 0, 0] : f32 from vector<1x1x1xf32>
    %ge3A_310 = arith.constant 1.250000e+04 : f32
    %ge3A_311 = arith.cmpf oge, %reduce_sum3A_309, %ge3A_310 : f32
    %select_n3A_312 = arith.select %ge3A_311, %add3A_300, %select_n3A_298 : i32
    %add3A_313 = arith.constant 2048 : i32
    %add3A_314 = arith.addi %select_n3A_312, %add3A_313 : i32
    %ge3A_315 = vector.broadcast %add3A_314 : i32 to vector<196x128xi32>
    %ge3A_316 = arith.cmpi sge, %select_n3A_33, %ge3A_315 : vector<196x128xi32>
    %convert_element_type3A_317 = arith.extui %ge3A_316 : vector<196x128xi1> to vector<196x128xi32>
    %convert_element_type3A_318 = arith.sitofp %convert_element_type3A_317 : vector<196x128xi32> to vector<196x128xf32>
    %reduce_sum3A_319 = vector.shape_cast %convert_element_type3A_318 : vector<196x128xf32> to vector<1x196x128xf32>
    %reduce_sum3A_320 = arith.constant dense<0.000000e+00> : vector<1xf32>
    %reduce_sum3A_321 = vector.multi_reduction <add>, %reduce_sum3A_319, %reduce_sum3A_320 [1, 2] : vector<1x196x128xf32> to vector<1xf32>
    %reduce_sum3A_322 = vector.shape_cast %reduce_sum3A_321 : vector<1xf32> to vector<1x1x1xf32>
    %reduce_sum3A_323 = vector.extract %reduce_sum3A_322[0, 0, 0] : f32 from vector<1x1x1xf32>
    %ge3A_324 = arith.constant 1.250000e+04 : f32
    %ge3A_325 = arith.cmpf oge, %reduce_sum3A_323, %ge3A_324 : f32
    %select_n3A_326 = arith.select %ge3A_325, %add3A_314, %select_n3A_312 : i32
    %add3A_327 = arith.constant 1024 : i32
    %add3A_328 = arith.addi %select_n3A_326, %add3A_327 : i32
    %ge3A_329 = vector.broadcast %add3A_328 : i32 to vector<196x128xi32>
    %ge3A_330 = arith.cmpi sge, %select_n3A_33, %ge3A_329 : vector<196x128xi32>
    %convert_element_type3A_331 = arith.extui %ge3A_330 : vector<196x128xi1> to vector<196x128xi32>
    %convert_element_type3A_332 = arith.sitofp %convert_element_type3A_331 : vector<196x128xi32> to vector<196x128xf32>
    %reduce_sum3A_333 = vector.shape_cast %convert_element_type3A_332 : vector<196x128xf32> to vector<1x196x128xf32>
    %reduce_sum3A_334 = arith.constant dense<0.000000e+00> : vector<1xf32>
    %reduce_sum3A_335 = vector.multi_reduction <add>, %reduce_sum3A_333, %reduce_sum3A_334 [1, 2] : vector<1x196x128xf32> to vector<1xf32>
    %reduce_sum3A_336 = vector.shape_cast %reduce_sum3A_335 : vector<1xf32> to vector<1x1x1xf32>
    %reduce_sum3A_337 = vector.extract %reduce_sum3A_336[0, 0, 0] : f32 from vector<1x1x1xf32>
    %ge3A_338 = arith.constant 1.250000e+04 : f32
    %ge3A_339 = arith.cmpf oge, %reduce_sum3A_337, %ge3A_338 : f32
    %select_n3A_340 = arith.select %ge3A_339, %add3A_328, %select_n3A_326 : i32
    %add3A_341 = arith.constant 512 : i32
    %add3A_342 = arith.addi %select_n3A_340, %add3A_341 : i32
    %ge3A_343 = vector.broadcast %add3A_342 : i32 to vector<196x128xi32>
    %ge3A_344 = arith.cmpi sge, %select_n3A_33, %ge3A_343 : vector<196x128xi32>
    %convert_element_type3A_345 = arith.extui %ge3A_344 : vector<196x128xi1> to vector<196x128xi32>
    %convert_element_type3A_346 = arith.sitofp %convert_element_type3A_345 : vector<196x128xi32> to vector<196x128xf32>
    %reduce_sum3A_347 = vector.shape_cast %convert_element_type3A_346 : vector<196x128xf32> to vector<1x196x128xf32>
    %reduce_sum3A_348 = arith.constant dense<0.000000e+00> : vector<1xf32>
    %reduce_sum3A_349 = vector.multi_reduction <add>, %reduce_sum3A_347, %reduce_sum3A_348 [1, 2] : vector<1x196x128xf32> to vector<1xf32>
    %reduce_sum3A_350 = vector.shape_cast %reduce_sum3A_349 : vector<1xf32> to vector<1x1x1xf32>
    %reduce_sum3A_351 = vector.extract %reduce_sum3A_350[0, 0, 0] : f32 from vector<1x1x1xf32>
    %ge3A_352 = arith.constant 1.250000e+04 : f32
    %ge3A_353 = arith.cmpf oge, %reduce_sum3A_351, %ge3A_352 : f32
    %select_n3A_354 = arith.select %ge3A_353, %add3A_342, %select_n3A_340 : i32
    %add3A_355 = arith.constant 256 : i32
    %add3A_356 = arith.addi %select_n3A_354, %add3A_355 : i32
    %ge3A_357 = vector.broadcast %add3A_356 : i32 to vector<196x128xi32>
    %ge3A_358 = arith.cmpi sge, %select_n3A_33, %ge3A_357 : vector<196x128xi32>
    %convert_element_type3A_359 = arith.extui %ge3A_358 : vector<196x128xi1> to vector<196x128xi32>
    %convert_element_type3A_360 = arith.sitofp %convert_element_type3A_359 : vector<196x128xi32> to vector<196x128xf32>
    %reduce_sum3A_361 = vector.shape_cast %convert_element_type3A_360 : vector<196x128xf32> to vector<1x196x128xf32>
    %reduce_sum3A_362 = arith.constant dense<0.000000e+00> : vector<1xf32>
    %reduce_sum3A_363 = vector.multi_reduction <add>, %reduce_sum3A_361, %reduce_sum3A_362 [1, 2] : vector<1x196x128xf32> to vector<1xf32>
    %reduce_sum3A_364 = vector.shape_cast %reduce_sum3A_363 : vector<1xf32> to vector<1x1x1xf32>
    %reduce_sum3A_365 = vector.extract %reduce_sum3A_364[0, 0, 0] : f32 from vector<1x1x1xf32>
    %ge3A_366 = arith.constant 1.250000e+04 : f32
    %ge3A_367 = arith.cmpf oge, %reduce_sum3A_365, %ge3A_366 : f32
    %select_n3A_368 = arith.select %ge3A_367, %add3A_356, %select_n3A_354 : i32
    %add3A_369 = arith.constant 128 : i32
    %add3A_370 = arith.addi %select_n3A_368, %add3A_369 : i32
    %ge3A_371 = vector.broadcast %add3A_370 : i32 to vector<196x128xi32>
    %ge3A_372 = arith.cmpi sge, %select_n3A_33, %ge3A_371 : vector<196x128xi32>
    %convert_element_type3A_373 = arith.extui %ge3A_372 : vector<196x128xi1> to vector<196x128xi32>
    %convert_element_type3A_374 = arith.sitofp %convert_element_type3A_373 : vector<196x128xi32> to vector<196x128xf32>
    %reduce_sum3A_375 = vector.shape_cast %convert_element_type3A_374 : vector<196x128xf32> to vector<1x196x128xf32>
    %reduce_sum3A_376 = arith.constant dense<0.000000e+00> : vector<1xf32>
    %reduce_sum3A_377 = vector.multi_reduction <add>, %reduce_sum3A_375, %reduce_sum3A_376 [1, 2] : vector<1x196x128xf32> to vector<1xf32>
    %reduce_sum3A_378 = vector.shape_cast %reduce_sum3A_377 : vector<1xf32> to vector<1x1x1xf32>
    %reduce_sum3A_379 = vector.extract %reduce_sum3A_378[0, 0, 0] : f32 from vector<1x1x1xf32>
    %ge3A_380 = arith.constant 1.250000e+04 : f32
    %ge3A_381 = arith.cmpf oge, %reduce_sum3A_379, %ge3A_380 : f32
    %select_n3A_382 = arith.select %ge3A_381, %add3A_370, %select_n3A_368 : i32
    %add3A_383 = arith.constant 64 : i32
    %add3A_384 = arith.addi %select_n3A_382, %add3A_383 : i32
    %ge3A_385 = vector.broadcast %add3A_384 : i32 to vector<196x128xi32>
    %ge3A_386 = arith.cmpi sge, %select_n3A_33, %ge3A_385 : vector<196x128xi32>
    %convert_element_type3A_387 = arith.extui %ge3A_386 : vector<196x128xi1> to vector<196x128xi32>
    %convert_element_type3A_388 = arith.sitofp %convert_element_type3A_387 : vector<196x128xi32> to vector<196x128xf32>
    %reduce_sum3A_389 = vector.shape_cast %convert_element_type3A_388 : vector<196x128xf32> to vector<1x196x128xf32>
    %reduce_sum3A_390 = arith.constant dense<0.000000e+00> : vector<1xf32>
    %reduce_sum3A_391 = vector.multi_reduction <add>, %reduce_sum3A_389, %reduce_sum3A_390 [1, 2] : vector<1x196x128xf32> to vector<1xf32>
    %reduce_sum3A_392 = vector.shape_cast %reduce_sum3A_391 : vector<1xf32> to vector<1x1x1xf32>
    %reduce_sum3A_393 = vector.extract %reduce_sum3A_392[0, 0, 0] : f32 from vector<1x1x1xf32>
    %ge3A_394 = arith.constant 1.250000e+04 : f32
    %ge3A_395 = arith.cmpf oge, %reduce_sum3A_393, %ge3A_394 : f32
    %select_n3A_396 = arith.select %ge3A_395, %add3A_384, %select_n3A_382 : i32
    %add3A_397 = arith.constant 32 : i32
    %add3A_398 = arith.addi %select_n3A_396, %add3A_397 : i32
    %ge3A_399 = vector.broadcast %add3A_398 : i32 to vector<196x128xi32>
    %ge3A_400 = arith.cmpi sge, %select_n3A_33, %ge3A_399 : vector<196x128xi32>
    %convert_element_type3A_401 = arith.extui %ge3A_400 : vector<196x128xi1> to vector<196x128xi32>
    %convert_element_type3A_402 = arith.sitofp %convert_element_type3A_401 : vector<196x128xi32> to vector<196x128xf32>
    %reduce_sum3A_403 = vector.shape_cast %convert_element_type3A_402 : vector<196x128xf32> to vector<1x196x128xf32>
    %reduce_sum3A_404 = arith.constant dense<0.000000e+00> : vector<1xf32>
    %reduce_sum3A_405 = vector.multi_reduction <add>, %reduce_sum3A_403, %reduce_sum3A_404 [1, 2] : vector<1x196x128xf32> to vector<1xf32>
    %reduce_sum3A_406 = vector.shape_cast %reduce_sum3A_405 : vector<1xf32> to vector<1x1x1xf32>
    %reduce_sum3A_407 = vector.extract %reduce_sum3A_406[0, 0, 0] : f32 from vector<1x1x1xf32>
    %ge3A_408 = arith.constant 1.250000e+04 : f32
    %ge3A_409 = arith.cmpf oge, %reduce_sum3A_407, %ge3A_408 : f32
    %select_n3A_410 = arith.select %ge3A_409, %add3A_398, %select_n3A_396 : i32
    %add3A_411 = arith.constant 16 : i32
    %add3A_412 = arith.addi %select_n3A_410, %add3A_411 : i32
    %ge3A_413 = vector.broadcast %add3A_412 : i32 to vector<196x128xi32>
    %ge3A_414 = arith.cmpi sge, %select_n3A_33, %ge3A_413 : vector<196x128xi32>
    %convert_element_type3A_415 = arith.extui %ge3A_414 : vector<196x128xi1> to vector<196x128xi32>
    %convert_element_type3A_416 = arith.sitofp %convert_element_type3A_415 : vector<196x128xi32> to vector<196x128xf32>
    %reduce_sum3A_417 = vector.shape_cast %convert_element_type3A_416 : vector<196x128xf32> to vector<1x196x128xf32>
    %reduce_sum3A_418 = arith.constant dense<0.000000e+00> : vector<1xf32>
    %reduce_sum3A_419 = vector.multi_reduction <add>, %reduce_sum3A_417, %reduce_sum3A_418 [1, 2] : vector<1x196x128xf32> to vector<1xf32>
    %reduce_sum3A_420 = vector.shape_cast %reduce_sum3A_419 : vector<1xf32> to vector<1x1x1xf32>
    %reduce_sum3A_421 = vector.extract %reduce_sum3A_420[0, 0, 0] : f32 from vector<1x1x1xf32>
    %ge3A_422 = arith.constant 1.250000e+04 : f32
    %ge3A_423 = arith.cmpf oge, %reduce_sum3A_421, %ge3A_422 : f32
    %select_n3A_424 = arith.select %ge3A_423, %add3A_412, %select_n3A_410 : i32
    %add3A_425 = arith.constant 8 : i32
    %add3A_426 = arith.addi %select_n3A_424, %add3A_425 : i32
    %ge3A_427 = vector.broadcast %add3A_426 : i32 to vector<196x128xi32>
    %ge3A_428 = arith.cmpi sge, %select_n3A_33, %ge3A_427 : vector<196x128xi32>
    %convert_element_type3A_429 = arith.extui %ge3A_428 : vector<196x128xi1> to vector<196x128xi32>
    %convert_element_type3A_430 = arith.sitofp %convert_element_type3A_429 : vector<196x128xi32> to vector<196x128xf32>
    %reduce_sum3A_431 = vector.shape_cast %convert_element_type3A_430 : vector<196x128xf32> to vector<1x196x128xf32>
    %reduce_sum3A_432 = arith.constant dense<0.000000e+00> : vector<1xf32>
    %reduce_sum3A_433 = vector.multi_reduction <add>, %reduce_sum3A_431, %reduce_sum3A_432 [1, 2] : vector<1x196x128xf32> to vector<1xf32>
    %reduce_sum3A_434 = vector.shape_cast %reduce_sum3A_433 : vector<1xf32> to vector<1x1x1xf32>
    %reduce_sum3A_435 = vector.extract %reduce_sum3A_434[0, 0, 0] : f32 from vector<1x1x1xf32>
    %ge3A_436 = arith.constant 1.250000e+04 : f32
    %ge3A_437 = arith.cmpf oge, %reduce_sum3A_435, %ge3A_436 : f32
    %select_n3A_438 = arith.select %ge3A_437, %add3A_426, %select_n3A_424 : i32
    %add3A_439 = arith.constant 4 : i32
    %add3A_440 = arith.addi %select_n3A_438, %add3A_439 : i32
    %ge3A_441 = vector.broadcast %add3A_440 : i32 to vector<196x128xi32>
    %ge3A_442 = arith.cmpi sge, %select_n3A_33, %ge3A_441 : vector<196x128xi32>
    %convert_element_type3A_443 = arith.extui %ge3A_442 : vector<196x128xi1> to vector<196x128xi32>
    %convert_element_type3A_444 = arith.sitofp %convert_element_type3A_443 : vector<196x128xi32> to vector<196x128xf32>
    %reduce_sum3A_445 = vector.shape_cast %convert_element_type3A_444 : vector<196x128xf32> to vector<1x196x128xf32>
    %reduce_sum3A_446 = arith.constant dense<0.000000e+00> : vector<1xf32>
    %reduce_sum3A_447 = vector.multi_reduction <add>, %reduce_sum3A_445, %reduce_sum3A_446 [1, 2] : vector<1x196x128xf32> to vector<1xf32>
    %reduce_sum3A_448 = vector.shape_cast %reduce_sum3A_447 : vector<1xf32> to vector<1x1x1xf32>
    %reduce_sum3A_449 = vector.extract %reduce_sum3A_448[0, 0, 0] : f32 from vector<1x1x1xf32>
    %ge3A_450 = arith.constant 1.250000e+04 : f32
    %ge3A_451 = arith.cmpf oge, %reduce_sum3A_449, %ge3A_450 : f32
    %select_n3A_452 = arith.select %ge3A_451, %add3A_440, %select_n3A_438 : i32
    %add3A_453 = arith.constant 2 : i32
    %add3A_454 = arith.addi %select_n3A_452, %add3A_453 : i32
    %ge3A_455 = vector.broadcast %add3A_454 : i32 to vector<196x128xi32>
    %ge3A_456 = arith.cmpi sge, %select_n3A_33, %ge3A_455 : vector<196x128xi32>
    %convert_element_type3A_457 = arith.extui %ge3A_456 : vector<196x128xi1> to vector<196x128xi32>
    %convert_element_type3A_458 = arith.sitofp %convert_element_type3A_457 : vector<196x128xi32> to vector<196x128xf32>
    %reduce_sum3A_459 = vector.shape_cast %convert_element_type3A_458 : vector<196x128xf32> to vector<1x196x128xf32>
    %reduce_sum3A_460 = arith.constant dense<0.000000e+00> : vector<1xf32>
    %reduce_sum3A_461 = vector.multi_reduction <add>, %reduce_sum3A_459, %reduce_sum3A_460 [1, 2] : vector<1x196x128xf32> to vector<1xf32>
    %reduce_sum3A_462 = vector.shape_cast %reduce_sum3A_461 : vector<1xf32> to vector<1x1x1xf32>
    %reduce_sum3A_463 = vector.extract %reduce_sum3A_462[0, 0, 0] : f32 from vector<1x1x1xf32>
    %ge3A_464 = arith.constant 1.250000e+04 : f32
    %ge3A_465 = arith.cmpf oge, %reduce_sum3A_463, %ge3A_464 : f32
    %select_n3A_466 = arith.select %ge3A_465, %add3A_454, %select_n3A_452 : i32
    %add3A_467 = arith.constant 1 : i32
    %add3A_468 = arith.addi %select_n3A_466, %add3A_467 : i32
    %ge3A_469 = vector.broadcast %add3A_468 : i32 to vector<196x128xi32>
    %ge3A_470 = arith.cmpi sge, %select_n3A_33, %ge3A_469 : vector<196x128xi32>
    %convert_element_type3A_471 = arith.extui %ge3A_470 : vector<196x128xi1> to vector<196x128xi32>
    %convert_element_type3A_472 = arith.sitofp %convert_element_type3A_471 : vector<196x128xi32> to vector<196x128xf32>
    %reduce_sum3A_473 = vector.shape_cast %convert_element_type3A_472 : vector<196x128xf32> to vector<1x196x128xf32>
    %reduce_sum3A_474 = arith.constant dense<0.000000e+00> : vector<1xf32>
    %reduce_sum3A_475 = vector.multi_reduction <add>, %reduce_sum3A_473, %reduce_sum3A_474 [1, 2] : vector<1x196x128xf32> to vector<1xf32>
    %reduce_sum3A_476 = vector.shape_cast %reduce_sum3A_475 : vector<1xf32> to vector<1x1x1xf32>
    %reduce_sum3A_477 = vector.extract %reduce_sum3A_476[0, 0, 0] : f32 from vector<1x1x1xf32>
    %ge3A_478 = arith.constant 1.250000e+04 : f32
    %ge3A_479 = arith.cmpf oge, %reduce_sum3A_477, %ge3A_478 : f32
    %select_n3A_480 = arith.select %ge3A_479, %add3A_468, %select_n3A_466 : i32
    %gt3A = vector.broadcast %select_n3A_480 : i32 to vector<196x128xi32>
    %gt3A_481 = arith.cmpi sgt, %select_n3A_33, %gt3A : vector<196x128xi32>
    %eq3A_482 = vector.broadcast %select_n3A_480 : i32 to vector<196x128xi32>
    %eq3A_483 = arith.cmpi eq, %select_n3A_33, %eq3A_482 : vector<196x128xi32>
    %convert_element_type3A_484 = arith.extui %gt3A_481 : vector<196x128xi1> to vector<196x128xi32>
    %convert_element_type3A_485 = arith.sitofp %convert_element_type3A_484 : vector<196x128xi32> to vector<196x128xf32>
    %reduce_sum3A_486 = vector.shape_cast %convert_element_type3A_485 : vector<196x128xf32> to vector<1x196x128xf32>
    %reduce_sum3A_487 = arith.constant dense<0.000000e+00> : vector<1xf32>
    %reduce_sum3A_488 = vector.multi_reduction <add>, %reduce_sum3A_486, %reduce_sum3A_487 [1, 2] : vector<1x196x128xf32> to vector<1xf32>
    %reduce_sum3A_489 = vector.shape_cast %reduce_sum3A_488 : vector<1xf32> to vector<1x1x1xf32>
    %reduce_sum3A_490 = vector.extract %reduce_sum3A_489[0, 0, 0] : f32 from vector<1x1x1xf32>
    %sub3A = arith.constant 1.250000e+04 : f32
    %sub3A_491 = arith.subf %sub3A, %reduce_sum3A_490 : f32
    %iota3A_492 = tpu.iota {dimensions = array<i32: 0>} : vector<196x196xi32>
    %iota3A_493 = tpu.iota {dimensions = array<i32: 1>} : vector<196x196xi32>
    %gt3A_494 = arith.cmpi sgt, %iota3A_492, %iota3A_493 : vector<196x196xi32>
    %convert_element_type3A_495 = arith.extui %gt3A_494 : vector<196x196xi1> to vector<196x196xi32>
    %convert_element_type3A_496 = arith.sitofp %convert_element_type3A_495 : vector<196x196xi32> to vector<196x196xf32>
    %iota3A_497 = tpu.iota {dimensions = array<i32: 0>} : vector<128x128xi32>
    %iota3A_498 = tpu.iota {dimensions = array<i32: 1>} : vector<128x128xi32>
    %lt3A_499 = arith.cmpi slt, %iota3A_497, %iota3A_498 : vector<128x128xi32>
    %convert_element_type3A_500 = arith.extui %lt3A_499 : vector<128x128xi1> to vector<128x128xi32>
    %convert_element_type3A_501 = arith.sitofp %convert_element_type3A_500 : vector<128x128xi32> to vector<128x128xf32>
    %convert_element_type3A_502 = arith.extui %eq3A_483 : vector<196x128xi1> to vector<196x128xi32>
    %convert_element_type3A_503 = arith.sitofp %convert_element_type3A_502 : vector<196x128xi32> to vector<196x128xf32>
    %dot_general3A = arith.constant dense<0.000000e+00> : vector<196x128xf32>
    %dot_general3A_504 = tpu.matmul %convert_element_type3A_503, %convert_element_type3A_501, %dot_general3A {dimension_numbers = #tpu.dot_dimension_numbers<[1], [0], [0], [1], [0, 0, 1, 1], [], []>, transpose_lhs_hint = false} : vector<196x128xf32>, vector<128x128xf32>, vector<196x128xf32> -> vector<196x128xf32>
    %reduce_sum3A_505 = arith.constant dense<0.000000e+00> : vector<196xf32>
    %reduce_sum3A_506 = vector.multi_reduction <add>, %convert_element_type3A_503, %reduce_sum3A_505 [1] : vector<196x128xf32> to vector<196xf32>
    %broadcast_in_dim3A_507 = vector.shape_cast %reduce_sum3A_506 : vector<196xf32> to vector<196x1xf32>
    %dot_general3A_508 = arith.constant dense<0.000000e+00> : vector<196x1xf32>
    %dot_general3A_509 = tpu.matmul %convert_element_type3A_496, %broadcast_in_dim3A_507, %dot_general3A_508 {dimension_numbers = #tpu.dot_dimension_numbers<[1], [0], [0], [1], [0, 0, 1, 1], [], []>, transpose_lhs_hint = false} : vector<196x196xf32>, vector<196x1xf32>, vector<196x1xf32> -> vector<196x1xf32>
    %add3A_510 = vector.broadcast %dot_general3A_509 : vector<196x1xf32> to vector<196x128xf32>
    %add3A_511 = arith.addf %dot_general3A_504, %add3A_510 : vector<196x128xf32>
    %lt3A_512 = vector.broadcast %sub3A_491 : f32 to vector<196x128xf32>
    %lt3A_513 = arith.cmpf olt, %add3A_511, %lt3A_512 : vector<196x128xf32>
    %and3A = arith.andi %eq3A_483, %lt3A_513 : vector<196x128xi1>
    %or3A_514 = arith.ori %gt3A_481, %and3A : vector<196x128xi1>
    %convert_element_type3A_515 = arith.extui %or3A_514 : vector<196x128xi1> to vector<196x128xi32>
    %convert_element_type3A_516 = arith.sitofp %convert_element_type3A_515 : vector<196x128xi32> to vector<196x128xf32>
    %dot_general3A_517 = arith.constant dense<0.000000e+00> : vector<196x128xf32>
    %dot_general3A_518 = tpu.matmul %convert_element_type3A_516, %convert_element_type3A_501, %dot_general3A_517 {dimension_numbers = #tpu.dot_dimension_numbers<[1], [0], [0], [1], [0, 0, 1, 1], [], []>, transpose_lhs_hint = false} : vector<196x128xf32>, vector<128x128xf32>, vector<196x128xf32> -> vector<196x128xf32>
    %reduce_sum3A_519 = arith.constant dense<0.000000e+00> : vector<196xf32>
    %reduce_sum3A_520 = vector.multi_reduction <add>, %convert_element_type3A_516, %reduce_sum3A_519 [1] : vector<196x128xf32> to vector<196xf32>
    %broadcast_in_dim3A_521 = vector.shape_cast %reduce_sum3A_520 : vector<196xf32> to vector<196x1xf32>
    %dot_general3A_522 = arith.constant dense<0.000000e+00> : vector<196x1xf32>
    %dot_general3A_523 = tpu.matmul %convert_element_type3A_496, %broadcast_in_dim3A_521, %dot_general3A_522 {dimension_numbers = #tpu.dot_dimension_numbers<[1], [0], [0], [1], [0, 0, 1, 1], [], []>, transpose_lhs_hint = false} : vector<196x196xf32>, vector<196x1xf32>, vector<196x1xf32> -> vector<196x1xf32>
    %add3A_524 = vector.broadcast %dot_general3A_523 : vector<196x1xf32> to vector<196x128xf32>
    %add3A_525 = arith.addf %dot_general3A_518, %add3A_524 : vector<196x128xf32>
    %convert_element_type3A_526 = arith.fptosi %add3A_525 : vector<196x128xf32> to vector<196x128xi32>
    %jit3A_527 = arith.constant -1 : i32
    %broadcast_in_dim3A_528 = vector.broadcast %jit3A_527 : i32 to vector<196x128xi32>
    %select_n3A_529 = arith.select %or3A_514, %convert_element_type3A_526, %broadcast_in_dim3A_528 : vector<196x128xi1>, vector<196x128xi32>
    %swap3A = arith.constant 0 : index
    %swap3A_530 = arith.constant 0 : index
    %swap3A_531 = vector.load %arg2[%swap3A, %swap3A_530] : memref<196x128xi32, #tpu.memory_space<vmem>>, vector<196x128xi32>
    tpu.vector_store %arg2[%swap3A, %swap3A_530], %select_n3A_529 {strides = array<i32>} : memref<196x128xi32, #tpu.memory_space<vmem>>, vector<196x128xi32>,
    %jit3A_532 = arith.constant 0xFF800000 : f32
    %broadcast_in_dim3A_533 = vector.broadcast %jit3A_532 : f32 to vector<196x128xf32>
    %select_n3A_534 = arith.select %or3A_514, %select_n3A_21, %broadcast_in_dim3A_533 : vector<196x128xi1>, vector<196x128xf32>
    %swap3A_535 = arith.constant 0 : index
    %swap3A_536 = arith.constant 0 : index
    %swap3A_537 = vector.load %arg3[%swap3A_535, %swap3A_536] : memref<196x128xf32, #tpu.memory_space<vmem>>, vector<196x128xf32>
    tpu.vector_store %arg3[%swap3A_535, %swap3A_536], %select_n3A_534 {strides = array<i32>} : memref<196x128xf32, #tpu.memory_space<vmem>>, vector<196x128xf32>,
    %iota3A_538 = tpu.iota {dimensions = array<i32: 1>} : vector<1x128xi32>
    %eq3A_539 = vector.broadcast %get3A_6 : i32 to vector<196x128xi32>
    %eq3A_540 = arith.cmpi eq, %add3A, %eq3A_539 : vector<196x128xi32>
    %jit3A_541 = arith.constant 0 : i32
    %broadcast_in_dim3A_542 = vector.broadcast %jit3A_541 : i32 to vector<196x128xi32>
    %select_n3A_543 = arith.select %eq3A_540, %select_n3A_529, %broadcast_in_dim3A_542 : vector<196x128xi1>, vector<196x128xi32>
    %reduce_sum3A_544 = vector.shape_cast %select_n3A_543 : vector<196x128xi32> to vector<1x196x128xi32>
    %reduce_sum3A_545 = arith.constant dense<0> : vector<1xi32>
    %reduce_sum3A_546 = vector.multi_reduction <add>, %reduce_sum3A_544, %reduce_sum3A_545 [1, 2] : vector<1x196x128xi32> to vector<1xi32>
    %reduce_sum3A_547 = vector.shape_cast %reduce_sum3A_546 : vector<1xi32> to vector<1x1x1xi32>
    %reduce_sum3A_548 = vector.extract %reduce_sum3A_547[0, 0, 0] : i32 from vector<1x1x1xi32>
    %eq3A_549 = vector.broadcast %get3A_8 : i32 to vector<196x128xi32>
    %eq3A_550 = arith.cmpi eq, %add3A, %eq3A_549 : vector<196x128xi32>
    %jit3A_551 = arith.constant 0 : i32
    %broadcast_in_dim3A_552 = vector.broadcast %jit3A_551 : i32 to vector<196x128xi32>
    %select_n3A_553 = arith.select %eq3A_550, %select_n3A_529, %broadcast_in_dim3A_552 : vector<196x128xi1>, vector<196x128xi32>
    %reduce_sum3A_554 = vector.shape_cast %select_n3A_553 : vector<196x128xi32> to vector<1x196x128xi32>
    %reduce_sum3A_555 = arith.constant dense<0> : vector<1xi32>
    %reduce_sum3A_556 = vector.multi_reduction <add>, %reduce_sum3A_554, %reduce_sum3A_555 [1, 2] : vector<1x196x128xi32> to vector<1xi32>
    %reduce_sum3A_557 = vector.shape_cast %reduce_sum3A_556 : vector<1xi32> to vector<1x1x1xi32>
    %reduce_sum3A_558 = vector.extract %reduce_sum3A_557[0, 0, 0] : i32 from vector<1x1x1xi32>
    %eq3A_559 = vector.broadcast %get3A_10 : i32 to vector<196x128xi32>
    %eq3A_560 = arith.cmpi eq, %add3A, %eq3A_559 : vector<196x128xi32>
    %jit3A_561 = arith.constant 0 : i32
    %broadcast_in_dim3A_562 = vector.broadcast %jit3A_561 : i32 to vector<196x128xi32>
    %select_n3A_563 = arith.select %eq3A_560, %select_n3A_529, %broadcast_in_dim3A_562 : vector<196x128xi1>, vector<196x128xi32>
    %reduce_sum3A_564 = vector.shape_cast %select_n3A_563 : vector<196x128xi32> to vector<1x196x128xi32>
    %reduce_sum3A_565 = arith.constant dense<0> : vector<1xi32>
    %reduce_sum3A_566 = vector.multi_reduction <add>, %reduce_sum3A_564, %reduce_sum3A_565 [1, 2] : vector<1x196x128xi32> to vector<1xi32>
    %reduce_sum3A_567 = vector.shape_cast %reduce_sum3A_566 : vector<1xi32> to vector<1x1x1xi32>
    %reduce_sum3A_568 = vector.extract %reduce_sum3A_567[0, 0, 0] : i32 from vector<1x1x1xi32>
    %eq3A_569 = arith.constant 0 : i32
    %eq3A_570 = vector.broadcast %eq3A_569 : i32 to vector<1x128xi32>
    %eq3A_571 = arith.cmpi eq, %iota3A_538, %eq3A_570 : vector<1x128xi32>
    %eq3A_572 = arith.constant 1 : i32
    %eq3A_573 = vector.broadcast %eq3A_572 : i32 to vector<1x128xi32>
    %eq3A_574 = arith.cmpi eq, %iota3A_538, %eq3A_573 : vector<1x128xi32>
    %eq3A_575 = arith.constant 2 : i32
    %eq3A_576 = vector.broadcast %eq3A_575 : i32 to vector<1x128xi32>
    %eq3A_577 = arith.cmpi eq, %iota3A_538, %eq3A_576 : vector<1x128xi32>
    %jit3A_578 = arith.constant 0 : i32
    %broadcast_in_dim3A_579 = vector.broadcast %reduce_sum3A_568 : i32 to vector<1x128xi32>
    %broadcast_in_dim3A_580 = vector.broadcast %jit3A_578 : i32 to vector<1x128xi32>
    %select_n3A_581 = arith.select %eq3A_577, %broadcast_in_dim3A_579, %broadcast_in_dim3A_580 : vector<1x128xi1>, vector<1x128xi32>
    %broadcast_in_dim3A_582 = vector.broadcast %reduce_sum3A_558 : i32 to vector<1x128xi32>
    %select_n3A_583 = arith.select %eq3A_574, %broadcast_in_dim3A_582, %select_n3A_581 : vector<1x128xi1>, vector<1x128xi32>
    %broadcast_in_dim3A_584 = vector.broadcast %reduce_sum3A_548 : i32 to vector<1x128xi32>
    %select_n3A_585 = arith.select %eq3A_571, %broadcast_in_dim3A_584, %select_n3A_583 : vector<1x128xi1>, vector<1x128xi32>
    %swap3A_586 = arith.constant 0 : index
    %swap3A_587 = arith.constant 0 : index
    %swap3A_588 = vector.load %arg4[%swap3A_586, %swap3A_587] : memref<1x128xi32, #tpu.memory_space<vmem>>, vector<1x128xi32>
    tpu.vector_store %arg4[%swap3A_586, %swap3A_587], %select_n3A_585 {strides = array<i32>} : memref<1x128xi32, #tpu.memory_space<vmem>>, vector<1x128xi32>,
    return
  }
}

module attributes {stable_mosaic.version = 14 : i64} {
  func.func @_topk_body(%arg0: memref<98x128xf32, #tpu.memory_space<vmem>>, %arg1: memref<3xi32, #tpu.memory_space<smem>>, %arg2: memref<98x128xi32, #tpu.memory_space<vmem>>, %arg3: memref<98x128xf32, #tpu.memory_space<vmem>>, %arg4: memref<1x128xi32, #tpu.memory_space<vmem>>) attributes {dimension_semantics = [], scalar_prefetch = 0 : i64, scratch_operands = 0 : i64, tpu.core_type = #tpu.core_type<tc>} {
    %get3A = arith.constant 0 : index
    %get3A_0 = arith.constant 0 : index
    %get3A_1 = vector.load %arg0[%get3A, %get3A_0] : memref<98x128xf32, #tpu.memory_space<vmem>>, vector<98x128xf32>
    %iota3A = tpu.iota {dimensions = array<i32: 0>} : vector<98x128xi32>
    %mul3A = arith.constant 128 : i32
    %mul3A_2 = vector.broadcast %mul3A : i32 to vector<98x128xi32>
    %mul3A_3 = arith.muli %iota3A, %mul3A_2 : vector<98x128xi32>
    %iota3A_4 = tpu.iota {dimensions = array<i32: 1>} : vector<98x128xi32>
    %add3A = arith.addi %mul3A_3, %iota3A_4 : vector<98x128xi32>
    %get3A_5 = arith.constant 0 : index
    %get3A_6 = memref.load %arg1[%get3A_5] : memref<3xi32, #tpu.memory_space<smem>>
    %get3A_7 = arith.constant 1 : index
    %get3A_8 = memref.load %arg1[%get3A_7] : memref<3xi32, #tpu.memory_space<smem>>
    %get3A_9 = arith.constant 2 : index
    %get3A_10 = memref.load %arg1[%get3A_9] : memref<3xi32, #tpu.memory_space<smem>>
    %eq3A = vector.broadcast %get3A_6 : i32 to vector<98x128xi32>
    %eq3A_11 = arith.cmpi eq, %add3A, %eq3A : vector<98x128xi32>
    %eq3A_12 = vector.broadcast %get3A_8 : i32 to vector<98x128xi32>
    %eq3A_13 = arith.cmpi eq, %add3A, %eq3A_12 : vector<98x128xi32>
    %or3A = arith.ori %eq3A_11, %eq3A_13 : vector<98x128xi1>
    %eq3A_14 = vector.broadcast %get3A_10 : i32 to vector<98x128xi32>
    %eq3A_15 = arith.cmpi eq, %add3A, %eq3A_14 : vector<98x128xi32>
    %or3A_16 = arith.ori %or3A, %eq3A_15 : vector<98x128xi1>
    %jit3A = arith.constant 1.000000e+09 : f32
    %broadcast_in_dim3A = vector.broadcast %jit3A : f32 to vector<98x128xf32>
    %select_n3A = arith.select %or3A_16, %broadcast_in_dim3A, %get3A_1 : vector<98x128xi1>, vector<98x128xf32>
    %ge3A = arith.constant 12500 : i32
    %ge3A_17 = vector.broadcast %ge3A : i32 to vector<98x128xi32>
    %ge3A_18 = arith.cmpi sge, %add3A, %ge3A_17 : vector<98x128xi32>
    %jit3A_19 = arith.constant 0xFF800000 : f32
    %broadcast_in_dim3A_20 = vector.broadcast %jit3A_19 : f32 to vector<98x128xf32>
    %select_n3A_21 = arith.select %ge3A_18, %broadcast_in_dim3A_20, %select_n3A : vector<98x128xi1>, vector<98x128xf32>
    %eq3A_22 = arith.constant 0.000000e+00 : f32
    %eq3A_23 = vector.broadcast %eq3A_22 : f32 to vector<98x128xf32>
    %eq3A_24 = arith.cmpf oeq, %select_n3A_21, %eq3A_23 : vector<98x128xf32>
    %jit3A_25 = arith.constant 0.000000e+00 : f32
    %broadcast_in_dim3A_26 = vector.broadcast %jit3A_25 : f32 to vector<98x128xf32>
    %select_n3A_27 = arith.select %eq3A_24, %broadcast_in_dim3A_26, %select_n3A_21 : vector<98x128xi1>, vector<98x128xf32>
    %bitcast_convert_type3A = tpu.bitcast %select_n3A_27 : vector<98x128xf32> -> vector<98x128xi32>
    %lt3A = arith.constant 0 : i32
    %lt3A_28 = vector.broadcast %lt3A : i32 to vector<98x128xi32>
    %lt3A_29 = arith.cmpi slt, %bitcast_convert_type3A, %lt3A_28 : vector<98x128xi32>
    %not3A = arith.constant dense<-1> : vector<98x128xi32>
    %not3A_30 = arith.xori %bitcast_convert_type3A, %not3A : vector<98x128xi32>
    %xor3A = arith.constant -2147483648 : i32
    %xor3A_31 = vector.broadcast %xor3A : i32 to vector<98x128xi32>
    %xor3A_32 = arith.xori %not3A_30, %xor3A_31 : vector<98x128xi32>
    %select_n3A_33 = arith.select %lt3A_29, %xor3A_32, %bitcast_convert_type3A : vector<98x128xi1>, vector<98x128xi32>
    %ge3A_34 = arith.constant 0 : i32
    %ge3A_35 = vector.broadcast %ge3A_34 : i32 to vector<98x128xi32>
    %ge3A_36 = arith.cmpi sge, %select_n3A_33, %ge3A_35 : vector<98x128xi32>
    %convert_element_type3A = arith.extui %ge3A_36 : vector<98x128xi1> to vector<98x128xi32>
    %convert_element_type3A_37 = arith.sitofp %convert_element_type3A : vector<98x128xi32> to vector<98x128xf32>
    %reduce_sum3A = vector.shape_cast %convert_element_type3A_37 : vector<98x128xf32> to vector<1x98x128xf32>
    %reduce_sum3A_38 = arith.constant dense<0.000000e+00> : vector<1xf32>
    %reduce_sum3A_39 = vector.multi_reduction <add>, %reduce_sum3A, %reduce_sum3A_38 [1, 2] : vector<1x98x128xf32> to vector<1xf32>
    %reduce_sum3A_40 = vector.shape_cast %reduce_sum3A_39 : vector<1xf32> to vector<1x1x1xf32>
    %reduce_sum3A_41 = vector.extract %reduce_sum3A_40[0, 0, 0] : f32 from vector<1x1x1xf32>
    %ge3A_42 = arith.constant 6.250000e+03 : f32
    %ge3A_43 = arith.cmpf oge, %reduce_sum3A_41, %ge3A_42 : f32
    %jit3A_44 = arith.constant 0 : i32
    %jit3A_45 = arith.constant -2147483648 : i32
    %select_n3A_46 = arith.select %ge3A_43, %jit3A_44, %jit3A_45 : i32
    %add3A_47 = arith.constant 1073741824 : i32
    %add3A_48 = arith.addi %select_n3A_46, %add3A_47 : i32
    %ge3A_49 = vector.broadcast %add3A_48 : i32 to vector<98x128xi32>
    %ge3A_50 = arith.cmpi sge, %select_n3A_33, %ge3A_49 : vector<98x128xi32>
    %convert_element_type3A_51 = arith.extui %ge3A_50 : vector<98x128xi1> to vector<98x128xi32>
    %convert_element_type3A_52 = arith.sitofp %convert_element_type3A_51 : vector<98x128xi32> to vector<98x128xf32>
    %reduce_sum3A_53 = vector.shape_cast %convert_element_type3A_52 : vector<98x128xf32> to vector<1x98x128xf32>
    %reduce_sum3A_54 = arith.constant dense<0.000000e+00> : vector<1xf32>
    %reduce_sum3A_55 = vector.multi_reduction <add>, %reduce_sum3A_53, %reduce_sum3A_54 [1, 2] : vector<1x98x128xf32> to vector<1xf32>
    %reduce_sum3A_56 = vector.shape_cast %reduce_sum3A_55 : vector<1xf32> to vector<1x1x1xf32>
    %reduce_sum3A_57 = vector.extract %reduce_sum3A_56[0, 0, 0] : f32 from vector<1x1x1xf32>
    %ge3A_58 = arith.constant 6.250000e+03 : f32
    %ge3A_59 = arith.cmpf oge, %reduce_sum3A_57, %ge3A_58 : f32
    %select_n3A_60 = arith.select %ge3A_59, %add3A_48, %select_n3A_46 : i32
    %add3A_61 = arith.constant 536870912 : i32
    %add3A_62 = arith.addi %select_n3A_60, %add3A_61 : i32
    %ge3A_63 = vector.broadcast %add3A_62 : i32 to vector<98x128xi32>
    %ge3A_64 = arith.cmpi sge, %select_n3A_33, %ge3A_63 : vector<98x128xi32>
    %convert_element_type3A_65 = arith.extui %ge3A_64 : vector<98x128xi1> to vector<98x128xi32>
    %convert_element_type3A_66 = arith.sitofp %convert_element_type3A_65 : vector<98x128xi32> to vector<98x128xf32>
    %reduce_sum3A_67 = vector.shape_cast %convert_element_type3A_66 : vector<98x128xf32> to vector<1x98x128xf32>
    %reduce_sum3A_68 = arith.constant dense<0.000000e+00> : vector<1xf32>
    %reduce_sum3A_69 = vector.multi_reduction <add>, %reduce_sum3A_67, %reduce_sum3A_68 [1, 2] : vector<1x98x128xf32> to vector<1xf32>
    %reduce_sum3A_70 = vector.shape_cast %reduce_sum3A_69 : vector<1xf32> to vector<1x1x1xf32>
    %reduce_sum3A_71 = vector.extract %reduce_sum3A_70[0, 0, 0] : f32 from vector<1x1x1xf32>
    %ge3A_72 = arith.constant 6.250000e+03 : f32
    %ge3A_73 = arith.cmpf oge, %reduce_sum3A_71, %ge3A_72 : f32
    %select_n3A_74 = arith.select %ge3A_73, %add3A_62, %select_n3A_60 : i32
    %add3A_75 = arith.constant 268435456 : i32
    %add3A_76 = arith.addi %select_n3A_74, %add3A_75 : i32
    %ge3A_77 = vector.broadcast %add3A_76 : i32 to vector<98x128xi32>
    %ge3A_78 = arith.cmpi sge, %select_n3A_33, %ge3A_77 : vector<98x128xi32>
    %convert_element_type3A_79 = arith.extui %ge3A_78 : vector<98x128xi1> to vector<98x128xi32>
    %convert_element_type3A_80 = arith.sitofp %convert_element_type3A_79 : vector<98x128xi32> to vector<98x128xf32>
    %reduce_sum3A_81 = vector.shape_cast %convert_element_type3A_80 : vector<98x128xf32> to vector<1x98x128xf32>
    %reduce_sum3A_82 = arith.constant dense<0.000000e+00> : vector<1xf32>
    %reduce_sum3A_83 = vector.multi_reduction <add>, %reduce_sum3A_81, %reduce_sum3A_82 [1, 2] : vector<1x98x128xf32> to vector<1xf32>
    %reduce_sum3A_84 = vector.shape_cast %reduce_sum3A_83 : vector<1xf32> to vector<1x1x1xf32>
    %reduce_sum3A_85 = vector.extract %reduce_sum3A_84[0, 0, 0] : f32 from vector<1x1x1xf32>
    %ge3A_86 = arith.constant 6.250000e+03 : f32
    %ge3A_87 = arith.cmpf oge, %reduce_sum3A_85, %ge3A_86 : f32
    %select_n3A_88 = arith.select %ge3A_87, %add3A_76, %select_n3A_74 : i32
    %add3A_89 = arith.constant 134217728 : i32
    %add3A_90 = arith.addi %select_n3A_88, %add3A_89 : i32
    %ge3A_91 = vector.broadcast %add3A_90 : i32 to vector<98x128xi32>
    %ge3A_92 = arith.cmpi sge, %select_n3A_33, %ge3A_91 : vector<98x128xi32>
    %convert_element_type3A_93 = arith.extui %ge3A_92 : vector<98x128xi1> to vector<98x128xi32>
    %convert_element_type3A_94 = arith.sitofp %convert_element_type3A_93 : vector<98x128xi32> to vector<98x128xf32>
    %reduce_sum3A_95 = vector.shape_cast %convert_element_type3A_94 : vector<98x128xf32> to vector<1x98x128xf32>
    %reduce_sum3A_96 = arith.constant dense<0.000000e+00> : vector<1xf32>
    %reduce_sum3A_97 = vector.multi_reduction <add>, %reduce_sum3A_95, %reduce_sum3A_96 [1, 2] : vector<1x98x128xf32> to vector<1xf32>
    %reduce_sum3A_98 = vector.shape_cast %reduce_sum3A_97 : vector<1xf32> to vector<1x1x1xf32>
    %reduce_sum3A_99 = vector.extract %reduce_sum3A_98[0, 0, 0] : f32 from vector<1x1x1xf32>
    %ge3A_100 = arith.constant 6.250000e+03 : f32
    %ge3A_101 = arith.cmpf oge, %reduce_sum3A_99, %ge3A_100 : f32
    %select_n3A_102 = arith.select %ge3A_101, %add3A_90, %select_n3A_88 : i32
    %add3A_103 = arith.constant 67108864 : i32
    %add3A_104 = arith.addi %select_n3A_102, %add3A_103 : i32
    %ge3A_105 = vector.broadcast %add3A_104 : i32 to vector<98x128xi32>
    %ge3A_106 = arith.cmpi sge, %select_n3A_33, %ge3A_105 : vector<98x128xi32>
    %convert_element_type3A_107 = arith.extui %ge3A_106 : vector<98x128xi1> to vector<98x128xi32>
    %convert_element_type3A_108 = arith.sitofp %convert_element_type3A_107 : vector<98x128xi32> to vector<98x128xf32>
    %reduce_sum3A_109 = vector.shape_cast %convert_element_type3A_108 : vector<98x128xf32> to vector<1x98x128xf32>
    %reduce_sum3A_110 = arith.constant dense<0.000000e+00> : vector<1xf32>
    %reduce_sum3A_111 = vector.multi_reduction <add>, %reduce_sum3A_109, %reduce_sum3A_110 [1, 2] : vector<1x98x128xf32> to vector<1xf32>
    %reduce_sum3A_112 = vector.shape_cast %reduce_sum3A_111 : vector<1xf32> to vector<1x1x1xf32>
    %reduce_sum3A_113 = vector.extract %reduce_sum3A_112[0, 0, 0] : f32 from vector<1x1x1xf32>
    %ge3A_114 = arith.constant 6.250000e+03 : f32
    %ge3A_115 = arith.cmpf oge, %reduce_sum3A_113, %ge3A_114 : f32
    %select_n3A_116 = arith.select %ge3A_115, %add3A_104, %select_n3A_102 : i32
    %add3A_117 = arith.constant 33554432 : i32
    %add3A_118 = arith.addi %select_n3A_116, %add3A_117 : i32
    %ge3A_119 = vector.broadcast %add3A_118 : i32 to vector<98x128xi32>
    %ge3A_120 = arith.cmpi sge, %select_n3A_33, %ge3A_119 : vector<98x128xi32>
    %convert_element_type3A_121 = arith.extui %ge3A_120 : vector<98x128xi1> to vector<98x128xi32>
    %convert_element_type3A_122 = arith.sitofp %convert_element_type3A_121 : vector<98x128xi32> to vector<98x128xf32>
    %reduce_sum3A_123 = vector.shape_cast %convert_element_type3A_122 : vector<98x128xf32> to vector<1x98x128xf32>
    %reduce_sum3A_124 = arith.constant dense<0.000000e+00> : vector<1xf32>
    %reduce_sum3A_125 = vector.multi_reduction <add>, %reduce_sum3A_123, %reduce_sum3A_124 [1, 2] : vector<1x98x128xf32> to vector<1xf32>
    %reduce_sum3A_126 = vector.shape_cast %reduce_sum3A_125 : vector<1xf32> to vector<1x1x1xf32>
    %reduce_sum3A_127 = vector.extract %reduce_sum3A_126[0, 0, 0] : f32 from vector<1x1x1xf32>
    %ge3A_128 = arith.constant 6.250000e+03 : f32
    %ge3A_129 = arith.cmpf oge, %reduce_sum3A_127, %ge3A_128 : f32
    %select_n3A_130 = arith.select %ge3A_129, %add3A_118, %select_n3A_116 : i32
    %add3A_131 = arith.constant 16777216 : i32
    %add3A_132 = arith.addi %select_n3A_130, %add3A_131 : i32
    %ge3A_133 = vector.broadcast %add3A_132 : i32 to vector<98x128xi32>
    %ge3A_134 = arith.cmpi sge, %select_n3A_33, %ge3A_133 : vector<98x128xi32>
    %convert_element_type3A_135 = arith.extui %ge3A_134 : vector<98x128xi1> to vector<98x128xi32>
    %convert_element_type3A_136 = arith.sitofp %convert_element_type3A_135 : vector<98x128xi32> to vector<98x128xf32>
    %reduce_sum3A_137 = vector.shape_cast %convert_element_type3A_136 : vector<98x128xf32> to vector<1x98x128xf32>
    %reduce_sum3A_138 = arith.constant dense<0.000000e+00> : vector<1xf32>
    %reduce_sum3A_139 = vector.multi_reduction <add>, %reduce_sum3A_137, %reduce_sum3A_138 [1, 2] : vector<1x98x128xf32> to vector<1xf32>
    %reduce_sum3A_140 = vector.shape_cast %reduce_sum3A_139 : vector<1xf32> to vector<1x1x1xf32>
    %reduce_sum3A_141 = vector.extract %reduce_sum3A_140[0, 0, 0] : f32 from vector<1x1x1xf32>
    %ge3A_142 = arith.constant 6.250000e+03 : f32
    %ge3A_143 = arith.cmpf oge, %reduce_sum3A_141, %ge3A_142 : f32
    %select_n3A_144 = arith.select %ge3A_143, %add3A_132, %select_n3A_130 : i32
    %add3A_145 = arith.constant 8388608 : i32
    %add3A_146 = arith.addi %select_n3A_144, %add3A_145 : i32
    %ge3A_147 = vector.broadcast %add3A_146 : i32 to vector<98x128xi32>
    %ge3A_148 = arith.cmpi sge, %select_n3A_33, %ge3A_147 : vector<98x128xi32>
    %convert_element_type3A_149 = arith.extui %ge3A_148 : vector<98x128xi1> to vector<98x128xi32>
    %convert_element_type3A_150 = arith.sitofp %convert_element_type3A_149 : vector<98x128xi32> to vector<98x128xf32>
    %reduce_sum3A_151 = vector.shape_cast %convert_element_type3A_150 : vector<98x128xf32> to vector<1x98x128xf32>
    %reduce_sum3A_152 = arith.constant dense<0.000000e+00> : vector<1xf32>
    %reduce_sum3A_153 = vector.multi_reduction <add>, %reduce_sum3A_151, %reduce_sum3A_152 [1, 2] : vector<1x98x128xf32> to vector<1xf32>
    %reduce_sum3A_154 = vector.shape_cast %reduce_sum3A_153 : vector<1xf32> to vector<1x1x1xf32>
    %reduce_sum3A_155 = vector.extract %reduce_sum3A_154[0, 0, 0] : f32 from vector<1x1x1xf32>
    %ge3A_156 = arith.constant 6.250000e+03 : f32
    %ge3A_157 = arith.cmpf oge, %reduce_sum3A_155, %ge3A_156 : f32
    %select_n3A_158 = arith.select %ge3A_157, %add3A_146, %select_n3A_144 : i32
    %add3A_159 = arith.constant 4194304 : i32
    %add3A_160 = arith.addi %select_n3A_158, %add3A_159 : i32
    %ge3A_161 = vector.broadcast %add3A_160 : i32 to vector<98x128xi32>
    %ge3A_162 = arith.cmpi sge, %select_n3A_33, %ge3A_161 : vector<98x128xi32>
    %convert_element_type3A_163 = arith.extui %ge3A_162 : vector<98x128xi1> to vector<98x128xi32>
    %convert_element_type3A_164 = arith.sitofp %convert_element_type3A_163 : vector<98x128xi32> to vector<98x128xf32>
    %reduce_sum3A_165 = vector.shape_cast %convert_element_type3A_164 : vector<98x128xf32> to vector<1x98x128xf32>
    %reduce_sum3A_166 = arith.constant dense<0.000000e+00> : vector<1xf32>
    %reduce_sum3A_167 = vector.multi_reduction <add>, %reduce_sum3A_165, %reduce_sum3A_166 [1, 2] : vector<1x98x128xf32> to vector<1xf32>
    %reduce_sum3A_168 = vector.shape_cast %reduce_sum3A_167 : vector<1xf32> to vector<1x1x1xf32>
    %reduce_sum3A_169 = vector.extract %reduce_sum3A_168[0, 0, 0] : f32 from vector<1x1x1xf32>
    %ge3A_170 = arith.constant 6.250000e+03 : f32
    %ge3A_171 = arith.cmpf oge, %reduce_sum3A_169, %ge3A_170 : f32
    %select_n3A_172 = arith.select %ge3A_171, %add3A_160, %select_n3A_158 : i32
    %add3A_173 = arith.constant 2097152 : i32
    %add3A_174 = arith.addi %select_n3A_172, %add3A_173 : i32
    %ge3A_175 = vector.broadcast %add3A_174 : i32 to vector<98x128xi32>
    %ge3A_176 = arith.cmpi sge, %select_n3A_33, %ge3A_175 : vector<98x128xi32>
    %convert_element_type3A_177 = arith.extui %ge3A_176 : vector<98x128xi1> to vector<98x128xi32>
    %convert_element_type3A_178 = arith.sitofp %convert_element_type3A_177 : vector<98x128xi32> to vector<98x128xf32>
    %reduce_sum3A_179 = vector.shape_cast %convert_element_type3A_178 : vector<98x128xf32> to vector<1x98x128xf32>
    %reduce_sum3A_180 = arith.constant dense<0.000000e+00> : vector<1xf32>
    %reduce_sum3A_181 = vector.multi_reduction <add>, %reduce_sum3A_179, %reduce_sum3A_180 [1, 2] : vector<1x98x128xf32> to vector<1xf32>
    %reduce_sum3A_182 = vector.shape_cast %reduce_sum3A_181 : vector<1xf32> to vector<1x1x1xf32>
    %reduce_sum3A_183 = vector.extract %reduce_sum3A_182[0, 0, 0] : f32 from vector<1x1x1xf32>
    %ge3A_184 = arith.constant 6.250000e+03 : f32
    %ge3A_185 = arith.cmpf oge, %reduce_sum3A_183, %ge3A_184 : f32
    %select_n3A_186 = arith.select %ge3A_185, %add3A_174, %select_n3A_172 : i32
    %add3A_187 = arith.constant 1048576 : i32
    %add3A_188 = arith.addi %select_n3A_186, %add3A_187 : i32
    %ge3A_189 = vector.broadcast %add3A_188 : i32 to vector<98x128xi32>
    %ge3A_190 = arith.cmpi sge, %select_n3A_33, %ge3A_189 : vector<98x128xi32>
    %convert_element_type3A_191 = arith.extui %ge3A_190 : vector<98x128xi1> to vector<98x128xi32>
    %convert_element_type3A_192 = arith.sitofp %convert_element_type3A_191 : vector<98x128xi32> to vector<98x128xf32>
    %reduce_sum3A_193 = vector.shape_cast %convert_element_type3A_192 : vector<98x128xf32> to vector<1x98x128xf32>
    %reduce_sum3A_194 = arith.constant dense<0.000000e+00> : vector<1xf32>
    %reduce_sum3A_195 = vector.multi_reduction <add>, %reduce_sum3A_193, %reduce_sum3A_194 [1, 2] : vector<1x98x128xf32> to vector<1xf32>
    %reduce_sum3A_196 = vector.shape_cast %reduce_sum3A_195 : vector<1xf32> to vector<1x1x1xf32>
    %reduce_sum3A_197 = vector.extract %reduce_sum3A_196[0, 0, 0] : f32 from vector<1x1x1xf32>
    %ge3A_198 = arith.constant 6.250000e+03 : f32
    %ge3A_199 = arith.cmpf oge, %reduce_sum3A_197, %ge3A_198 : f32
    %select_n3A_200 = arith.select %ge3A_199, %add3A_188, %select_n3A_186 : i32
    %add3A_201 = arith.constant 524288 : i32
    %add3A_202 = arith.addi %select_n3A_200, %add3A_201 : i32
    %ge3A_203 = vector.broadcast %add3A_202 : i32 to vector<98x128xi32>
    %ge3A_204 = arith.cmpi sge, %select_n3A_33, %ge3A_203 : vector<98x128xi32>
    %convert_element_type3A_205 = arith.extui %ge3A_204 : vector<98x128xi1> to vector<98x128xi32>
    %convert_element_type3A_206 = arith.sitofp %convert_element_type3A_205 : vector<98x128xi32> to vector<98x128xf32>
    %reduce_sum3A_207 = vector.shape_cast %convert_element_type3A_206 : vector<98x128xf32> to vector<1x98x128xf32>
    %reduce_sum3A_208 = arith.constant dense<0.000000e+00> : vector<1xf32>
    %reduce_sum3A_209 = vector.multi_reduction <add>, %reduce_sum3A_207, %reduce_sum3A_208 [1, 2] : vector<1x98x128xf32> to vector<1xf32>
    %reduce_sum3A_210 = vector.shape_cast %reduce_sum3A_209 : vector<1xf32> to vector<1x1x1xf32>
    %reduce_sum3A_211 = vector.extract %reduce_sum3A_210[0, 0, 0] : f32 from vector<1x1x1xf32>
    %ge3A_212 = arith.constant 6.250000e+03 : f32
    %ge3A_213 = arith.cmpf oge, %reduce_sum3A_211, %ge3A_212 : f32
    %select_n3A_214 = arith.select %ge3A_213, %add3A_202, %select_n3A_200 : i32
    %add3A_215 = arith.constant 262144 : i32
    %add3A_216 = arith.addi %select_n3A_214, %add3A_215 : i32
    %ge3A_217 = vector.broadcast %add3A_216 : i32 to vector<98x128xi32>
    %ge3A_218 = arith.cmpi sge, %select_n3A_33, %ge3A_217 : vector<98x128xi32>
    %convert_element_type3A_219 = arith.extui %ge3A_218 : vector<98x128xi1> to vector<98x128xi32>
    %convert_element_type3A_220 = arith.sitofp %convert_element_type3A_219 : vector<98x128xi32> to vector<98x128xf32>
    %reduce_sum3A_221 = vector.shape_cast %convert_element_type3A_220 : vector<98x128xf32> to vector<1x98x128xf32>
    %reduce_sum3A_222 = arith.constant dense<0.000000e+00> : vector<1xf32>
    %reduce_sum3A_223 = vector.multi_reduction <add>, %reduce_sum3A_221, %reduce_sum3A_222 [1, 2] : vector<1x98x128xf32> to vector<1xf32>
    %reduce_sum3A_224 = vector.shape_cast %reduce_sum3A_223 : vector<1xf32> to vector<1x1x1xf32>
    %reduce_sum3A_225 = vector.extract %reduce_sum3A_224[0, 0, 0] : f32 from vector<1x1x1xf32>
    %ge3A_226 = arith.constant 6.250000e+03 : f32
    %ge3A_227 = arith.cmpf oge, %reduce_sum3A_225, %ge3A_226 : f32
    %select_n3A_228 = arith.select %ge3A_227, %add3A_216, %select_n3A_214 : i32
    %add3A_229 = arith.constant 131072 : i32
    %add3A_230 = arith.addi %select_n3A_228, %add3A_229 : i32
    %ge3A_231 = vector.broadcast %add3A_230 : i32 to vector<98x128xi32>
    %ge3A_232 = arith.cmpi sge, %select_n3A_33, %ge3A_231 : vector<98x128xi32>
    %convert_element_type3A_233 = arith.extui %ge3A_232 : vector<98x128xi1> to vector<98x128xi32>
    %convert_element_type3A_234 = arith.sitofp %convert_element_type3A_233 : vector<98x128xi32> to vector<98x128xf32>
    %reduce_sum3A_235 = vector.shape_cast %convert_element_type3A_234 : vector<98x128xf32> to vector<1x98x128xf32>
    %reduce_sum3A_236 = arith.constant dense<0.000000e+00> : vector<1xf32>
    %reduce_sum3A_237 = vector.multi_reduction <add>, %reduce_sum3A_235, %reduce_sum3A_236 [1, 2] : vector<1x98x128xf32> to vector<1xf32>
    %reduce_sum3A_238 = vector.shape_cast %reduce_sum3A_237 : vector<1xf32> to vector<1x1x1xf32>
    %reduce_sum3A_239 = vector.extract %reduce_sum3A_238[0, 0, 0] : f32 from vector<1x1x1xf32>
    %ge3A_240 = arith.constant 6.250000e+03 : f32
    %ge3A_241 = arith.cmpf oge, %reduce_sum3A_239, %ge3A_240 : f32
    %select_n3A_242 = arith.select %ge3A_241, %add3A_230, %select_n3A_228 : i32
    %add3A_243 = arith.constant 65536 : i32
    %add3A_244 = arith.addi %select_n3A_242, %add3A_243 : i32
    %ge3A_245 = vector.broadcast %add3A_244 : i32 to vector<98x128xi32>
    %ge3A_246 = arith.cmpi sge, %select_n3A_33, %ge3A_245 : vector<98x128xi32>
    %convert_element_type3A_247 = arith.extui %ge3A_246 : vector<98x128xi1> to vector<98x128xi32>
    %convert_element_type3A_248 = arith.sitofp %convert_element_type3A_247 : vector<98x128xi32> to vector<98x128xf32>
    %reduce_sum3A_249 = vector.shape_cast %convert_element_type3A_248 : vector<98x128xf32> to vector<1x98x128xf32>
    %reduce_sum3A_250 = arith.constant dense<0.000000e+00> : vector<1xf32>
    %reduce_sum3A_251 = vector.multi_reduction <add>, %reduce_sum3A_249, %reduce_sum3A_250 [1, 2] : vector<1x98x128xf32> to vector<1xf32>
    %reduce_sum3A_252 = vector.shape_cast %reduce_sum3A_251 : vector<1xf32> to vector<1x1x1xf32>
    %reduce_sum3A_253 = vector.extract %reduce_sum3A_252[0, 0, 0] : f32 from vector<1x1x1xf32>
    %ge3A_254 = arith.constant 6.250000e+03 : f32
    %ge3A_255 = arith.cmpf oge, %reduce_sum3A_253, %ge3A_254 : f32
    %select_n3A_256 = arith.select %ge3A_255, %add3A_244, %select_n3A_242 : i32
    %add3A_257 = arith.constant 32768 : i32
    %add3A_258 = arith.addi %select_n3A_256, %add3A_257 : i32
    %ge3A_259 = vector.broadcast %add3A_258 : i32 to vector<98x128xi32>
    %ge3A_260 = arith.cmpi sge, %select_n3A_33, %ge3A_259 : vector<98x128xi32>
    %convert_element_type3A_261 = arith.extui %ge3A_260 : vector<98x128xi1> to vector<98x128xi32>
    %convert_element_type3A_262 = arith.sitofp %convert_element_type3A_261 : vector<98x128xi32> to vector<98x128xf32>
    %reduce_sum3A_263 = vector.shape_cast %convert_element_type3A_262 : vector<98x128xf32> to vector<1x98x128xf32>
    %reduce_sum3A_264 = arith.constant dense<0.000000e+00> : vector<1xf32>
    %reduce_sum3A_265 = vector.multi_reduction <add>, %reduce_sum3A_263, %reduce_sum3A_264 [1, 2] : vector<1x98x128xf32> to vector<1xf32>
    %reduce_sum3A_266 = vector.shape_cast %reduce_sum3A_265 : vector<1xf32> to vector<1x1x1xf32>
    %reduce_sum3A_267 = vector.extract %reduce_sum3A_266[0, 0, 0] : f32 from vector<1x1x1xf32>
    %ge3A_268 = arith.constant 6.250000e+03 : f32
    %ge3A_269 = arith.cmpf oge, %reduce_sum3A_267, %ge3A_268 : f32
    %select_n3A_270 = arith.select %ge3A_269, %add3A_258, %select_n3A_256 : i32
    %add3A_271 = arith.constant 16384 : i32
    %add3A_272 = arith.addi %select_n3A_270, %add3A_271 : i32
    %ge3A_273 = vector.broadcast %add3A_272 : i32 to vector<98x128xi32>
    %ge3A_274 = arith.cmpi sge, %select_n3A_33, %ge3A_273 : vector<98x128xi32>
    %convert_element_type3A_275 = arith.extui %ge3A_274 : vector<98x128xi1> to vector<98x128xi32>
    %convert_element_type3A_276 = arith.sitofp %convert_element_type3A_275 : vector<98x128xi32> to vector<98x128xf32>
    %reduce_sum3A_277 = vector.shape_cast %convert_element_type3A_276 : vector<98x128xf32> to vector<1x98x128xf32>
    %reduce_sum3A_278 = arith.constant dense<0.000000e+00> : vector<1xf32>
    %reduce_sum3A_279 = vector.multi_reduction <add>, %reduce_sum3A_277, %reduce_sum3A_278 [1, 2] : vector<1x98x128xf32> to vector<1xf32>
    %reduce_sum3A_280 = vector.shape_cast %reduce_sum3A_279 : vector<1xf32> to vector<1x1x1xf32>
    %reduce_sum3A_281 = vector.extract %reduce_sum3A_280[0, 0, 0] : f32 from vector<1x1x1xf32>
    %ge3A_282 = arith.constant 6.250000e+03 : f32
    %ge3A_283 = arith.cmpf oge, %reduce_sum3A_281, %ge3A_282 : f32
    %select_n3A_284 = arith.select %ge3A_283, %add3A_272, %select_n3A_270 : i32
    %add3A_285 = arith.constant 8192 : i32
    %add3A_286 = arith.addi %select_n3A_284, %add3A_285 : i32
    %ge3A_287 = vector.broadcast %add3A_286 : i32 to vector<98x128xi32>
    %ge3A_288 = arith.cmpi sge, %select_n3A_33, %ge3A_287 : vector<98x128xi32>
    %convert_element_type3A_289 = arith.extui %ge3A_288 : vector<98x128xi1> to vector<98x128xi32>
    %convert_element_type3A_290 = arith.sitofp %convert_element_type3A_289 : vector<98x128xi32> to vector<98x128xf32>
    %reduce_sum3A_291 = vector.shape_cast %convert_element_type3A_290 : vector<98x128xf32> to vector<1x98x128xf32>
    %reduce_sum3A_292 = arith.constant dense<0.000000e+00> : vector<1xf32>
    %reduce_sum3A_293 = vector.multi_reduction <add>, %reduce_sum3A_291, %reduce_sum3A_292 [1, 2] : vector<1x98x128xf32> to vector<1xf32>
    %reduce_sum3A_294 = vector.shape_cast %reduce_sum3A_293 : vector<1xf32> to vector<1x1x1xf32>
    %reduce_sum3A_295 = vector.extract %reduce_sum3A_294[0, 0, 0] : f32 from vector<1x1x1xf32>
    %ge3A_296 = arith.constant 6.250000e+03 : f32
    %ge3A_297 = arith.cmpf oge, %reduce_sum3A_295, %ge3A_296 : f32
    %select_n3A_298 = arith.select %ge3A_297, %add3A_286, %select_n3A_284 : i32
    %add3A_299 = arith.constant 4096 : i32
    %add3A_300 = arith.addi %select_n3A_298, %add3A_299 : i32
    %ge3A_301 = vector.broadcast %add3A_300 : i32 to vector<98x128xi32>
    %ge3A_302 = arith.cmpi sge, %select_n3A_33, %ge3A_301 : vector<98x128xi32>
    %convert_element_type3A_303 = arith.extui %ge3A_302 : vector<98x128xi1> to vector<98x128xi32>
    %convert_element_type3A_304 = arith.sitofp %convert_element_type3A_303 : vector<98x128xi32> to vector<98x128xf32>
    %reduce_sum3A_305 = vector.shape_cast %convert_element_type3A_304 : vector<98x128xf32> to vector<1x98x128xf32>
    %reduce_sum3A_306 = arith.constant dense<0.000000e+00> : vector<1xf32>
    %reduce_sum3A_307 = vector.multi_reduction <add>, %reduce_sum3A_305, %reduce_sum3A_306 [1, 2] : vector<1x98x128xf32> to vector<1xf32>
    %reduce_sum3A_308 = vector.shape_cast %reduce_sum3A_307 : vector<1xf32> to vector<1x1x1xf32>
    %reduce_sum3A_309 = vector.extract %reduce_sum3A_308[0, 0, 0] : f32 from vector<1x1x1xf32>
    %ge3A_310 = arith.constant 6.250000e+03 : f32
    %ge3A_311 = arith.cmpf oge, %reduce_sum3A_309, %ge3A_310 : f32
    %select_n3A_312 = arith.select %ge3A_311, %add3A_300, %select_n3A_298 : i32
    %add3A_313 = arith.constant 2048 : i32
    %add3A_314 = arith.addi %select_n3A_312, %add3A_313 : i32
    %ge3A_315 = vector.broadcast %add3A_314 : i32 to vector<98x128xi32>
    %ge3A_316 = arith.cmpi sge, %select_n3A_33, %ge3A_315 : vector<98x128xi32>
    %convert_element_type3A_317 = arith.extui %ge3A_316 : vector<98x128xi1> to vector<98x128xi32>
    %convert_element_type3A_318 = arith.sitofp %convert_element_type3A_317 : vector<98x128xi32> to vector<98x128xf32>
    %reduce_sum3A_319 = vector.shape_cast %convert_element_type3A_318 : vector<98x128xf32> to vector<1x98x128xf32>
    %reduce_sum3A_320 = arith.constant dense<0.000000e+00> : vector<1xf32>
    %reduce_sum3A_321 = vector.multi_reduction <add>, %reduce_sum3A_319, %reduce_sum3A_320 [1, 2] : vector<1x98x128xf32> to vector<1xf32>
    %reduce_sum3A_322 = vector.shape_cast %reduce_sum3A_321 : vector<1xf32> to vector<1x1x1xf32>
    %reduce_sum3A_323 = vector.extract %reduce_sum3A_322[0, 0, 0] : f32 from vector<1x1x1xf32>
    %ge3A_324 = arith.constant 6.250000e+03 : f32
    %ge3A_325 = arith.cmpf oge, %reduce_sum3A_323, %ge3A_324 : f32
    %select_n3A_326 = arith.select %ge3A_325, %add3A_314, %select_n3A_312 : i32
    %add3A_327 = arith.constant 1024 : i32
    %add3A_328 = arith.addi %select_n3A_326, %add3A_327 : i32
    %ge3A_329 = vector.broadcast %add3A_328 : i32 to vector<98x128xi32>
    %ge3A_330 = arith.cmpi sge, %select_n3A_33, %ge3A_329 : vector<98x128xi32>
    %convert_element_type3A_331 = arith.extui %ge3A_330 : vector<98x128xi1> to vector<98x128xi32>
    %convert_element_type3A_332 = arith.sitofp %convert_element_type3A_331 : vector<98x128xi32> to vector<98x128xf32>
    %reduce_sum3A_333 = vector.shape_cast %convert_element_type3A_332 : vector<98x128xf32> to vector<1x98x128xf32>
    %reduce_sum3A_334 = arith.constant dense<0.000000e+00> : vector<1xf32>
    %reduce_sum3A_335 = vector.multi_reduction <add>, %reduce_sum3A_333, %reduce_sum3A_334 [1, 2] : vector<1x98x128xf32> to vector<1xf32>
    %reduce_sum3A_336 = vector.shape_cast %reduce_sum3A_335 : vector<1xf32> to vector<1x1x1xf32>
    %reduce_sum3A_337 = vector.extract %reduce_sum3A_336[0, 0, 0] : f32 from vector<1x1x1xf32>
    %ge3A_338 = arith.constant 6.250000e+03 : f32
    %ge3A_339 = arith.cmpf oge, %reduce_sum3A_337, %ge3A_338 : f32
    %select_n3A_340 = arith.select %ge3A_339, %add3A_328, %select_n3A_326 : i32
    %add3A_341 = arith.constant 512 : i32
    %add3A_342 = arith.addi %select_n3A_340, %add3A_341 : i32
    %ge3A_343 = vector.broadcast %add3A_342 : i32 to vector<98x128xi32>
    %ge3A_344 = arith.cmpi sge, %select_n3A_33, %ge3A_343 : vector<98x128xi32>
    %convert_element_type3A_345 = arith.extui %ge3A_344 : vector<98x128xi1> to vector<98x128xi32>
    %convert_element_type3A_346 = arith.sitofp %convert_element_type3A_345 : vector<98x128xi32> to vector<98x128xf32>
    %reduce_sum3A_347 = vector.shape_cast %convert_element_type3A_346 : vector<98x128xf32> to vector<1x98x128xf32>
    %reduce_sum3A_348 = arith.constant dense<0.000000e+00> : vector<1xf32>
    %reduce_sum3A_349 = vector.multi_reduction <add>, %reduce_sum3A_347, %reduce_sum3A_348 [1, 2] : vector<1x98x128xf32> to vector<1xf32>
    %reduce_sum3A_350 = vector.shape_cast %reduce_sum3A_349 : vector<1xf32> to vector<1x1x1xf32>
    %reduce_sum3A_351 = vector.extract %reduce_sum3A_350[0, 0, 0] : f32 from vector<1x1x1xf32>
    %ge3A_352 = arith.constant 6.250000e+03 : f32
    %ge3A_353 = arith.cmpf oge, %reduce_sum3A_351, %ge3A_352 : f32
    %select_n3A_354 = arith.select %ge3A_353, %add3A_342, %select_n3A_340 : i32
    %add3A_355 = arith.constant 256 : i32
    %add3A_356 = arith.addi %select_n3A_354, %add3A_355 : i32
    %ge3A_357 = vector.broadcast %add3A_356 : i32 to vector<98x128xi32>
    %ge3A_358 = arith.cmpi sge, %select_n3A_33, %ge3A_357 : vector<98x128xi32>
    %convert_element_type3A_359 = arith.extui %ge3A_358 : vector<98x128xi1> to vector<98x128xi32>
    %convert_element_type3A_360 = arith.sitofp %convert_element_type3A_359 : vector<98x128xi32> to vector<98x128xf32>
    %reduce_sum3A_361 = vector.shape_cast %convert_element_type3A_360 : vector<98x128xf32> to vector<1x98x128xf32>
    %reduce_sum3A_362 = arith.constant dense<0.000000e+00> : vector<1xf32>
    %reduce_sum3A_363 = vector.multi_reduction <add>, %reduce_sum3A_361, %reduce_sum3A_362 [1, 2] : vector<1x98x128xf32> to vector<1xf32>
    %reduce_sum3A_364 = vector.shape_cast %reduce_sum3A_363 : vector<1xf32> to vector<1x1x1xf32>
    %reduce_sum3A_365 = vector.extract %reduce_sum3A_364[0, 0, 0] : f32 from vector<1x1x1xf32>
    %ge3A_366 = arith.constant 6.250000e+03 : f32
    %ge3A_367 = arith.cmpf oge, %reduce_sum3A_365, %ge3A_366 : f32
    %select_n3A_368 = arith.select %ge3A_367, %add3A_356, %select_n3A_354 : i32
    %add3A_369 = arith.constant 128 : i32
    %add3A_370 = arith.addi %select_n3A_368, %add3A_369 : i32
    %ge3A_371 = vector.broadcast %add3A_370 : i32 to vector<98x128xi32>
    %ge3A_372 = arith.cmpi sge, %select_n3A_33, %ge3A_371 : vector<98x128xi32>
    %convert_element_type3A_373 = arith.extui %ge3A_372 : vector<98x128xi1> to vector<98x128xi32>
    %convert_element_type3A_374 = arith.sitofp %convert_element_type3A_373 : vector<98x128xi32> to vector<98x128xf32>
    %reduce_sum3A_375 = vector.shape_cast %convert_element_type3A_374 : vector<98x128xf32> to vector<1x98x128xf32>
    %reduce_sum3A_376 = arith.constant dense<0.000000e+00> : vector<1xf32>
    %reduce_sum3A_377 = vector.multi_reduction <add>, %reduce_sum3A_375, %reduce_sum3A_376 [1, 2] : vector<1x98x128xf32> to vector<1xf32>
    %reduce_sum3A_378 = vector.shape_cast %reduce_sum3A_377 : vector<1xf32> to vector<1x1x1xf32>
    %reduce_sum3A_379 = vector.extract %reduce_sum3A_378[0, 0, 0] : f32 from vector<1x1x1xf32>
    %ge3A_380 = arith.constant 6.250000e+03 : f32
    %ge3A_381 = arith.cmpf oge, %reduce_sum3A_379, %ge3A_380 : f32
    %select_n3A_382 = arith.select %ge3A_381, %add3A_370, %select_n3A_368 : i32
    %add3A_383 = arith.constant 64 : i32
    %add3A_384 = arith.addi %select_n3A_382, %add3A_383 : i32
    %ge3A_385 = vector.broadcast %add3A_384 : i32 to vector<98x128xi32>
    %ge3A_386 = arith.cmpi sge, %select_n3A_33, %ge3A_385 : vector<98x128xi32>
    %convert_element_type3A_387 = arith.extui %ge3A_386 : vector<98x128xi1> to vector<98x128xi32>
    %convert_element_type3A_388 = arith.sitofp %convert_element_type3A_387 : vector<98x128xi32> to vector<98x128xf32>
    %reduce_sum3A_389 = vector.shape_cast %convert_element_type3A_388 : vector<98x128xf32> to vector<1x98x128xf32>
    %reduce_sum3A_390 = arith.constant dense<0.000000e+00> : vector<1xf32>
    %reduce_sum3A_391 = vector.multi_reduction <add>, %reduce_sum3A_389, %reduce_sum3A_390 [1, 2] : vector<1x98x128xf32> to vector<1xf32>
    %reduce_sum3A_392 = vector.shape_cast %reduce_sum3A_391 : vector<1xf32> to vector<1x1x1xf32>
    %reduce_sum3A_393 = vector.extract %reduce_sum3A_392[0, 0, 0] : f32 from vector<1x1x1xf32>
    %ge3A_394 = arith.constant 6.250000e+03 : f32
    %ge3A_395 = arith.cmpf oge, %reduce_sum3A_393, %ge3A_394 : f32
    %select_n3A_396 = arith.select %ge3A_395, %add3A_384, %select_n3A_382 : i32
    %add3A_397 = arith.constant 32 : i32
    %add3A_398 = arith.addi %select_n3A_396, %add3A_397 : i32
    %ge3A_399 = vector.broadcast %add3A_398 : i32 to vector<98x128xi32>
    %ge3A_400 = arith.cmpi sge, %select_n3A_33, %ge3A_399 : vector<98x128xi32>
    %convert_element_type3A_401 = arith.extui %ge3A_400 : vector<98x128xi1> to vector<98x128xi32>
    %convert_element_type3A_402 = arith.sitofp %convert_element_type3A_401 : vector<98x128xi32> to vector<98x128xf32>
    %reduce_sum3A_403 = vector.shape_cast %convert_element_type3A_402 : vector<98x128xf32> to vector<1x98x128xf32>
    %reduce_sum3A_404 = arith.constant dense<0.000000e+00> : vector<1xf32>
    %reduce_sum3A_405 = vector.multi_reduction <add>, %reduce_sum3A_403, %reduce_sum3A_404 [1, 2] : vector<1x98x128xf32> to vector<1xf32>
    %reduce_sum3A_406 = vector.shape_cast %reduce_sum3A_405 : vector<1xf32> to vector<1x1x1xf32>
    %reduce_sum3A_407 = vector.extract %reduce_sum3A_406[0, 0, 0] : f32 from vector<1x1x1xf32>
    %ge3A_408 = arith.constant 6.250000e+03 : f32
    %ge3A_409 = arith.cmpf oge, %reduce_sum3A_407, %ge3A_408 : f32
    %select_n3A_410 = arith.select %ge3A_409, %add3A_398, %select_n3A_396 : i32
    %add3A_411 = arith.constant 16 : i32
    %add3A_412 = arith.addi %select_n3A_410, %add3A_411 : i32
    %ge3A_413 = vector.broadcast %add3A_412 : i32 to vector<98x128xi32>
    %ge3A_414 = arith.cmpi sge, %select_n3A_33, %ge3A_413 : vector<98x128xi32>
    %convert_element_type3A_415 = arith.extui %ge3A_414 : vector<98x128xi1> to vector<98x128xi32>
    %convert_element_type3A_416 = arith.sitofp %convert_element_type3A_415 : vector<98x128xi32> to vector<98x128xf32>
    %reduce_sum3A_417 = vector.shape_cast %convert_element_type3A_416 : vector<98x128xf32> to vector<1x98x128xf32>
    %reduce_sum3A_418 = arith.constant dense<0.000000e+00> : vector<1xf32>
    %reduce_sum3A_419 = vector.multi_reduction <add>, %reduce_sum3A_417, %reduce_sum3A_418 [1, 2] : vector<1x98x128xf32> to vector<1xf32>
    %reduce_sum3A_420 = vector.shape_cast %reduce_sum3A_419 : vector<1xf32> to vector<1x1x1xf32>
    %reduce_sum3A_421 = vector.extract %reduce_sum3A_420[0, 0, 0] : f32 from vector<1x1x1xf32>
    %ge3A_422 = arith.constant 6.250000e+03 : f32
    %ge3A_423 = arith.cmpf oge, %reduce_sum3A_421, %ge3A_422 : f32
    %select_n3A_424 = arith.select %ge3A_423, %add3A_412, %select_n3A_410 : i32
    %add3A_425 = arith.constant 8 : i32
    %add3A_426 = arith.addi %select_n3A_424, %add3A_425 : i32
    %ge3A_427 = vector.broadcast %add3A_426 : i32 to vector<98x128xi32>
    %ge3A_428 = arith.cmpi sge, %select_n3A_33, %ge3A_427 : vector<98x128xi32>
    %convert_element_type3A_429 = arith.extui %ge3A_428 : vector<98x128xi1> to vector<98x128xi32>
    %convert_element_type3A_430 = arith.sitofp %convert_element_type3A_429 : vector<98x128xi32> to vector<98x128xf32>
    %reduce_sum3A_431 = vector.shape_cast %convert_element_type3A_430 : vector<98x128xf32> to vector<1x98x128xf32>
    %reduce_sum3A_432 = arith.constant dense<0.000000e+00> : vector<1xf32>
    %reduce_sum3A_433 = vector.multi_reduction <add>, %reduce_sum3A_431, %reduce_sum3A_432 [1, 2] : vector<1x98x128xf32> to vector<1xf32>
    %reduce_sum3A_434 = vector.shape_cast %reduce_sum3A_433 : vector<1xf32> to vector<1x1x1xf32>
    %reduce_sum3A_435 = vector.extract %reduce_sum3A_434[0, 0, 0] : f32 from vector<1x1x1xf32>
    %ge3A_436 = arith.constant 6.250000e+03 : f32
    %ge3A_437 = arith.cmpf oge, %reduce_sum3A_435, %ge3A_436 : f32
    %select_n3A_438 = arith.select %ge3A_437, %add3A_426, %select_n3A_424 : i32
    %add3A_439 = arith.constant 4 : i32
    %add3A_440 = arith.addi %select_n3A_438, %add3A_439 : i32
    %ge3A_441 = vector.broadcast %add3A_440 : i32 to vector<98x128xi32>
    %ge3A_442 = arith.cmpi sge, %select_n3A_33, %ge3A_441 : vector<98x128xi32>
    %convert_element_type3A_443 = arith.extui %ge3A_442 : vector<98x128xi1> to vector<98x128xi32>
    %convert_element_type3A_444 = arith.sitofp %convert_element_type3A_443 : vector<98x128xi32> to vector<98x128xf32>
    %reduce_sum3A_445 = vector.shape_cast %convert_element_type3A_444 : vector<98x128xf32> to vector<1x98x128xf32>
    %reduce_sum3A_446 = arith.constant dense<0.000000e+00> : vector<1xf32>
    %reduce_sum3A_447 = vector.multi_reduction <add>, %reduce_sum3A_445, %reduce_sum3A_446 [1, 2] : vector<1x98x128xf32> to vector<1xf32>
    %reduce_sum3A_448 = vector.shape_cast %reduce_sum3A_447 : vector<1xf32> to vector<1x1x1xf32>
    %reduce_sum3A_449 = vector.extract %reduce_sum3A_448[0, 0, 0] : f32 from vector<1x1x1xf32>
    %ge3A_450 = arith.constant 6.250000e+03 : f32
    %ge3A_451 = arith.cmpf oge, %reduce_sum3A_449, %ge3A_450 : f32
    %select_n3A_452 = arith.select %ge3A_451, %add3A_440, %select_n3A_438 : i32
    %add3A_453 = arith.constant 2 : i32
    %add3A_454 = arith.addi %select_n3A_452, %add3A_453 : i32
    %ge3A_455 = vector.broadcast %add3A_454 : i32 to vector<98x128xi32>
    %ge3A_456 = arith.cmpi sge, %select_n3A_33, %ge3A_455 : vector<98x128xi32>
    %convert_element_type3A_457 = arith.extui %ge3A_456 : vector<98x128xi1> to vector<98x128xi32>
    %convert_element_type3A_458 = arith.sitofp %convert_element_type3A_457 : vector<98x128xi32> to vector<98x128xf32>
    %reduce_sum3A_459 = vector.shape_cast %convert_element_type3A_458 : vector<98x128xf32> to vector<1x98x128xf32>
    %reduce_sum3A_460 = arith.constant dense<0.000000e+00> : vector<1xf32>
    %reduce_sum3A_461 = vector.multi_reduction <add>, %reduce_sum3A_459, %reduce_sum3A_460 [1, 2] : vector<1x98x128xf32> to vector<1xf32>
    %reduce_sum3A_462 = vector.shape_cast %reduce_sum3A_461 : vector<1xf32> to vector<1x1x1xf32>
    %reduce_sum3A_463 = vector.extract %reduce_sum3A_462[0, 0, 0] : f32 from vector<1x1x1xf32>
    %ge3A_464 = arith.constant 6.250000e+03 : f32
    %ge3A_465 = arith.cmpf oge, %reduce_sum3A_463, %ge3A_464 : f32
    %select_n3A_466 = arith.select %ge3A_465, %add3A_454, %select_n3A_452 : i32
    %add3A_467 = arith.constant 1 : i32
    %add3A_468 = arith.addi %select_n3A_466, %add3A_467 : i32
    %ge3A_469 = vector.broadcast %add3A_468 : i32 to vector<98x128xi32>
    %ge3A_470 = arith.cmpi sge, %select_n3A_33, %ge3A_469 : vector<98x128xi32>
    %convert_element_type3A_471 = arith.extui %ge3A_470 : vector<98x128xi1> to vector<98x128xi32>
    %convert_element_type3A_472 = arith.sitofp %convert_element_type3A_471 : vector<98x128xi32> to vector<98x128xf32>
    %reduce_sum3A_473 = vector.shape_cast %convert_element_type3A_472 : vector<98x128xf32> to vector<1x98x128xf32>
    %reduce_sum3A_474 = arith.constant dense<0.000000e+00> : vector<1xf32>
    %reduce_sum3A_475 = vector.multi_reduction <add>, %reduce_sum3A_473, %reduce_sum3A_474 [1, 2] : vector<1x98x128xf32> to vector<1xf32>
    %reduce_sum3A_476 = vector.shape_cast %reduce_sum3A_475 : vector<1xf32> to vector<1x1x1xf32>
    %reduce_sum3A_477 = vector.extract %reduce_sum3A_476[0, 0, 0] : f32 from vector<1x1x1xf32>
    %ge3A_478 = arith.constant 6.250000e+03 : f32
    %ge3A_479 = arith.cmpf oge, %reduce_sum3A_477, %ge3A_478 : f32
    %select_n3A_480 = arith.select %ge3A_479, %add3A_468, %select_n3A_466 : i32
    %gt3A = vector.broadcast %select_n3A_480 : i32 to vector<98x128xi32>
    %gt3A_481 = arith.cmpi sgt, %select_n3A_33, %gt3A : vector<98x128xi32>
    %eq3A_482 = vector.broadcast %select_n3A_480 : i32 to vector<98x128xi32>
    %eq3A_483 = arith.cmpi eq, %select_n3A_33, %eq3A_482 : vector<98x128xi32>
    %convert_element_type3A_484 = arith.extui %gt3A_481 : vector<98x128xi1> to vector<98x128xi32>
    %convert_element_type3A_485 = arith.sitofp %convert_element_type3A_484 : vector<98x128xi32> to vector<98x128xf32>
    %reduce_sum3A_486 = vector.shape_cast %convert_element_type3A_485 : vector<98x128xf32> to vector<1x98x128xf32>
    %reduce_sum3A_487 = arith.constant dense<0.000000e+00> : vector<1xf32>
    %reduce_sum3A_488 = vector.multi_reduction <add>, %reduce_sum3A_486, %reduce_sum3A_487 [1, 2] : vector<1x98x128xf32> to vector<1xf32>
    %reduce_sum3A_489 = vector.shape_cast %reduce_sum3A_488 : vector<1xf32> to vector<1x1x1xf32>
    %reduce_sum3A_490 = vector.extract %reduce_sum3A_489[0, 0, 0] : f32 from vector<1x1x1xf32>
    %sub3A = arith.constant 6.250000e+03 : f32
    %sub3A_491 = arith.subf %sub3A, %reduce_sum3A_490 : f32
    %iota3A_492 = tpu.iota {dimensions = array<i32: 0>} : vector<98x98xi32>
    %iota3A_493 = tpu.iota {dimensions = array<i32: 1>} : vector<98x98xi32>
    %gt3A_494 = arith.cmpi sgt, %iota3A_492, %iota3A_493 : vector<98x98xi32>
    %convert_element_type3A_495 = arith.extui %gt3A_494 : vector<98x98xi1> to vector<98x98xi32>
    %convert_element_type3A_496 = arith.sitofp %convert_element_type3A_495 : vector<98x98xi32> to vector<98x98xf32>
    %iota3A_497 = tpu.iota {dimensions = array<i32: 0>} : vector<128x128xi32>
    %iota3A_498 = tpu.iota {dimensions = array<i32: 1>} : vector<128x128xi32>
    %lt3A_499 = arith.cmpi slt, %iota3A_497, %iota3A_498 : vector<128x128xi32>
    %convert_element_type3A_500 = arith.extui %lt3A_499 : vector<128x128xi1> to vector<128x128xi32>
    %convert_element_type3A_501 = arith.sitofp %convert_element_type3A_500 : vector<128x128xi32> to vector<128x128xf32>
    %convert_element_type3A_502 = arith.extui %eq3A_483 : vector<98x128xi1> to vector<98x128xi32>
    %convert_element_type3A_503 = arith.sitofp %convert_element_type3A_502 : vector<98x128xi32> to vector<98x128xf32>
    %dot_general3A = arith.constant dense<0.000000e+00> : vector<98x128xf32>
    %dot_general3A_504 = tpu.matmul %convert_element_type3A_503, %convert_element_type3A_501, %dot_general3A {dimension_numbers = #tpu.dot_dimension_numbers<[1], [0], [0], [1], [0, 0, 1, 1], [], []>, transpose_lhs_hint = false} : vector<98x128xf32>, vector<128x128xf32>, vector<98x128xf32> -> vector<98x128xf32>
    %reduce_sum3A_505 = arith.constant dense<0.000000e+00> : vector<98xf32>
    %reduce_sum3A_506 = vector.multi_reduction <add>, %convert_element_type3A_503, %reduce_sum3A_505 [1] : vector<98x128xf32> to vector<98xf32>
    %broadcast_in_dim3A_507 = vector.shape_cast %reduce_sum3A_506 : vector<98xf32> to vector<98x1xf32>
    %dot_general3A_508 = arith.constant dense<0.000000e+00> : vector<98x1xf32>
    %dot_general3A_509 = tpu.matmul %convert_element_type3A_496, %broadcast_in_dim3A_507, %dot_general3A_508 {dimension_numbers = #tpu.dot_dimension_numbers<[1], [0], [0], [1], [0, 0, 1, 1], [], []>, transpose_lhs_hint = false} : vector<98x98xf32>, vector<98x1xf32>, vector<98x1xf32> -> vector<98x1xf32>
    %add3A_510 = vector.broadcast %dot_general3A_509 : vector<98x1xf32> to vector<98x128xf32>
    %add3A_511 = arith.addf %dot_general3A_504, %add3A_510 : vector<98x128xf32>
    %lt3A_512 = vector.broadcast %sub3A_491 : f32 to vector<98x128xf32>
    %lt3A_513 = arith.cmpf olt, %add3A_511, %lt3A_512 : vector<98x128xf32>
    %and3A = arith.andi %eq3A_483, %lt3A_513 : vector<98x128xi1>
    %or3A_514 = arith.ori %gt3A_481, %and3A : vector<98x128xi1>
    %convert_element_type3A_515 = arith.extui %or3A_514 : vector<98x128xi1> to vector<98x128xi32>
    %convert_element_type3A_516 = arith.sitofp %convert_element_type3A_515 : vector<98x128xi32> to vector<98x128xf32>
    %dot_general3A_517 = arith.constant dense<0.000000e+00> : vector<98x128xf32>
    %dot_general3A_518 = tpu.matmul %convert_element_type3A_516, %convert_element_type3A_501, %dot_general3A_517 {dimension_numbers = #tpu.dot_dimension_numbers<[1], [0], [0], [1], [0, 0, 1, 1], [], []>, transpose_lhs_hint = false} : vector<98x128xf32>, vector<128x128xf32>, vector<98x128xf32> -> vector<98x128xf32>
    %reduce_sum3A_519 = arith.constant dense<0.000000e+00> : vector<98xf32>
    %reduce_sum3A_520 = vector.multi_reduction <add>, %convert_element_type3A_516, %reduce_sum3A_519 [1] : vector<98x128xf32> to vector<98xf32>
    %broadcast_in_dim3A_521 = vector.shape_cast %reduce_sum3A_520 : vector<98xf32> to vector<98x1xf32>
    %dot_general3A_522 = arith.constant dense<0.000000e+00> : vector<98x1xf32>
    %dot_general3A_523 = tpu.matmul %convert_element_type3A_496, %broadcast_in_dim3A_521, %dot_general3A_522 {dimension_numbers = #tpu.dot_dimension_numbers<[1], [0], [0], [1], [0, 0, 1, 1], [], []>, transpose_lhs_hint = false} : vector<98x98xf32>, vector<98x1xf32>, vector<98x1xf32> -> vector<98x1xf32>
    %add3A_524 = vector.broadcast %dot_general3A_523 : vector<98x1xf32> to vector<98x128xf32>
    %add3A_525 = arith.addf %dot_general3A_518, %add3A_524 : vector<98x128xf32>
    %convert_element_type3A_526 = arith.fptosi %add3A_525 : vector<98x128xf32> to vector<98x128xi32>
    %jit3A_527 = arith.constant -1 : i32
    %broadcast_in_dim3A_528 = vector.broadcast %jit3A_527 : i32 to vector<98x128xi32>
    %select_n3A_529 = arith.select %or3A_514, %convert_element_type3A_526, %broadcast_in_dim3A_528 : vector<98x128xi1>, vector<98x128xi32>
    %swap3A = arith.constant 0 : index
    %swap3A_530 = arith.constant 0 : index
    %swap3A_531 = vector.load %arg2[%swap3A, %swap3A_530] : memref<98x128xi32, #tpu.memory_space<vmem>>, vector<98x128xi32>
    tpu.vector_store %arg2[%swap3A, %swap3A_530], %select_n3A_529 {strides = array<i32>} : memref<98x128xi32, #tpu.memory_space<vmem>>, vector<98x128xi32>,
    %jit3A_532 = arith.constant 0xFF800000 : f32
    %broadcast_in_dim3A_533 = vector.broadcast %jit3A_532 : f32 to vector<98x128xf32>
    %select_n3A_534 = arith.select %or3A_514, %select_n3A_21, %broadcast_in_dim3A_533 : vector<98x128xi1>, vector<98x128xf32>
    %swap3A_535 = arith.constant 0 : index
    %swap3A_536 = arith.constant 0 : index
    %swap3A_537 = vector.load %arg3[%swap3A_535, %swap3A_536] : memref<98x128xf32, #tpu.memory_space<vmem>>, vector<98x128xf32>
    tpu.vector_store %arg3[%swap3A_535, %swap3A_536], %select_n3A_534 {strides = array<i32>} : memref<98x128xf32, #tpu.memory_space<vmem>>, vector<98x128xf32>,
    %iota3A_538 = tpu.iota {dimensions = array<i32: 1>} : vector<1x128xi32>
    %eq3A_539 = vector.broadcast %get3A_6 : i32 to vector<98x128xi32>
    %eq3A_540 = arith.cmpi eq, %add3A, %eq3A_539 : vector<98x128xi32>
    %jit3A_541 = arith.constant 0 : i32
    %broadcast_in_dim3A_542 = vector.broadcast %jit3A_541 : i32 to vector<98x128xi32>
    %select_n3A_543 = arith.select %eq3A_540, %select_n3A_529, %broadcast_in_dim3A_542 : vector<98x128xi1>, vector<98x128xi32>
    %reduce_sum3A_544 = vector.shape_cast %select_n3A_543 : vector<98x128xi32> to vector<1x98x128xi32>
    %reduce_sum3A_545 = arith.constant dense<0> : vector<1xi32>
    %reduce_sum3A_546 = vector.multi_reduction <add>, %reduce_sum3A_544, %reduce_sum3A_545 [1, 2] : vector<1x98x128xi32> to vector<1xi32>
    %reduce_sum3A_547 = vector.shape_cast %reduce_sum3A_546 : vector<1xi32> to vector<1x1x1xi32>
    %reduce_sum3A_548 = vector.extract %reduce_sum3A_547[0, 0, 0] : i32 from vector<1x1x1xi32>
    %eq3A_549 = vector.broadcast %get3A_8 : i32 to vector<98x128xi32>
    %eq3A_550 = arith.cmpi eq, %add3A, %eq3A_549 : vector<98x128xi32>
    %jit3A_551 = arith.constant 0 : i32
    %broadcast_in_dim3A_552 = vector.broadcast %jit3A_551 : i32 to vector<98x128xi32>
    %select_n3A_553 = arith.select %eq3A_550, %select_n3A_529, %broadcast_in_dim3A_552 : vector<98x128xi1>, vector<98x128xi32>
    %reduce_sum3A_554 = vector.shape_cast %select_n3A_553 : vector<98x128xi32> to vector<1x98x128xi32>
    %reduce_sum3A_555 = arith.constant dense<0> : vector<1xi32>
    %reduce_sum3A_556 = vector.multi_reduction <add>, %reduce_sum3A_554, %reduce_sum3A_555 [1, 2] : vector<1x98x128xi32> to vector<1xi32>
    %reduce_sum3A_557 = vector.shape_cast %reduce_sum3A_556 : vector<1xi32> to vector<1x1x1xi32>
    %reduce_sum3A_558 = vector.extract %reduce_sum3A_557[0, 0, 0] : i32 from vector<1x1x1xi32>
    %eq3A_559 = vector.broadcast %get3A_10 : i32 to vector<98x128xi32>
    %eq3A_560 = arith.cmpi eq, %add3A, %eq3A_559 : vector<98x128xi32>
    %jit3A_561 = arith.constant 0 : i32
    %broadcast_in_dim3A_562 = vector.broadcast %jit3A_561 : i32 to vector<98x128xi32>
    %select_n3A_563 = arith.select %eq3A_560, %select_n3A_529, %broadcast_in_dim3A_562 : vector<98x128xi1>, vector<98x128xi32>
    %reduce_sum3A_564 = vector.shape_cast %select_n3A_563 : vector<98x128xi32> to vector<1x98x128xi32>
    %reduce_sum3A_565 = arith.constant dense<0> : vector<1xi32>
    %reduce_sum3A_566 = vector.multi_reduction <add>, %reduce_sum3A_564, %reduce_sum3A_565 [1, 2] : vector<1x98x128xi32> to vector<1xi32>
    %reduce_sum3A_567 = vector.shape_cast %reduce_sum3A_566 : vector<1xi32> to vector<1x1x1xi32>
    %reduce_sum3A_568 = vector.extract %reduce_sum3A_567[0, 0, 0] : i32 from vector<1x1x1xi32>
    %eq3A_569 = arith.constant 0 : i32
    %eq3A_570 = vector.broadcast %eq3A_569 : i32 to vector<1x128xi32>
    %eq3A_571 = arith.cmpi eq, %iota3A_538, %eq3A_570 : vector<1x128xi32>
    %eq3A_572 = arith.constant 1 : i32
    %eq3A_573 = vector.broadcast %eq3A_572 : i32 to vector<1x128xi32>
    %eq3A_574 = arith.cmpi eq, %iota3A_538, %eq3A_573 : vector<1x128xi32>
    %eq3A_575 = arith.constant 2 : i32
    %eq3A_576 = vector.broadcast %eq3A_575 : i32 to vector<1x128xi32>
    %eq3A_577 = arith.cmpi eq, %iota3A_538, %eq3A_576 : vector<1x128xi32>
    %jit3A_578 = arith.constant 0 : i32
    %broadcast_in_dim3A_579 = vector.broadcast %reduce_sum3A_568 : i32 to vector<1x128xi32>
    %broadcast_in_dim3A_580 = vector.broadcast %jit3A_578 : i32 to vector<1x128xi32>
    %select_n3A_581 = arith.select %eq3A_577, %broadcast_in_dim3A_579, %broadcast_in_dim3A_580 : vector<1x128xi1>, vector<1x128xi32>
    %broadcast_in_dim3A_582 = vector.broadcast %reduce_sum3A_558 : i32 to vector<1x128xi32>
    %select_n3A_583 = arith.select %eq3A_574, %broadcast_in_dim3A_582, %select_n3A_581 : vector<1x128xi1>, vector<1x128xi32>
    %broadcast_in_dim3A_584 = vector.broadcast %reduce_sum3A_548 : i32 to vector<1x128xi32>
    %select_n3A_585 = arith.select %eq3A_571, %broadcast_in_dim3A_584, %select_n3A_583 : vector<1x128xi1>, vector<1x128xi32>
    %swap3A_586 = arith.constant 0 : index
    %swap3A_587 = arith.constant 0 : index
    %swap3A_588 = vector.load %arg4[%swap3A_586, %swap3A_587] : memref<1x128xi32, #tpu.memory_space<vmem>>, vector<1x128xi32>
    tpu.vector_store %arg4[%swap3A_586, %swap3A_587], %select_n3A_585 {strides = array<i32>} : memref<1x128xi32, #tpu.memory_space<vmem>>, vector<1x128xi32>,
    return
  }
}

</mosaic_0001>

<sc_bundles>
// kernel: gather_offload_async_start.1
scs
__scs_entry_jumppad:
0x0: {  	(pc) =	sbr.rel $0x88, $3  }
0x1: {  	(tag) =	ssettag $0x0;
	lr =	simm.s32 $0x1  }
0x2: {  	[smem:$0x3F85] =	sst lr;
	_ =	strace $0xD0000000  }
0x3: {  	_ = 	snop  }
0x4: {  	_ = 	snop  }
0x5: {  	_ = 	snop  }
0x6: {  	_ = 	snop  }
0x7: {  	_ = 	snop  }
__scs_overlays_trampoline_lowered:
0x8: {  	[smem:$0x3F94] =	sst s0  }
0x9: {  	[smem:$0x3F95] =	sst s1  }
0xa: {  	[smem:$0x3F96] =	sst s2  }
0xb: {  	[smem:$0x3F97] =	sst s3  }
0xc: {  	[smem:$0x3F98] =	sst s4  }
0xd: {  	[smem:$0x3F99] =	sst s5  }
0xe: {  	[smem:$0x3F9A] =	sst s6  }
0xf: {  	[smem:$0x3F9B] =	sst s7  }
0x10: {  	[smem:$0x3F9C] =	sst s8  }
0x11: {  	[smem:$0x3F9D] =	sst s9;
	s0 =	simm.s32 @!p0 $0x0  }
0x12: {  	s1 =	sld [smem:$0x3F83];
	s0 =	simm.s32 @p0 $0x1  }
0x13: {  	[smem:$0x3F9E] =	sst s0;
	s0 =	simm.s32 @!p1 $0x0  }
0x14: {  	s2 =	sld [smem:$0x3F82];
	s0 =	simm.s32 @p1 $0x1  }
0x15: {  	[smem:$0x3F9F] =	sst s0;
	s0 =	simm.s32 @!p2 $0x0  }
0x16: {  	s3 =	sld [smem:$0x3FDB];
	s0 =	simm.s32 @p2 $0x1  }
0x17: {  	s4 =	simm.s32 $0x1BF5;
	[smem:$0x3FA1] =	sst s0  }
0x18: {  	s0 =	sld [smem:$0x3F84];
	_ =	swait.ge [sflag:s4], $0x0  }
0x19: {  	s7 =	sld [smem:$0x3F85]  }
0x1a: {  	s8 =	sadd.s32 $0xFFFFE003, lr  }
0x1b: {  	s9 =	sadd.s32 $0xFFFFFEF7, lr;
	s5 =	simm.s32 $0xFFFFFFFF;
	p2 =	slt.u32 s8, $0xFFFFF086  }
0x1c: {  	p1 =	slt.u32 s9, $0xF7A;
	s5 =	simm.s32 @!p2 $0x0  }
0x1d: {  	s5 =	simm.s32 @p1 $0x1;
	p0 =	seq.s32 s7, s2  }
0x1e: {  	s7 =	smul.u32 @!p0 $0xF7A, s2;
	p2 =	seq.s32 @!p0 s5, $0x0  }
0x1f: {  	s9 =	smul.u32 $0xF7A, s1;
	s8 =	simm.s32 @!p0 $0x1BF5;
	p2 =	por !p2, p0  }
0x20: {  	[sflag:s8] =	ssyncset.s32 @!p0 $0xFFFFF086;
	s6 =	sadd.s32 @!p0 s3, s7;
	s7 =	simm.s32 @!p0 $0x108  }
0x21: {  	s3 =	sadd.s32 s3, s9;
	s6 =	sadd.s32 @!p0 $0x88, s6;
	s7 =	simm.s32 @p2 $0x1082  }
0x22: {  	[simem:s7], [sflag:s8] =	dma.local @!p0 [hbm:s6], $0xF7A  }
0x23: {  	s9 =	sor.u32 $0xD0000000, s2;
	s6 =	simm.s32 $0x108;
	_ =	swait.ge @!p0 [sflag:s8], $0x0  }
0x24: {  	s3 =	sadd.s32 $0x88, s3;
	s6 =	simm.s32 @!p1 $0x1082;
	[sflag:s4] =	ssyncset.s32 $0xFFFFF086  }
0x25: {  	[simem:s6], [sflag:s4] =	dma.local [hbm:s3], $0xF7A  }
0x26: {  	[smem:$0x3F85] =	sst s1;
	(tag) =	ssettag s2;
	_ =	strace s9  }
0x27: {  	s1 =	sld [smem:$0x3F95]  }
0x28: {  	s2 =	sld [smem:$0x3F96]  }
0x29: {  	s4 =	sld [smem:$0x3F98]  }
0x2a: {  	p0 =	seq.s32 s5, $0x0;
	s5 =	sld [smem:$0x3F99]  }
0x2b: {  	s6 =	sld [smem:$0x3F9A]  }
0x2c: {  	s7 =	sld [smem:$0x3F9B]  }
0x2d: {  	s3 =	simm.s32 $0x108;
	s8 =	sld [smem:$0x3F9C]  }
0x2e: {  	s3 =	simm.s32 @!p0 $0x1082;
	s9 =	sld [smem:$0x3F9D]  }
0x2f: {  	lr =	sadd.s32 s0, s3;
	s0 =	sld [smem:$0x3F94]  }
0x30: {  	s3 =	sld [smem:$0x3F97]  }
0x31: {  	[smem:$0x3FA0] =	sst s10  }
0x32: {  	s10 =	sld [smem:$0x3F9E];
	_ =	sdelay $0x3  }
0x33: {  	p0 =	seq.s32 s10, $0x1;
	s10 =	sld [smem:$0x3FA0];
	_ =	sdelay $0x3  }
0x34: {  	[smem:$0x3FA0] =	sst s10  }
0x35: {  	s10 =	sld [smem:$0x3F9F];
	_ =	sdelay $0x3  }
0x36: {  	p1 =	seq.s32 s10, $0x1;
	s10 =	sld [smem:$0x3FA0];
	_ =	sdelay $0x3  }
0x37: {  	[smem:$0x3FA0] =	sst s10  }
0x38: {  	s10 =	sld [smem:$0x3FA1]  }
0x39: {  	_ = 	snop;
	(pc) =	sbr.ind lr, $3  }
0x3a: {  	_ = 	snop  }
0x3b: {  	_ = 	snop  }
0x3c: {  	p2 =	seq.s32 s10, $0x1;
	s10 =	sld [smem:$0x3FA0]  }
0x3d: {  	_ =	shalt  }
0x3e: {  	_ =	shalt  }
0x3f: {  	_ =	shalt  }
0x40: {  	_ =	shalt  }
0x41: {  	_ =	shalt  }
0x42: {  	_ =	shalt  }
0x43: {  	_ =	shalt  }
0x44: {  	_ =	shalt  }
0x45: {  	_ =	shalt  }
0x46: {  	_ =	shalt  }
0x47: {  	_ =	shalt  }
0x48: {  	_ =	shalt  }
0x49: {  	_ =	shalt  }
0x4a: {  	_ =	shalt  }
0x4b: {  	_ =	shalt  }
0x4c: {  	_ =	shalt  }
0x4d: {  	_ =	shalt  }
0x4e: {  	_ =	shalt  }
0x4f: {  	_ =	shalt  }
0x50: {  	_ =	shalt  }
0x51: {  	_ =	shalt  }
0x52: {  	_ =	shalt  }
0x53: {  	_ =	shalt  }
0x54: {  	_ =	shalt  }
0x55: {  	_ =	shalt  }
0x56: {  	_ =	shalt  }
0x57: {  	_ =	shalt  }
0x58: {  	_ =	shalt  }
0x59: {  	_ =	shalt  }
0x5a: {  	_ =	shalt  }
0x5b: {  	_ =	shalt  }
0x5c: {  	_ =	shalt  }
0x5d: {  	_ =	shalt  }
0x5e: {  	_ =	shalt  }
0x5f: {  	_ =	shalt  }
0x60: {  	_ =	shalt  }
0x61: {  	_ =	shalt  }
0x62: {  	_ =	shalt  }
0x63: {  	_ =	shalt  }
0x64: {  	_ =	shalt  }
0x65: {  	_ =	shalt  }
0x66: {  	_ =	shalt  }
0x67: {  	_ =	shalt  }
0x68: {  	_ =	shalt  }
0x69: {  	_ =	shalt  }
0x6a: {  	_ =	shalt  }
0x6b: {  	_ =	shalt  }
0x6c: {  	_ =	shalt  }
0x6d: {  	_ =	shalt  }
0x6e: {  	_ =	shalt  }
0x6f: {  	_ =	shalt  }
0x70: {  	_ =	shalt  }
0x71: {  	_ =	shalt  }
0x72: {  	_ =	shalt  }
0x73: {  	_ =	shalt  }
0x74: {  	_ =	shalt  }
0x75: {  	_ =	shalt  }
0x76: {  	_ =	shalt  }
0x77: {  	_ =	shalt  }
0x78: {  	_ =	shalt  }
0x79: {  	_ =	shalt  }
0x7a: {  	_ =	shalt  }
0x7b: {  	_ =	shalt  }
0x7c: {  	_ =	shalt  }
0x7d: {  	_ =	shalt  }
0x7e: {  	_ =	shalt  }
0x7f: {  	_ =	shalt  }
0x80: {  	_ =	shalt  }
0x81: {  	_ =	shalt  }
0x82: {  	_ =	shalt  }
0x83: {  	_ =	shalt  }
0x84: {  	_ =	shalt  }
0x85: {  	_ =	shalt  }
0x86: {  	_ =	shalt  }
0x87: {  	_ =	shalt  }
.Lfunc_end0:
.L_simem_size_0:
called_computation.2_lowered:
.L_overlay_start_0:
0x88: {  	s0 =	sld [smem:$0x3FD9]  }
0x89: {  	s1 =	sld [smem:$0x3FFE];
	_ =	sdelay $0x3  }
0x8a: {  	s0 =	sadd.s32 s1, s0  }
0x8b: {  	[smem:$0x3FAC] =	sst s0  }
0x8c: {  	_ = 	snop  }
0x8d: {  	(tm) =	ssettm $0x1  }
0x8e: {  	s15 =	sld [smem:$0x3FFB];
	_ =	sdelay $0x3  }
0x8f: {  	_ =	strace s15  }
0x90: {  	s0 =	sld [smem:$0x3FFC];
	_ =	sdelay $0x3  }
0x91: {  	_ =	strace s0  }
0x92: {  	s0 =	sld [smem:$0x3FFD];
	_ =	sdelay $0x3  }
0x93: {  	_ =	strace s0  }
0x94: {  	_ =	strace $0x8FFFFFFF  }
0x95: {  	s16 =	sld [smem:$0x3FDB];
	_ =	sdelay $0x1  }
0x96: {  	s17 =	simm.s32 $_scs_section_size  }
0x97: {  	s2 =	simm.s32 $_size__tile_overlayer_lowered;
	s3 =	simm.s32 $_tile_overlayer_lowered  }
0x98: {  	s20 =	simm.s32 $0x1BFF;
	s19 =	sshll.u32 s3, $0x1;
	s0 =	sadd.s32 s17, s16  }
0x99: {  	s4 =	simm.s32 $0x0;
	s18 =	sshll.u32 s2, $0x1;
	s2 =	sadd.s32 s19, s0  }
0x9a: {  	[timem:s4], [sflag:s20] =	dma.local [hbm:s2], s18  }
0x9b: {  	_ =	swait.ge [sflag:s20], s18  }
0x9c: {  	s1 =	ssub.s32 $0x0, s18;
	[sflag:s20] =	ssyncset.done $0x0  }
0x9d: {  	[sflag:s20] =	ssyncadd.s32 s1;
	_ =	sdelay $0x1  }
0x9e: {  	s21 =	simm.s32 $0x1B8B  }
0x9f: {  	_ =	swait.ge [sflag:s21], $0x1  }
0xa0: {  	[sflag:s21] =	ssyncset.done $0x0  }
0xa1: {  	s23 =	simm.s32 $0x1B8E;
	s22 =	sld [smem:$0x3FFE];
	[sflag:s21] =	ssyncadd.s32 $0xFFFFFFFF  }
0xa2: {  	s24 =	simm.s32 $execute0_lowered;
	[smem:$0x3FD2] =	sst s23  }
0xa3: {  	s2 =	sshll.u32 s24, $0x1;
	_ =	strace $0x80000049;
	[dreg:$0x1] =	wrdreg $0xFFFFFFFF  }
0xa4: {  	s25 =	simm.s32 $_size_execute0_lowered;
	s0 =	sadd.s32 s0, s2;
	[dreg:$0x0] =	wrdreg $0x0  }
0xa5: {  	s2 =	sshll.u32 s25, $0x1;
	[dreg:$0x2] =	wrdreg s0  }
0xa6: {  	[dreg:$0x3] =	wrdreg s2  }
0xa7: {  	[dreg:$0x4] =	wrdreg $0xC0  }
0xa8: {  	_ =	task [dreg:s4], $0x5FFFF  }
0xa9: {  	[dreg:$0x1] =	wrdreg $0xFFFFFFFF  }
0xaa: {  	[dreg:$0x0] =	wrdreg $0x60  }
0xab: {  	[dreg:$0x2] =	wrdreg s22  }
0xac: {  	[dreg:$0x3] =	wrdreg $0xA  }
0xad: {  	_ =	task.clear_ibuf [dreg:s4], $0x4FFFF;
	_ =	strace $0x90000049  }
0xae: {  	s26 =	simm.s32 $0xA;
	_ =	strace $0x8000004B  }
0xaf: {  	_ =	swait.ge [sflag:s26], $0x1  }
0xb0: {  	[sflag:s26] =	ssyncadd.s32 $0xFFFFFFFF  }
0xb1: {  	_ =	strace $0x9000004B  }
0xb2: {  	_ =	sfence  }
0xb3: {  	s28 =	sld [smem:$0x0];
	_ =	sdelay $0x1  }
0xb4: {  	s29 =	srdreg.scid  }
0xb5: {  	s30 =	sshll.u32 s29, $0xD;
	s31 =	sshrl.u32 s29, $0x2  }
0xb6: {  	s1 =	sand.u32 $0x1, s29;
	s2 =	sand.u32 $0x4000, s30;
	s0 =	sadd.s32 s31, s28  }
0xb7: {  	s1 =	sor.u32 s2, s1;
	s0 =	sshll.u32 s0, $0x11  }
0xb8: {  	s0 =	sor.u32 s0, s1  }
0xb9: {  	s0 =	sadd.s32 $0x8F2B, s0  }
0xba: {  	[sflag:s0] =	ssyncadd.remote.s32 $0x1  }
0xbb: {  	_ =	sfence.sel $0xFFFF  }
0xbc: {  	[dreg:$0x0] =	wrdreg $0xFFFFFFFF;
	(pc) =	sbr.abs _section_cstart, $3  }
0xbd: {  	[dreg:$0x1] =	wrdreg $0xFFFFFFFF  }
0xbe: {  	_ =	task.clear_ibuf [dreg:s4], $0x2FFFF;
	_ =	strace $0x9FFFFFFF  }
0xbf: {  	(tm) =	ssettm $0x7FFFFFFF  }
tec
execute0_lowered:
.L_overlay_start_1:
0x0: {  	(tag) =	ssettag $0x1  }
0x1: {  	s5 =	rddreg [dreg:$0x0]  }
0x2: {  	s0 =	rddreg [dreg:$0x1]  }
0x3: {  	_ =	strace $0x8000004A;
	s1 =	stileid.u32;
	s6 =	simm.s32 $0x1  }
0x4: {  	s8 =	simm.s32 $0x2;
	s30 =	simm.s32 $0x3;
	s12 =	simm.s32 $0x0  }
0x5: {  	s9 =	simm.s32 $0x0;
	s10 =	simm.s32 $0x0;
	s4 =	sshll.u32 s1, $0x4  }
0x6: {  	s2 =	sadd.s32 $0xC9400, s5;
	s3 =	sadd.s32 $0xC3600, s5;
	s7 =	ssub.s32 $0x61A0, s4  }
0x7: {  	s5 =	sadd.s32 $0xC5200, s5;
	[sflag:s6] =	ssyncpa.u1 $0x0;
	s6 =	sshrl.u32 s7, $0x8  }
0x8: {  	[sflag:s8] =	ssyncpa.u1 $0x0;
	s11 =	smov.u32 s4;
	s31 =	sshll.u32 s6, $0x4  }
0x9: {  	[sflag:s30] =	ssyncpa.u1 $0x0;
	s7 =	sor.u32 $0x2, s6;
	s8 =	sadd.s32 $0x30, s31  }
.LBB2_1:
0xa: {  	p0 =	sgt.u32 s10, s6  }
0xb: {  	s13 =	sxor.u32 @!p0 $0xFFFFFFFF, s9;
	s14 =	sshrl.u32 @!p0 s11, $0x3  }
0xc: {  	s15 =	sand.u32 @!p0 $0x7, s11;
	s13 =	sand.u32 @!p0 $0x10, s13;
	s14 =	sadd.s32 @!p0 s3, s14  }
0xd: {  	[tilespmem:s13], [sflag:$0x2] =	stream.linear.gather @!p0 [hbm4b:s14+s15], $0x10, $0x38;
	[tilespmem:$0x40] =	vst v63  }
0xe: {  	p0 =	seq.s32 s9, $0x0  }
0xf: {  	p1 =	sge.u32 @!p0 s10, s7  }
0x10: {  	p0 =	por p1, p0  }
0x11: {  	s13 =	simm.s32 @!p0 $0x2  }
0x12: {  	_ =	swait.ge @!p0 [sflag:s13], $0x10  }
0x13: {  	[sflag:s13] =	ssyncset.done @!p0 $0x0  }
0x14: {  	[sflag:s13] =	ssyncadd.s32 @!p0 $0xFFFFFFF0;
	s13 =	sand.u32 @!p0 $0x10, s9  }
0x15: {  	(ifvalue) =	ssetifvalue @!p0 $0x7FFFFFFF;
	v0 =	vld.msk @!p0 [tilespmem:s13+$0x0 ss:$0x1], $0xffff;
	_ =	sdelay $0x4  }
0x16: {  	vm0 =	vgt.s32 @!p0 v0, $0x0  }
0x17: {  	v0 =	vnsel @!p0 vm0, $0x0, v0  }
0x18: {  	v0 =	vmin.u32 @!p0 v0, $0xC34F;
	_ =	sdelay $0x3  }
0x19: {  	s14 =	simm.s32 @!p0 $0x0;
	s13 =	sor.u32 @!p0 $0x20, s13;
	(ifvalue) =	ssetifvalue @!p0 $0x7FFFFFFF;
	vm0 =	vmmov @!p0 $0xffff  }
0x1a: {  	[tilespmem:s13], [sflag:$0x1] =	stream.indirect_vreg.gather @!p0 [hbm4b:s2+s14], $0x1, v0, vm0, $0x4038;
	[tilespmem:$0x40] =	vst v63  }
0x1b: {  	s14 =	simm.s32 @!p0 $0x1  }
0x1c: {  	_ =	swait.ge @!p0 [sflag:s14], $0x10  }
0x1d: {  	s15 =	sshrl.u32 @!p0 s12, $0x3;
	[sflag:s14] =	ssyncset.done @!p0 $0x0  }
0x1e: {  	s12 =	sand.u32 @!p0 $0x7, s12;
	[sflag:s14] =	ssyncadd.s32 @!p0 $0xFFFFFFF0;
	s14 =	sadd.s32 @!p0 s5, s15  }
0x1f: {  	[hbm4b:s14+s12] =	stream.linear.scatter @!p0 [tilespmem:s13], [sflag:$0x3], $0x10, $0x38;
	[tilespmem:$0x40] =	vst v63  }
0x20: {  	s14 =	sadd.s32 $0x100, s11  }
0x21: {  	s9 =	sadd.s32 $0x10, s9;
	p1 =	sgt.s32 s14, $0x61A7  }
0x22: {  	s14 =	smov.u32 @p1 s4;
	p1 =	sne.s32 s8, s9  }
.Ltmp0:
0x23: {  	p0 =	slt.u32 s10, $0x2;
	(pc) =	sbr.rel @p1 .LBB2_1-.Ltmp0, $4  }
0x24: {  	s13 =	simm.s32 @!p0 $0x3  }
0x25: {  	_ =	swait.ge @!p0 [sflag:s13], $0x10  }
0x26: {  	s12 =	smov.u32 s11;
	[sflag:s13] =	ssyncset.done @!p0 $0x0  }
0x27: {  	s10 =	sadd.s32 $0x1, s10;
	s11 =	smov.u32 s14;
	[sflag:s13] =	ssyncadd.s32 @!p0 $0xFFFFFFF0  }
0x28: {  	_ =	sfence.sel $0x180000  }
0x29: {  	s2 =	simm.s32 $0x2;
	[bflag:$0x0] =	sbarrier.arrive $0xFFFF  }
0x2a: {  	s30 =	simm.s32 $0x3;
	[sflag:s2] =	ssyncpa.u1 $0x1  }
0x2b: {  	s31 =	simm.s32 $0x1;
	[sflag:s30] =	ssyncpa.u1 $0x1  }
0x2c: {  	[sflag:s31] =	ssyncpa.u1 $0x1  }
0x2d: {  	p0 =	sne.s32 s1, $0x0;
	_ =	strace $0x9000004A  }
0x2e: {  	s0 =	sadd.s32 @!p0 $0x100000, s0;
	[bflag:$0x2] =	sbarrier.arrive $0xFFFF  }
0x2f: {  	[sflag:s0] =	ssyncadd.tile.s32 @!p0 $0x1;
	_ =	shalt  }
.Lfunc_end2:
_tile_overlayer_lowered:
.L_overlay_start_2:
0x30: {  	(tag) =	ssettag $0x2  }
0x31: {  	s0 =	rddreg [dreg:$0x0];
	s2 =	stileid.u32  }
0x32: {  	s1 =	rddreg [dreg:$0x1];
	p0 =	sne.s32 s2, $0x0  }
0x33: {  	s3 =	rddreg [dreg:$0x2];
	[bflag:$0x3] =	sbarrier.arrive $0xFFFF;
	s2 =	simm.s32 @!p0 $0x1C01  }
0x34: {  	[timem:s3], [sflag:s2] =	dma.local @!p0 [hbm:s0], s1  }
0x35: {  	s0 =	simm.s32 @!p0 $0x1  }
0x36: {  	_ =	swait.ge @!p0 [sflag:s0], s1  }
0x37: {  	s1 =	ssub.s32 @!p0 $0x0, s1;
	[sflag:s0] =	ssyncset.done @!p0 $0x0  }
0x38: {  	[sflag:s0] =	ssyncadd.s32 @!p0 s1  }
0x39: {  	[bflag:$0x3] =	sbarrier.arrive $0xFFFF  }
0x3a: {  	_ =	shalt  }

// kernel: gather_offload_async_start
scs
__scs_entry_jumppad:
0x0: {  	(pc) =	sbr.rel $0x88, $3  }
0x1: {  	(tag) =	ssettag $0x0;
	lr =	simm.s32 $0x1  }
0x2: {  	[smem:$0x3F85] =	sst lr;
	_ =	strace $0xD0000000  }
0x3: {  	_ = 	snop  }
0x4: {  	_ = 	snop  }
0x5: {  	_ = 	snop  }
0x6: {  	_ = 	snop  }
0x7: {  	_ = 	snop  }
__scs_overlays_trampoline_lowered:
0x8: {  	[smem:$0x3F94] =	sst s0  }
0x9: {  	[smem:$0x3F95] =	sst s1  }
0xa: {  	[smem:$0x3F96] =	sst s2  }
0xb: {  	[smem:$0x3F97] =	sst s3  }
0xc: {  	[smem:$0x3F98] =	sst s4  }
0xd: {  	[smem:$0x3F99] =	sst s5  }
0xe: {  	[smem:$0x3F9A] =	sst s6  }
0xf: {  	[smem:$0x3F9B] =	sst s7  }
0x10: {  	[smem:$0x3F9C] =	sst s8  }
0x11: {  	[smem:$0x3F9D] =	sst s9;
	s0 =	simm.s32 @!p0 $0x0  }
0x12: {  	s1 =	sld [smem:$0x3F83];
	s0 =	simm.s32 @p0 $0x1  }
0x13: {  	[smem:$0x3F9E] =	sst s0;
	s0 =	simm.s32 @!p1 $0x0  }
0x14: {  	s2 =	sld [smem:$0x3F82];
	s0 =	simm.s32 @p1 $0x1  }
0x15: {  	[smem:$0x3F9F] =	sst s0;
	s0 =	simm.s32 @!p2 $0x0  }
0x16: {  	s3 =	sld [smem:$0x3FDB];
	s0 =	simm.s32 @p2 $0x1  }
0x17: {  	s4 =	simm.s32 $0x1BF5;
	[smem:$0x3FA1] =	sst s0  }
0x18: {  	s0 =	sld [smem:$0x3F84];
	_ =	swait.ge [sflag:s4], $0x0  }
0x19: {  	s7 =	sld [smem:$0x3F85]  }
0x1a: {  	s8 =	sadd.s32 $0xFFFFE003, lr  }
0x1b: {  	s9 =	sadd.s32 $0xFFFFFEF7, lr;
	s5 =	simm.s32 $0xFFFFFFFF;
	p2 =	slt.u32 s8, $0xFFFFF086  }
0x1c: {  	p1 =	slt.u32 s9, $0xF7A;
	s5 =	simm.s32 @!p2 $0x0  }
0x1d: {  	s5 =	simm.s32 @p1 $0x1;
	p0 =	seq.s32 s7, s2  }
0x1e: {  	s7 =	smul.u32 @!p0 $0xF7A, s2;
	p2 =	seq.s32 @!p0 s5, $0x0  }
0x1f: {  	s9 =	smul.u32 $0xF7A, s1;
	s8 =	simm.s32 @!p0 $0x1BF5;
	p2 =	por !p2, p0  }
0x20: {  	[sflag:s8] =	ssyncset.s32 @!p0 $0xFFFFF086;
	s6 =	sadd.s32 @!p0 s3, s7;
	s7 =	simm.s32 @!p0 $0x108  }
0x21: {  	s3 =	sadd.s32 s3, s9;
	s6 =	sadd.s32 @!p0 $0x88, s6;
	s7 =	simm.s32 @p2 $0x1082  }
0x22: {  	[simem:s7], [sflag:s8] =	dma.local @!p0 [hbm:s6], $0xF7A  }
0x23: {  	s9 =	sor.u32 $0xD0000000, s2;
	s6 =	simm.s32 $0x108;
	_ =	swait.ge @!p0 [sflag:s8], $0x0  }
0x24: {  	s3 =	sadd.s32 $0x88, s3;
	s6 =	simm.s32 @!p1 $0x1082;
	[sflag:s4] =	ssyncset.s32 $0xFFFFF086  }
0x25: {  	[simem:s6], [sflag:s4] =	dma.local [hbm:s3], $0xF7A  }
0x26: {  	[smem:$0x3F85] =	sst s1;
	(tag) =	ssettag s2;
	_ =	strace s9  }
0x27: {  	s1 =	sld [smem:$0x3F95]  }
0x28: {  	s2 =	sld [smem:$0x3F96]  }
0x29: {  	s4 =	sld [smem:$0x3F98]  }
0x2a: {  	p0 =	seq.s32 s5, $0x0;
	s5 =	sld [smem:$0x3F99]  }
0x2b: {  	s6 =	sld [smem:$0x3F9A]  }
0x2c: {  	s7 =	sld [smem:$0x3F9B]  }
0x2d: {  	s3 =	simm.s32 $0x108;
	s8 =	sld [smem:$0x3F9C]  }
0x2e: {  	s3 =	simm.s32 @!p0 $0x1082;
	s9 =	sld [smem:$0x3F9D]  }
0x2f: {  	lr =	sadd.s32 s0, s3;
	s0 =	sld [smem:$0x3F94]  }
0x30: {  	s3 =	sld [smem:$0x3F97]  }
0x31: {  	[smem:$0x3FA0] =	sst s10  }
0x32: {  	s10 =	sld [smem:$0x3F9E];
	_ =	sdelay $0x3  }
0x33: {  	p0 =	seq.s32 s10, $0x1;
	s10 =	sld [smem:$0x3FA0];
	_ =	sdelay $0x3  }
0x34: {  	[smem:$0x3FA0] =	sst s10  }
0x35: {  	s10 =	sld [smem:$0x3F9F];
	_ =	sdelay $0x3  }
0x36: {  	p1 =	seq.s32 s10, $0x1;
	s10 =	sld [smem:$0x3FA0];
	_ =	sdelay $0x3  }
0x37: {  	[smem:$0x3FA0] =	sst s10  }
0x38: {  	s10 =	sld [smem:$0x3FA1]  }
0x39: {  	_ = 	snop;
	(pc) =	sbr.ind lr, $3  }
0x3a: {  	_ = 	snop  }
0x3b: {  	_ = 	snop  }
0x3c: {  	p2 =	seq.s32 s10, $0x1;
	s10 =	sld [smem:$0x3FA0]  }
0x3d: {  	_ =	shalt  }
0x3e: {  	_ =	shalt  }
0x3f: {  	_ =	shalt  }
0x40: {  	_ =	shalt  }
0x41: {  	_ =	shalt  }
0x42: {  	_ =	shalt  }
0x43: {  	_ =	shalt  }
0x44: {  	_ =	shalt  }
0x45: {  	_ =	shalt  }
0x46: {  	_ =	shalt  }
0x47: {  	_ =	shalt  }
0x48: {  	_ =	shalt  }
0x49: {  	_ =	shalt  }
0x4a: {  	_ =	shalt  }
0x4b: {  	_ =	shalt  }
0x4c: {  	_ =	shalt  }
0x4d: {  	_ =	shalt  }
0x4e: {  	_ =	shalt  }
0x4f: {  	_ =	shalt  }
0x50: {  	_ =	shalt  }
0x51: {  	_ =	shalt  }
0x52: {  	_ =	shalt  }
0x53: {  	_ =	shalt  }
0x54: {  	_ =	shalt  }
0x55: {  	_ =	shalt  }
0x56: {  	_ =	shalt  }
0x57: {  	_ =	shalt  }
0x58: {  	_ =	shalt  }
0x59: {  	_ =	shalt  }
0x5a: {  	_ =	shalt  }
0x5b: {  	_ =	shalt  }
0x5c: {  	_ =	shalt  }
0x5d: {  	_ =	shalt  }
0x5e: {  	_ =	shalt  }
0x5f: {  	_ =	shalt  }
0x60: {  	_ =	shalt  }
0x61: {  	_ =	shalt  }
0x62: {  	_ =	shalt  }
0x63: {  	_ =	shalt  }
0x64: {  	_ =	shalt  }
0x65: {  	_ =	shalt  }
0x66: {  	_ =	shalt  }
0x67: {  	_ =	shalt  }
0x68: {  	_ =	shalt  }
0x69: {  	_ =	shalt  }
0x6a: {  	_ =	shalt  }
0x6b: {  	_ =	shalt  }
0x6c: {  	_ =	shalt  }
0x6d: {  	_ =	shalt  }
0x6e: {  	_ =	shalt  }
0x6f: {  	_ =	shalt  }
0x70: {  	_ =	shalt  }
0x71: {  	_ =	shalt  }
0x72: {  	_ =	shalt  }
0x73: {  	_ =	shalt  }
0x74: {  	_ =	shalt  }
0x75: {  	_ =	shalt  }
0x76: {  	_ =	shalt  }
0x77: {  	_ =	shalt  }
0x78: {  	_ =	shalt  }
0x79: {  	_ =	shalt  }
0x7a: {  	_ =	shalt  }
0x7b: {  	_ =	shalt  }
0x7c: {  	_ =	shalt  }
0x7d: {  	_ =	shalt  }
0x7e: {  	_ =	shalt  }
0x7f: {  	_ =	shalt  }
0x80: {  	_ =	shalt  }
0x81: {  	_ =	shalt  }
0x82: {  	_ =	shalt  }
0x83: {  	_ =	shalt  }
0x84: {  	_ =	shalt  }
0x85: {  	_ =	shalt  }
0x86: {  	_ =	shalt  }
0x87: {  	_ =	shalt  }
.Lfunc_end0:
.L_simem_size_0:
called_computation.1_lowered:
.L_overlay_start_0:
0x88: {  	s0 =	sld [smem:$0x3FD9]  }
0x89: {  	s1 =	sld [smem:$0x3FFE];
	_ =	sdelay $0x3  }
0x8a: {  	s0 =	sadd.s32 s1, s0  }
0x8b: {  	[smem:$0x3FAC] =	sst s0  }
0x8c: {  	_ = 	snop  }
0x8d: {  	(tm) =	ssettm $0x1  }
0x8e: {  	s15 =	sld [smem:$0x3FFB];
	_ =	sdelay $0x3  }
0x8f: {  	_ =	strace s15  }
0x90: {  	s0 =	sld [smem:$0x3FFC];
	_ =	sdelay $0x3  }
0x91: {  	_ =	strace s0  }
0x92: {  	s0 =	sld [smem:$0x3FFD];
	_ =	sdelay $0x3  }
0x93: {  	_ =	strace s0  }
0x94: {  	_ =	strace $0x8FFFFFFF  }
0x95: {  	s16 =	sld [smem:$0x3FDB];
	_ =	sdelay $0x1  }
0x96: {  	s17 =	simm.s32 $_scs_section_size  }
0x97: {  	s2 =	simm.s32 $_size__tile_overlayer_lowered;
	s3 =	simm.s32 $_tile_overlayer_lowered  }
0x98: {  	s20 =	simm.s32 $0x1BFF;
	s19 =	sshll.u32 s3, $0x1;
	s0 =	sadd.s32 s17, s16  }
0x99: {  	s4 =	simm.s32 $0x0;
	s18 =	sshll.u32 s2, $0x1;
	s2 =	sadd.s32 s19, s0  }
0x9a: {  	[timem:s4], [sflag:s20] =	dma.local [hbm:s2], s18  }
0x9b: {  	_ =	swait.ge [sflag:s20], s18  }
0x9c: {  	s1 =	ssub.s32 $0x0, s18;
	[sflag:s20] =	ssyncset.done $0x0  }
0x9d: {  	[sflag:s20] =	ssyncadd.s32 s1;
	_ =	sdelay $0x1  }
0x9e: {  	s21 =	simm.s32 $0x1B8B  }
0x9f: {  	_ =	swait.ge [sflag:s21], $0x1  }
0xa0: {  	[sflag:s21] =	ssyncset.done $0x0  }
0xa1: {  	s23 =	simm.s32 $0x1B8E;
	s22 =	sld [smem:$0x3FFE];
	[sflag:s21] =	ssyncadd.s32 $0xFFFFFFFF  }
0xa2: {  	s24 =	simm.s32 $execute0_lowered;
	[smem:$0x3FD2] =	sst s23  }
0xa3: {  	s2 =	sshll.u32 s24, $0x1;
	_ =	strace $0x8000004C;
	[dreg:$0x1] =	wrdreg $0xFFFFFFFF  }
0xa4: {  	s25 =	simm.s32 $_size_execute0_lowered;
	s0 =	sadd.s32 s0, s2;
	[dreg:$0x0] =	wrdreg $0x0  }
0xa5: {  	s2 =	sshll.u32 s25, $0x1;
	[dreg:$0x2] =	wrdreg s0  }
0xa6: {  	[dreg:$0x3] =	wrdreg s2  }
0xa7: {  	[dreg:$0x4] =	wrdreg $0xC0  }
0xa8: {  	_ =	task [dreg:s4], $0x5FFFF  }
0xa9: {  	[dreg:$0x1] =	wrdreg $0xFFFFFFFF  }
0xaa: {  	[dreg:$0x0] =	wrdreg $0x60  }
0xab: {  	[dreg:$0x2] =	wrdreg s22  }
0xac: {  	[dreg:$0x3] =	wrdreg $0x9  }
0xad: {  	_ =	task.clear_ibuf [dreg:s4], $0x4FFFF;
	_ =	strace $0x9000004C  }
0xae: {  	s26 =	simm.s32 $0x9;
	_ =	strace $0x8000004E  }
0xaf: {  	_ =	swait.ge [sflag:s26], $0x1  }
0xb0: {  	[sflag:s26] =	ssyncadd.s32 $0xFFFFFFFF  }
0xb1: {  	_ =	strace $0x9000004E  }
0xb2: {  	_ =	sfence  }
0xb3: {  	s28 =	sld [smem:$0x0];
	_ =	sdelay $0x1  }
0xb4: {  	s29 =	srdreg.scid  }
0xb5: {  	s30 =	sshll.u32 s29, $0xD;
	s31 =	sshrl.u32 s29, $0x2  }
0xb6: {  	s1 =	sand.u32 $0x1, s29;
	s2 =	sand.u32 $0x4000, s30;
	s0 =	sadd.s32 s31, s28  }
0xb7: {  	s1 =	sor.u32 s2, s1;
	s0 =	sshll.u32 s0, $0x11  }
0xb8: {  	s0 =	sor.u32 s0, s1  }
0xb9: {  	s0 =	sadd.s32 $0x8F2B, s0  }
0xba: {  	[sflag:s0] =	ssyncadd.remote.s32 $0x1  }
0xbb: {  	_ =	sfence.sel $0xFFFF  }
0xbc: {  	[dreg:$0x0] =	wrdreg $0xFFFFFFFF;
	(pc) =	sbr.abs _section_cstart, $3  }
0xbd: {  	[dreg:$0x1] =	wrdreg $0xFFFFFFFF  }
0xbe: {  	_ =	task.clear_ibuf [dreg:s4], $0x2FFFF;
	_ =	strace $0x9FFFFFFF  }
0xbf: {  	(tm) =	ssettm $0x7FFFFFFF  }
tec
execute0_lowered:
.L_overlay_start_1:
0x0: {  	(tag) =	ssettag $0x1  }
0x1: {  	s0 =	stileid.u32  }
0x2: {  	s1 =	smul.u32 $0x7, s0  }
0x3: {  	s2 =	smin.u32 s0, $0xD  }
0x4: {  	s1 =	sadd.s32 s2, s1  }
0x5: {  	p0 =	slt.u32 s0, $0xD;
	s2 =	simm.s32 $0x640;
	s1 =	smul.u32 $0xC8, s1  }
0x6: {  	s2 =	simm.s32 @!p0 $0x578  }
0x7: {  	s2 =	sadd.s32 s2, s1  }
0x8: {  	s3 =	smin.u32 s2, $0x61A8  }
0x9: {  	s7 =	ssub.s32 s3, s1  }
0xa: {  	p0 =	sgt.s32 s7, $0x0  }
0xb: {  	s7 =	simm.s32 @!p0 $0x0  }
0xc: {  	s31 =	sand.u32 $0xFFF8, s7  }
0xd: {  	s2 =	sshrl.u32 s31, $0x3  }
0xe: {  	s2 =	smul.u32 $0x147B, s2  }
0xf: {  	s4 =	rddreg [dreg:$0x0];
	s6 =	simm.s32 $0x1  }
0x10: {  	s10 =	simm.s32 $0x3;
	s13 =	simm.s32 $0x0;
	s8 =	sshrl.u32 s2, $0x11  }
0x11: {  	s12 =	simm.s32 $0x0;
	s5 =	sadd.s32 $0xC3600, s4;
	s9 =	smul.u32 $0xC8, s8  }
.Ltmp0:
0x12: {  	s11 =	smov.u32 s1;
	s2 =	rddreg [dreg:$0x1];
	(pc) =	sbr.rel .LBB2_1-.Ltmp0, $4  }
0x13: {  	_ =	strace $0x8000004D;
	p0 =	sne.s32 s7, s9;
	s9 =	simm.s32 $0x1  }
0x14: {  	[sflag:s6] =	ssyncpa.u1 $0x0;
	s7 =	simm.s32 $0x2;
	s9 =	simm.s32 @!p0 $0x0  }
0x15: {  	[sflag:s7] =	ssyncpa.u1 $0x0;
	p0 =	por $0x0, $0x0;
	s8 =	sadd.s32 s8, s9  }
0x16: {  	vm0 =	vmmov $0xff;
	vm1 =	vcmask $0x3F20;
	s9 =	sadd.s32 $0xCAE00, s4;
	[sflag:s10] =	ssyncpa.u1 $0x0;
	s10 =	sadd.s32 $0x1, s8  }
.LBB2_6:
0x17: {  	[hbm:s17] =	stream.linear.scatter [tilespmem:s14], [sflag:$0x3], $0x400, $0x38;
	[tilespmem:$0xC990] =	vst v63  }
.LBB2_7:
0x18: {  	s13 =	sadd.s32 $0xC8, s11  }
0x19: {  	s15 =	smov.u32 s1;
	p2 =	slt.s32 s13, s3  }
0x1a: {  	s15 =	smov.u32 @p2 s13;
	p2 =	sne.s32 s12, s10  }
.Ltmp1:
0x1b: {  	p1 =	slt.u32 s12, $0x2;
	(pc) =	sbr.rel @!p2 .LBB2_8-.Ltmp1, $4  }
0x1c: {  	s14 =	simm.s32 @!p1 $0x3  }
0x1d: {  	s16 =	sadd.s32 $0x1, s12;
	_ =	swait.ge @!p1 [sflag:s14], $0x6400  }
0x1e: {  	p0 =	por !p0, !p0;
	s13 =	smov.u32 s11;
	[sflag:s14] =	ssyncset.done @!p1 $0x0  }
0x1f: {  	s12 =	smov.u32 s16;
	s11 =	smov.u32 s15;
	[sflag:s14] =	ssyncadd.s32 @!p1 $0xFFFF9C00  }
.LBB2_1:
0x20: {  	p1 =	sge.u32 s12, s8  }
0x21: {  	s14 =	sxor.u32 @!p1 $0xFFFFFFFF, s12  }
0x22: {  	s14 =	sand.u32 @!p1 $0x1, s14  }
0x23: {  	s14 =	smul.u32 @!p1 $0x320, s14  }
0x24: {  	s31 =	sadd.s32 $0xFFFFFFFF, s12;
	s15 =	sshrl.u32 @!p1 s11, $0x3  }
0x25: {  	s16 =	sand.u32 @!p1 $0x7, s11;
	s15 =	sadd.s32 @!p1 s5, s15;
	s14 =	sshrl.u32 @!p1 s14, $0x2  }
0x26: {  	[tilespmem:s14], [sflag:$0x2] =	stream.linear.gather @!p1 [hbm4b:s15+s16], $0xC8, $0x38;
	[tilespmem:$0xC990] =	vst v63  }
0x27: {  	p1 =	sge.u32 s31, s8  }
.Ltmp2:
0x28: {  	_ = 	snop;
	(pc) =	sbr.rel @p1 .LBB2_7-.Ltmp2, $1  }
0x29: {  	_ =	sdelay $0x3  }
0x2a: {  	s14 =	simm.s32 $0x1  }
0x2b: {  	s14 =	simm.s32 @!p0 $0x0  }
0x2c: {  	s15 =	smul.u32 $0x320, s14  }
0x2d: {  	_ =	swait.ge [sflag:s7], $0xC8  }
0x2e: {  	[sflag:s7] =	ssyncset.done $0x0;
	s16 =	sshrl.u32 s15, $0x2  }
0x2f: {  	[sflag:s7] =	ssyncadd.s32 $0xFFFFFF38;
	s15 =	sadd.s32 $0x0, s16  }
0x30: {  	v0 =	vld.msk [tilespmem:s15+$0x0 ss:$0x1], $0xffff;
	_ =	sdelay $0x4  }
0x31: {  	vm2 =	vgt.s32 v0, $0x0  }
0x32: {  	v0 =	vnsel vm2, $0x0, v0  }
0x33: {  	v0 =	vmin.u32 v0, $0xC34F  }
0x34: {  	v0 =	vshll.u32 v0, $0x4  }
0x35: {  	s14 =	smul.u32 $0x19000, s14  }
0x36: {  	s31 =	sand.u32 $0x1, s12  }
0x37: {  	s17 =	smul.u32 $0x320, s31;
	s14 =	sshrl.u32 s14, $0x2  }
0x38: {  	s19 =	smul.u32 $0x19000, s31;
	s14 =	sor.u32 $0x190, s14  }
0x39: {  	[tilespmem:s14], [sflag:$0x1] =	stream.indirect_vreg.gather [hbm:s4], $0x80, v0, vm0, $0x38;
	[tilespmem:$0xC990] =	vst v63  }
0x3a: {  	s18 =	sshrl.u32 s17, $0x2;
	s20 =	sadd.s32 $0x10, s16;
	s15 =	sadd.s32 $0x400, s14  }
0x3b: {  	[tilespmem:s15], [sflag:$0x1] =	stream.indirect_vreg.gather [hbm:s4], $0x80, v0, vm1, $0x38;
	[tilespmem:$0xC990] =	vst v63  }
0x3c: {  	s17 =	sshrl.u32 s19, $0x2;
	s19 =	smov.u32 s14;
	v0 =	vld.msk [tilespmem:s20+$0x0 ss:$0x1], $0xffff;
	s20 =	simm.s32 $0x80  }
.LBB2_3:
0x3d: {  	p1 =	sne.s32 s20, $0x2C0;
	_ =	sdelay $0x4  }
0x3e: {  	vm2 =	vgt.s32 v0, $0x0  }
0x3f: {  	v0 =	vnsel vm2, $0x0, v0  }
0x40: {  	v0 =	vmin.u32 v0, $0xC34F  }
0x41: {  	v0 =	vshll.u32 v0, $0x4;
	_ =	sdelay $0x3  }
.Ltmp3:
0x42: {  	s21 =	sshra.s32 s20, $0x2;
	s19 =	sadd.s32 $0x800, s19;
	(pc) =	sbr.rel @p1 .LBB2_3-.Ltmp3, $4  }
0x43: {  	[tilespmem:s19], [sflag:$0x1] =	stream.indirect_vreg.gather [hbm:s4], $0x80, v0, vm0, $0x38;
	[tilespmem:$0xC990] =	vst v63  }
0x44: {  	s21 =	sadd.s32 s21, s16;
	s22 =	sadd.s32 $0x400, s19  }
0x45: {  	[tilespmem:s22], [sflag:$0x1] =	stream.indirect_vreg.gather [hbm:s4], $0x80, v0, vm1, $0x38;
	[tilespmem:$0xC990] =	vst v63  }
0x46: {  	s20 =	sadd.s32 $0x40, s20;
	v0 =	vld.msk [tilespmem:s21+$0x0 ss:$0x1], $0xffff  }
0x47: {  	_ =	sdelay $0x3  }
0x48: {  	vm2 =	vgt.s32 v0, $0x0  }
0x49: {  	v0 =	vnsel vm2, $0x0, v0  }
0x4a: {  	v0 =	vmin.u32 v0, $0xC34F  }
0x4b: {  	v0 =	vshll.u32 v0, $0x4;
	_ =	sdelay $0x3  }
0x4c: {  	s16 =	sadd.s32 $0x800, s19  }
0x4d: {  	[tilespmem:s16], [sflag:$0x1] =	stream.indirect_vreg.gather [hbm:s4], $0x80, v0, vm0, $0x38;
	[tilespmem:$0xC990] =	vst v63  }
0x4e: {  	s16 =	sadd.s32 $0x400, s16  }
0x4f: {  	[tilespmem:s16], [sflag:$0x1] =	stream.indirect_vreg.gather [hbm:s4], $0x80, v0, vm1, $0x38;
	[tilespmem:$0xC990] =	vst v63  }
0x50: {  	v0 =	vld.msk [tilespmem:s18+$0xC0 ss:$0x1], $0xff;
	_ =	sdelay $0x4  }
0x51: {  	vm2 =	vgt.s32 v0, $0x0  }
0x52: {  	v0 =	vnsel vm2, $0x0, v0  }
0x53: {  	v0 =	vmin.u32 v0, $0xC34F  }
0x54: {  	v0 =	vshll.u32 v0, $0x4;
	_ =	sdelay $0x3  }
0x55: {  	s31 =	sadd.s32 $0x6190, s17  }
0x56: {  	[tilespmem:s31], [sflag:$0x1] =	stream.indirect_vreg.gather [hbm:s4], $0x80, v0, vm0, $0x38;
	[tilespmem:$0xC990] =	vst v63  }
0x57: {  	s13 =	sshll.u32 s13, $0x4;
	_ =	swait.ge [sflag:s6], $0x6400  }
0x58: {  	s13 =	sadd.s32 s13, s9;
	[sflag:s6] =	ssyncset.done $0x0  }
0x59: {  	s17 =	sadd.s32 $0x0, s13;
	s16 =	simm.s32 $0x80;
	[sflag:s6] =	ssyncadd.s32 $0xFFFF9C00  }
.LBB2_5:
0x5a: {  	[hbm:s17] =	stream.linear.scatter [tilespmem:s14], [sflag:$0x3], $0x400, $0x38;
	[tilespmem:$0xC990] =	vst v63  }
0x5b: {  	s17 =	smov.u32 s16;
	s14 =	smov.u32 s15;
	p1 =	sne.s32 s16, $0xC00  }
.Ltmp4:
0x5c: {  	s16 =	sadd.s32 $0x80, s16;
	(pc) =	sbr.rel @p1 .LBB2_5-.Ltmp4, $2  }
0x5d: {  	_ =	sdelay $0x2  }
0x5e: {  	s15 =	sadd.s32 $0x400, s15;
	s17 =	sadd.s32 s17, s13  }
.Ltmp5:
0x5f: {  	_ = 	snop;
	(pc) =	sbr.rel .LBB2_6-.Ltmp5, $1  }
0x60: {  	_ =	sdelay $0x3  }
.LBB2_8:
0x61: {  	_ =	sfence.sel $0x180000  }
0x62: {  	s1 =	simm.s32 $0x2;
	[bflag:$0x0] =	sbarrier.arrive $0xFFFF  }
0x63: {  	s30 =	simm.s32 $0x3;
	[sflag:s1] =	ssyncpa.u1 $0x1  }
0x64: {  	s31 =	simm.s32 $0x1;
	[sflag:s30] =	ssyncpa.u1 $0x1  }
0x65: {  	[sflag:s31] =	ssyncpa.u1 $0x1  }
0x66: {  	p0 =	sne.s32 s0, $0x0;
	_ =	strace $0x9000004D  }
0x67: {  	s0 =	sadd.s32 @!p0 $0x100000, s2;
	[bflag:$0x2] =	sbarrier.arrive $0xFFFF  }
0x68: {  	[sflag:s0] =	ssyncadd.tile.s32 @!p0 $0x1;
	_ =	shalt  }
.Lfunc_end2:
_tile_overlayer_lowered:
.L_overlay_start_2:
0x69: {  	(tag) =	ssettag $0x2  }
0x6a: {  	s0 =	rddreg [dreg:$0x0];
	s2 =	stileid.u32  }
0x6b: {  	s1 =	rddreg [dreg:$0x1];
	p0 =	sne.s32 s2, $0x0  }
0x6c: {  	s3 =	rddreg [dreg:$0x2];
	[bflag:$0x3] =	sbarrier.arrive $0xFFFF;
	s2 =	simm.s32 @!p0 $0x1C01  }
0x6d: {  	[timem:s3], [sflag:s2] =	dma.local @!p0 [hbm:s0], s1  }
0x6e: {  	s0 =	simm.s32 @!p0 $0x1  }
0x6f: {  	_ =	swait.ge @!p0 [sflag:s0], s1  }
0x70: {  	s1 =	ssub.s32 @!p0 $0x0, s1;
	[sflag:s0] =	ssyncset.done @!p0 $0x0  }
0x71: {  	[sflag:s0] =	ssyncadd.s32 @!p0 s1  }
0x72: {  	[bflag:$0x3] =	sbarrier.arrive $0xFFFF  }
0x73: {  	_ =	shalt  }

// kernel: scatter_offload_async_start
scs
__scs_entry_jumppad:
0x0: {  	(pc) =	sbr.rel $0x88, $3  }
0x1: {  	(tag) =	ssettag $0x0;
	lr =	simm.s32 $0x1  }
0x2: {  	[smem:$0x3F85] =	sst lr;
	_ =	strace $0xD0000000  }
0x3: {  	_ = 	snop  }
0x4: {  	_ = 	snop  }
0x5: {  	_ = 	snop  }
0x6: {  	_ = 	snop  }
0x7: {  	_ = 	snop  }
__scs_overlays_trampoline_lowered:
0x8: {  	[smem:$0x3F94] =	sst s0  }
0x9: {  	[smem:$0x3F95] =	sst s1  }
0xa: {  	[smem:$0x3F96] =	sst s2  }
0xb: {  	[smem:$0x3F97] =	sst s3  }
0xc: {  	[smem:$0x3F98] =	sst s4  }
0xd: {  	[smem:$0x3F99] =	sst s5  }
0xe: {  	[smem:$0x3F9A] =	sst s6  }
0xf: {  	[smem:$0x3F9B] =	sst s7  }
0x10: {  	[smem:$0x3F9C] =	sst s8  }
0x11: {  	[smem:$0x3F9D] =	sst s9;
	s0 =	simm.s32 @!p0 $0x0  }
0x12: {  	s1 =	sld [smem:$0x3F83];
	s0 =	simm.s32 @p0 $0x1  }
0x13: {  	[smem:$0x3F9E] =	sst s0;
	s0 =	simm.s32 @!p1 $0x0  }
0x14: {  	s2 =	sld [smem:$0x3F82];
	s0 =	simm.s32 @p1 $0x1  }
0x15: {  	[smem:$0x3F9F] =	sst s0;
	s0 =	simm.s32 @!p2 $0x0  }
0x16: {  	s3 =	sld [smem:$0x3FDB];
	s0 =	simm.s32 @p2 $0x1  }
0x17: {  	s4 =	simm.s32 $0x1BF5;
	[smem:$0x3FA1] =	sst s0  }
0x18: {  	s0 =	sld [smem:$0x3F84];
	_ =	swait.ge [sflag:s4], $0x0  }
0x19: {  	s7 =	sld [smem:$0x3F85]  }
0x1a: {  	s8 =	sadd.s32 $0xFFFFE003, lr  }
0x1b: {  	s9 =	sadd.s32 $0xFFFFFEF7, lr;
	s5 =	simm.s32 $0xFFFFFFFF;
	p2 =	slt.u32 s8, $0xFFFFF086  }
0x1c: {  	p1 =	slt.u32 s9, $0xF7A;
	s5 =	simm.s32 @!p2 $0x0  }
0x1d: {  	s5 =	simm.s32 @p1 $0x1;
	p0 =	seq.s32 s7, s2  }
0x1e: {  	s7 =	smul.u32 @!p0 $0xF7A, s2;
	p2 =	seq.s32 @!p0 s5, $0x0  }
0x1f: {  	s9 =	smul.u32 $0xF7A, s1;
	s8 =	simm.s32 @!p0 $0x1BF5;
	p2 =	por !p2, p0  }
0x20: {  	[sflag:s8] =	ssyncset.s32 @!p0 $0xFFFFF086;
	s6 =	sadd.s32 @!p0 s3, s7;
	s7 =	simm.s32 @!p0 $0x108  }
0x21: {  	s3 =	sadd.s32 s3, s9;
	s6 =	sadd.s32 @!p0 $0x88, s6;
	s7 =	simm.s32 @p2 $0x1082  }
0x22: {  	[simem:s7], [sflag:s8] =	dma.local @!p0 [hbm:s6], $0xF7A  }
0x23: {  	s9 =	sor.u32 $0xD0000000, s2;
	s6 =	simm.s32 $0x108;
	_ =	swait.ge @!p0 [sflag:s8], $0x0  }
0x24: {  	s3 =	sadd.s32 $0x88, s3;
	s6 =	simm.s32 @!p1 $0x1082;
	[sflag:s4] =	ssyncset.s32 $0xFFFFF086  }
0x25: {  	[simem:s6], [sflag:s4] =	dma.local [hbm:s3], $0xF7A  }
0x26: {  	[smem:$0x3F85] =	sst s1;
	(tag) =	ssettag s2;
	_ =	strace s9  }
0x27: {  	s1 =	sld [smem:$0x3F95]  }
0x28: {  	s2 =	sld [smem:$0x3F96]  }
0x29: {  	s4 =	sld [smem:$0x3F98]  }
0x2a: {  	p0 =	seq.s32 s5, $0x0;
	s5 =	sld [smem:$0x3F99]  }
0x2b: {  	s6 =	sld [smem:$0x3F9A]  }
0x2c: {  	s7 =	sld [smem:$0x3F9B]  }
0x2d: {  	s3 =	simm.s32 $0x108;
	s8 =	sld [smem:$0x3F9C]  }
0x2e: {  	s3 =	simm.s32 @!p0 $0x1082;
	s9 =	sld [smem:$0x3F9D]  }
0x2f: {  	lr =	sadd.s32 s0, s3;
	s0 =	sld [smem:$0x3F94]  }
0x30: {  	s3 =	sld [smem:$0x3F97]  }
0x31: {  	[smem:$0x3FA0] =	sst s10  }
0x32: {  	s10 =	sld [smem:$0x3F9E];
	_ =	sdelay $0x3  }
0x33: {  	p0 =	seq.s32 s10, $0x1;
	s10 =	sld [smem:$0x3FA0];
	_ =	sdelay $0x3  }
0x34: {  	[smem:$0x3FA0] =	sst s10  }
0x35: {  	s10 =	sld [smem:$0x3F9F];
	_ =	sdelay $0x3  }
0x36: {  	p1 =	seq.s32 s10, $0x1;
	s10 =	sld [smem:$0x3FA0];
	_ =	sdelay $0x3  }
0x37: {  	[smem:$0x3FA0] =	sst s10  }
0x38: {  	s10 =	sld [smem:$0x3FA1]  }
0x39: {  	_ = 	snop;
	(pc) =	sbr.ind lr, $3  }
0x3a: {  	_ = 	snop  }
0x3b: {  	_ = 	snop  }
0x3c: {  	p2 =	seq.s32 s10, $0x1;
	s10 =	sld [smem:$0x3FA0]  }
0x3d: {  	_ =	shalt  }
0x3e: {  	_ =	shalt  }
0x3f: {  	_ =	shalt  }
0x40: {  	_ =	shalt  }
0x41: {  	_ =	shalt  }
0x42: {  	_ =	shalt  }
0x43: {  	_ =	shalt  }
0x44: {  	_ =	shalt  }
0x45: {  	_ =	shalt  }
0x46: {  	_ =	shalt  }
0x47: {  	_ =	shalt  }
0x48: {  	_ =	shalt  }
0x49: {  	_ =	shalt  }
0x4a: {  	_ =	shalt  }
0x4b: {  	_ =	shalt  }
0x4c: {  	_ =	shalt  }
0x4d: {  	_ =	shalt  }
0x4e: {  	_ =	shalt  }
0x4f: {  	_ =	shalt  }
0x50: {  	_ =	shalt  }
0x51: {  	_ =	shalt  }
0x52: {  	_ =	shalt  }
0x53: {  	_ =	shalt  }
0x54: {  	_ =	shalt  }
0x55: {  	_ =	shalt  }
0x56: {  	_ =	shalt  }
0x57: {  	_ =	shalt  }
0x58: {  	_ =	shalt  }
0x59: {  	_ =	shalt  }
0x5a: {  	_ =	shalt  }
0x5b: {  	_ =	shalt  }
0x5c: {  	_ =	shalt  }
0x5d: {  	_ =	shalt  }
0x5e: {  	_ =	shalt  }
0x5f: {  	_ =	shalt  }
0x60: {  	_ =	shalt  }
0x61: {  	_ =	shalt  }
0x62: {  	_ =	shalt  }
0x63: {  	_ =	shalt  }
0x64: {  	_ =	shalt  }
0x65: {  	_ =	shalt  }
0x66: {  	_ =	shalt  }
0x67: {  	_ =	shalt  }
0x68: {  	_ =	shalt  }
0x69: {  	_ =	shalt  }
0x6a: {  	_ =	shalt  }
0x6b: {  	_ =	shalt  }
0x6c: {  	_ =	shalt  }
0x6d: {  	_ =	shalt  }
0x6e: {  	_ =	shalt  }
0x6f: {  	_ =	shalt  }
0x70: {  	_ =	shalt  }
0x71: {  	_ =	shalt  }
0x72: {  	_ =	shalt  }
0x73: {  	_ =	shalt  }
0x74: {  	_ =	shalt  }
0x75: {  	_ =	shalt  }
0x76: {  	_ =	shalt  }
0x77: {  	_ =	shalt  }
0x78: {  	_ =	shalt  }
0x79: {  	_ =	shalt  }
0x7a: {  	_ =	shalt  }
0x7b: {  	_ =	shalt  }
0x7c: {  	_ =	shalt  }
0x7d: {  	_ =	shalt  }
0x7e: {  	_ =	shalt  }
0x7f: {  	_ =	shalt  }
0x80: {  	_ =	shalt  }
0x81: {  	_ =	shalt  }
0x82: {  	_ =	shalt  }
0x83: {  	_ =	shalt  }
0x84: {  	_ =	shalt  }
0x85: {  	_ =	shalt  }
0x86: {  	_ =	shalt  }
0x87: {  	_ =	shalt  }
.Lfunc_end0:
.L_simem_size_0:
called_computation_lowered:
.L_overlay_start_0:
0x88: {  	s0 =	sld [smem:$0x3FD9]  }
0x89: {  	s1 =	sld [smem:$0x3FFE];
	_ =	sdelay $0x3  }
0x8a: {  	s0 =	sadd.s32 s1, s0  }
0x8b: {  	[smem:$0x3FAC] =	sst s0  }
0x8c: {  	_ = 	snop  }
0x8d: {  	(tm) =	ssettm $0x1  }
0x8e: {  	s15 =	sld [smem:$0x3FFB];
	_ =	sdelay $0x3  }
0x8f: {  	_ =	strace s15  }
0x90: {  	s0 =	sld [smem:$0x3FFC];
	_ =	sdelay $0x3  }
0x91: {  	_ =	strace s0  }
0x92: {  	s0 =	sld [smem:$0x3FFD];
	_ =	sdelay $0x3  }
0x93: {  	_ =	strace s0  }
0x94: {  	_ =	strace $0x8FFFFFFF  }
0x95: {  	s16 =	sld [smem:$0x3FDB];
	_ =	sdelay $0x1  }
0x96: {  	s17 =	simm.s32 $_scs_section_size  }
0x97: {  	s2 =	simm.s32 $_size__tile_overlayer_lowered;
	s3 =	simm.s32 $_tile_overlayer_lowered  }
0x98: {  	s20 =	simm.s32 $0x1BFF;
	s19 =	sshll.u32 s3, $0x1;
	s0 =	sadd.s32 s17, s16  }
0x99: {  	s4 =	simm.s32 $0x0;
	s18 =	sshll.u32 s2, $0x1;
	s2 =	sadd.s32 s19, s0  }
0x9a: {  	[timem:s4], [sflag:s20] =	dma.local [hbm:s2], s18  }
0x9b: {  	_ =	swait.ge [sflag:s20], s18  }
0x9c: {  	s1 =	ssub.s32 $0x0, s18;
	[sflag:s20] =	ssyncset.done $0x0  }
0x9d: {  	[sflag:s20] =	ssyncadd.s32 s1;
	_ =	sdelay $0x1  }
0x9e: {  	s21 =	simm.s32 $0x1B8B  }
0x9f: {  	_ =	swait.ge [sflag:s21], $0x1  }
0xa0: {  	[sflag:s21] =	ssyncset.done $0x0  }
0xa1: {  	s23 =	simm.s32 $0x1B8E;
	s22 =	sld [smem:$0x3FFE];
	[sflag:s21] =	ssyncadd.s32 $0xFFFFFFFF  }
0xa2: {  	s24 =	simm.s32 $execute0_lowered;
	[smem:$0x3FD2] =	sst s23  }
0xa3: {  	s2 =	sshll.u32 s24, $0x1;
	_ =	strace $0x80000046;
	[dreg:$0x1] =	wrdreg $0xFFFFFFFF  }
0xa4: {  	s25 =	simm.s32 $_size_execute0_lowered;
	s0 =	sadd.s32 s0, s2;
	[dreg:$0x0] =	wrdreg $0x0  }
0xa5: {  	s2 =	sshll.u32 s25, $0x1;
	[dreg:$0x2] =	wrdreg s0  }
0xa6: {  	[dreg:$0x3] =	wrdreg s2  }
0xa7: {  	[dreg:$0x4] =	wrdreg $0xC0  }
0xa8: {  	_ =	task [dreg:s4], $0x5FFFF  }
0xa9: {  	[dreg:$0x1] =	wrdreg $0xFFFFFFFF  }
0xaa: {  	[dreg:$0x0] =	wrdreg $0x60  }
0xab: {  	[dreg:$0x2] =	wrdreg s22  }
0xac: {  	[dreg:$0x3] =	wrdreg $0x9  }
0xad: {  	_ =	task.clear_ibuf [dreg:s4], $0x4FFFF;
	_ =	strace $0x90000046  }
0xae: {  	s26 =	simm.s32 $0x9;
	_ =	strace $0x80000048  }
0xaf: {  	_ =	swait.ge [sflag:s26], $0x1  }
0xb0: {  	[sflag:s26] =	ssyncadd.s32 $0xFFFFFFFF  }
0xb1: {  	_ =	strace $0x90000048  }
0xb2: {  	_ =	sfence  }
0xb3: {  	s28 =	sld [smem:$0x0];
	_ =	sdelay $0x1  }
0xb4: {  	s29 =	srdreg.scid  }
0xb5: {  	s30 =	sshll.u32 s29, $0xD;
	s31 =	sshrl.u32 s29, $0x2  }
0xb6: {  	s1 =	sand.u32 $0x1, s29;
	s2 =	sand.u32 $0x4000, s30;
	s0 =	sadd.s32 s31, s28  }
0xb7: {  	s1 =	sor.u32 s2, s1;
	s0 =	sshll.u32 s0, $0x11  }
0xb8: {  	s0 =	sor.u32 s0, s1  }
0xb9: {  	s0 =	sadd.s32 $0x8F2B, s0  }
0xba: {  	[sflag:s0] =	ssyncadd.remote.s32 $0x1  }
0xbb: {  	_ =	sfence.sel $0xFFFF  }
0xbc: {  	[dreg:$0x0] =	wrdreg $0xFFFFFFFF;
	(pc) =	sbr.abs _section_cstart, $3  }
0xbd: {  	[dreg:$0x1] =	wrdreg $0xFFFFFFFF  }
0xbe: {  	_ =	task.clear_ibuf [dreg:s4], $0x2FFFF;
	_ =	strace $0x9FFFFFFF  }
0xbf: {  	(tm) =	ssettm $0x7FFFFFFF  }
tec
execute0_lowered:
.L_overlay_start_1:
0x0: {  	(tag) =	ssettag $0x1  }
0x1: {  	s7 =	rddreg [dreg:$0x0]  }
0x2: {  	s0 =	rddreg [dreg:$0x1]  }
0x3: {  	_ =	strace $0x80000047;
	s3 =	stileid.u32;
	s4 =	simm.s32 $0x3E  }
0x4: {  	s1 =	sadd.s32 $0xC6C00, s7;
	p0 =	sne.s32 s3, $0x0;
	[sflag:s4] =	ssyncpa.u1 $0x0  }
0x5: {  	s30 =	smin.u32 s3, $0x9;
	s2 =	simm.s32 @!p0 $0x1C3E;
	s5 =	simm.s32 @!p0 $0x0  }
0x6: {  	[spmem:s5], [sflag:s2] =	dma.local @!p0 [hbm:s1], $0xC80  }
0x7: {  	s2 =	sadd.s32 s3, s30  }
0x8: {  	p1 =	slt.u32 s3, $0x9;
	s3 =	simm.s32 $0xFA0;
	s2 =	smul.u32 $0x7D0, s2  }
0x9: {  	s3 =	simm.s32 @!p1 $0x7D0  }
0xa: {  	s3 =	sadd.s32 s3, s2  }
0xb: {  	s3 =	smin.u32 s3, $0xC350  }
0xc: {  	s8 =	ssub.s32 s3, s2  }
0xd: {  	p1 =	sgt.s32 s8, $0x0  }
0xe: {  	s8 =	simm.s32 @!p1 $0x0  }
0xf: {  	s6 =	sand.u32 $0xFFF0, s8  }
0x10: {  	s5 =	simm.s32 @!p0 $0x3E;
	s6 =	sshrl.u32 s6, $0x4  }
0x11: {  	_ =	swait.ge @!p0 [sflag:s5], $0xC80;
	s31 =	smul.u32 $0x1063, s6  }
0x12: {  	[sflag:s5] =	ssyncset.done @!p0 $0x0  }
0x13: {  	[sflag:s5] =	ssyncadd.s32 @!p0 $0xFFFFF380;
	s9 =	sshrl.u32 s31, $0x13  }
0x14: {  	s11 =	simm.s32 $0x0;
	[bflag:$0x0] =	sbarrier.arrive $0xFFFF;
	s10 =	smul.u32 $0x7D0, s9  }
.Ltmp0:
0x15: {  	[sflag:s4] =	ssyncpa.u1 $0x1;
	s4 =	simm.s32 $0x1;
	(pc) =	sbr.rel .LBB2_1-.Ltmp0, $4  }
0x16: {  	s5 =	sadd.s32 $0xC5200, s7;
	s7 =	sadd.s32 $0xC7A00, s7;
	[sflag:s4] =	ssyncpa.u1 $0x0  }
0x17: {  	s6 =	simm.s32 $0x2;
	p1 =	sne.s32 s8, s10;
	s8 =	simm.s32 $0x1  }
0x18: {  	(ifvalue) =	ssetifvalue $0x6400;
	[sflag:s6] =	ssyncpa.u1 $0x0;
	s8 =	simm.s32 @!p1 $0x0  }
0x19: {  	vm0 =	vmmov $0xffff;
	s10 =	smov.u32 s2;
	s8 =	sadd.s32 s9, s8;
	s9 =	simm.s32 $0x0  }
.LBB2_5:
0x1a: {  	p2 =	sne.s32 s11, s8  }
.Ltmp1:
0x1b: {  	_ = 	snop;
	(pc) =	sbr.rel @!p2 .LBB2_6-.Ltmp1, $4  }
0x1c: {  	_ = 	snop  }
0x1d: {  	s12 =	sadd.s32 $0x7D0, s10  }
0x1e: {  	s10 =	smov.u32 s2;
	s13 =	sadd.s32 $0x1, s11;
	p1 =	slt.s32 s12, s3  }
0x1f: {  	s11 =	smov.u32 s13;
	s10 =	smov.u32 @p1 s12  }
.LBB2_1:
0x20: {  	p1 =	sge.u32 s11, s8  }
0x21: {  	s12 =	sxor.u32 @!p1 $0xFFFFFFFF, s11  }
0x22: {  	s12 =	sand.u32 @!p1 $0x1, s12  }
0x23: {  	s12 =	smul.u32 @!p1 $0x7D0, s12  }
0x24: {  	s13 =	sshrl.u32 @!p1 s10, $0x3  }
0x25: {  	s16 =	sand.u32 @!p1 $0x7, s10;
	s14 =	sadd.s32 @!p1 s5, s13;
	s15 =	sadd.s32 @!p1 $0x640, s12  }
0x26: {  	[tilespmem:s15], [sflag:$0x2] =	stream.linear.gather @!p1 [hbm4b:s14+s16], $0x7D0, $0x38;
	[tilespmem:$0x2580] =	vst v63  }
0x27: {  	s13 =	sadd.s32 @!p1 s7, s13;
	s12 =	sadd.s32 @!p1 $0x15E0, s12  }
0x28: {  	[tilespmem:s12], [sflag:$0x2] =	stream.linear.gather @!p1 [hbm4b:s13+s16], $0x7D0, $0x38;
	[tilespmem:$0x2580] =	vst v63  }
0x29: {  	p1 =	seq.s32 s11, $0x0  }
.Ltmp2:
0x2a: {  	_ = 	snop;
	(pc) =	sbr.rel @p1 .LBB2_5-.Ltmp2, $1  }
0x2b: {  	_ =	sdelay $0x3  }
0x2c: {  	s12 =	sand.u32 $0x1, s11  }
0x2d: {  	_ =	swait.ge [sflag:s6], $0xFA0;
	p1 =	seq.s32 s12, $0x1;
	s12 =	simm.s32 $0x7D0  }
0x2e: {  	[sflag:s6] =	ssyncset.done $0x0;
	s12 =	simm.s32 @!p1 $0x0  }
0x2f: {  	[sflag:s6] =	ssyncadd.s32 $0xFFFFF060;
	s14 =	sadd.s32 $0x640, s12  }
0x30: {  	v0 =	vld.msk [tilespmem:s14+$0x0 ss:$0x1], $0xffff;
	_ =	sdelay $0x4  }
0x31: {  	v0 =	vmin.u32 v0, $0x6400;
	_ =	sdelay $0x3  }
0x32: {  	s13 =	simm.s32 $0x0;
	s12 =	sadd.s32 $0x15E0, s12;
	s14 =	sadd.s32 $0x10, s14  }
0x33: {  	[spmem:s9] =	stream.indirect_vreg.scatter.add.s32 [tilespmem:s12], [sflag:$0x1], $0x1, v0, vm0, $0x4038;
	[tilespmem:$0x2580] =	vst v63  }
.LBB2_3:
0x34: {  	v0 =	vld.msk [tilespmem:s14+$0x0 ss:$0x1], $0xffff;
	s13 =	sadd.s32 $0x10, s13  }
0x35: {  	p1 =	slt.u32 s13, $0x7C0;
	_ =	sdelay $0x4  }
0x36: {  	v0 =	vmin.u32 v0, $0x6400  }
.Ltmp3:
0x37: {  	(pc) =	sbr.rel @p1 .LBB2_3-.Ltmp3, $3  }
0x38: {  	_ =	sdelay $0x1  }
0x39: {  	s14 =	sadd.s32 $0x10, s14;
	s12 =	sadd.s32 $0x10, s12  }
0x3a: {  	[spmem:s9] =	stream.indirect_vreg.scatter.add.s32 [tilespmem:s12], [sflag:$0x1], $0x1, v0, vm0, $0x4038;
	[tilespmem:$0x2580] =	vst v63  }
.Ltmp4:
0x3b: {  	(pc) =	sbr.rel .LBB2_5-.Ltmp4, $4  }
0x3c: {  	_ = 	snop  }
0x3d: {  	_ =	swait.ge [sflag:s4], $0x7D0  }
0x3e: {  	[sflag:s4] =	ssyncset.done $0x0  }
0x3f: {  	[sflag:s4] =	ssyncadd.s32 $0xFFFFF830  }
.LBB2_6:
0x40: {  	_ =	sfence.sel $0x180000  }
0x41: {  	s2 =	simm.s32 $0x2;
	[bflag:$0x0] =	sbarrier.arrive $0xFFFF  }
0x42: {  	s30 =	simm.s32 $0x1;
	[sflag:s2] =	ssyncpa.u1 $0x1  }
0x43: {  	[sflag:s30] =	ssyncpa.u1 $0x1  }
0x44: {  	_ =	sfence.stream.spmem  }
0x45: {  	s31 =	simm.s32 $0x3D;
	[bflag:$0x0] =	sbarrier.arrive $0xFFFF  }
0x46: {  	s2 =	simm.s32 @p0 $0x3D;
	[sflag:s31] =	ssyncpa.u1 $0x0  }
0x47: {  	[sflag:s2] =	ssyncpa.u1 @p0 $0x1  }
0x48: {  	[bflag:$0x0] =	sbarrier.arrive @p0 $0xFFFF  }
0x49: {  	_ =	strace @p0 $0x90000047  }
0x4a: {  	s3 =	simm.s32 @!p0 $0x1C3D;
	s2 =	simm.s32 @!p0 $0x0;
	[bflag:$0x2] =	sbarrier.arrive @p0 $0xFFFF  }
0x4b: {  	[hbm:s1], [sflag:s3] =	dma.local @!p0 [spmem:s2], $0xC80  }
0x4c: {  	s1 =	simm.s32 @!p0 $0x3D  }
0x4d: {  	_ =	swait.ge @!p0 [sflag:s1], $0xC80  }
0x4e: {  	[sflag:s1] =	ssyncset.done @!p0 $0x0  }
0x4f: {  	[sflag:s1] =	ssyncadd.s32 @!p0 $0xFFFFF380  }
0x50: {  	[sflag:s1] =	ssyncpa.u1 @!p0 $0x1  }
0x51: {  	[bflag:$0x0] =	sbarrier.arrive @!p0 $0xFFFF  }
0x52: {  	_ =	strace @!p0 $0x90000047  }
0x53: {  	s0 =	sadd.s32 @!p0 $0x100000, s0;
	[bflag:$0x2] =	sbarrier.arrive @!p0 $0xFFFF  }
0x54: {  	[sflag:s0] =	ssyncadd.tile.s32 @!p0 $0x1;
	_ =	shalt  }
.Lfunc_end2:
_tile_overlayer_lowered:
.L_overlay_start_2:
0x55: {  	(tag) =	ssettag $0x2  }
0x56: {  	s0 =	rddreg [dreg:$0x0];
	s2 =	stileid.u32  }
0x57: {  	s1 =	rddreg [dreg:$0x1];
	p0 =	sne.s32 s2, $0x0  }
0x58: {  	s3 =	rddreg [dreg:$0x2];
	[bflag:$0x3] =	sbarrier.arrive $0xFFFF;
	s2 =	simm.s32 @!p0 $0x1C01  }
0x59: {  	[timem:s3], [sflag:s2] =	dma.local @!p0 [hbm:s0], s1  }
0x5a: {  	s0 =	simm.s32 @!p0 $0x1  }
0x5b: {  	_ =	swait.ge @!p0 [sflag:s0], s1  }
0x5c: {  	s1 =	ssub.s32 @!p0 $0x0, s1;
	[sflag:s0] =	ssyncset.done @!p0 $0x0  }
0x5d: {  	[sflag:s0] =	ssyncadd.s32 @!p0 s1  }
0x5e: {  	[bflag:$0x3] =	sbarrier.arrive $0xFFFF  }
0x5f: {  	_ =	shalt  }

</sc_bundles>
